<compile_context>
chip_gen: v7x
topology: tpu7x:2x2x1
jax: 0.10.2.dev20260603
libtpu: 0.0.44.dev20260713+nightly
codegen_flags: <defaults>
</compile_context>

<pallas_src>
import functools

import jax
import jax.numpy as jnp
from jax import lax
from jax.experimental import pallas as pl
from jax.experimental.pallas import tpu as pltpu
from jax.experimental.pallas import tpu_sc as plsc

L = 16
_B, _N, _S, _K = 4, 16384, 512, 16
_NCHUNK = _N // L
_MAX_IT = 64
_NW = 32
_SPW = (_B * _S) // _NW


def _vperm(v, idx):
    return v.at[idx].get(mode="promise_in_bounds")


def _vbcast(v, j):
    return _vperm(v, jnp.full((L,), j, dtype=jnp.int32))


def _as_scalar(v):
    return jnp.max(v) if getattr(v, "ndim", 0) else v


def _lane_sum_strided(v, iota):
    for h in (8, 4, 2, 1):
        v = v + _vperm(v, (iota + h) & (L - 1))
    return _vbcast(v, 0)


def _walk_body(pc_hbm, ctr_hbm, idx_hbm,
               pts_hbm, oidx_hbm, nbr_hbm, oit_hbm,
               pcx, pcy, pcz, ctx_, cty, ctz, idx_v,
               ptsx, ptsy, ptsz, oidx_v, nbr_v, oit_v, sem):
    cid = lax.axis_index("c")
    sid = lax.axis_index("s")
    wid = sid * 2 + cid
    b = wid // 8
    sb = (wid % 8) * _SPW

    pltpu.sync_copy(pc_hbm.at[pl.ds((b * 3 + 0) * _N, _N)], pcx)
    pltpu.sync_copy(pc_hbm.at[pl.ds((b * 3 + 1) * _N, _N)], pcy)
    pltpu.sync_copy(pc_hbm.at[pl.ds((b * 3 + 2) * _N, _N)], pcz)
    pltpu.sync_copy(ctr_hbm.at[pl.ds((b * 3 + 0) * _S, _S)], ctx_)
    pltpu.sync_copy(ctr_hbm.at[pl.ds((b * 3 + 1) * _S, _S)], cty)
    pltpu.sync_copy(ctr_hbm.at[pl.ds((b * 3 + 2) * _S, _S)], ctz)
    pltpu.sync_copy(idx_hbm.at[pl.ds(b * _S, _S)], idx_v)

    iota = jnp.arange(L, dtype=jnp.int32)
    lane0 = iota == 0

    def _sload(ref, i):
        return plsc.load_gather(ref, [jnp.full((L,), i, jnp.int32)])[0]

    def _sstore(ref, i, val):
        plsc.store_scatter(ref, [jnp.full((L,), i, jnp.int32)],
                           jnp.full((L,), val), mask=lane0)

    def dist_chunk(qxs, qys, qzs, base):
        px = pcx[pl.ds(base, L)]
        py = pcy[pl.ds(base, L)]
        pz = pcz[pl.ds(base, L)]
        dx = qxs - px
        dy = qys - py
        dz = qzs - pz
        return (dx * dx + dy * dy) + dz * dz

    def _fast_scalar(v):
        return v[0] if getattr(v, "ndim", 0) else v

    def _merge_chunk(d2c, base, carry):
        td, ti, tau = carry
        hit = _fast_scalar(plsc.all_reduce_population_count(d2c < tau)) > 0

        def merge(args):
            td, ti, _ = args
            kc, vc = plsc.sort_key_val(d2c, base + iota)
            rk = jnp.flip(kc)
            rv = jnp.flip(vc)
            m = td <= rk
            nd, ni = plsc.sort_key_val(jnp.where(m, td, rk),
                                       jnp.where(m, ti, rv))
            return nd, ni, _vbcast(nd, L - 1)

        return lax.cond(hit, merge, lambda a: a, (td, ti, tau))

    _GRP = 4

    _NS = 1

    def _load_slot(s):
        ss = jnp.minimum(s, _SPW - 1)
        return (_sload(ctx_, sb + ss), _sload(cty, sb + ss),
                _sload(ctz, sb + ss), _sload(idx_v, sb + ss))

    def w_cond(st):
        _, streams = st
        alive = streams[0][0]
        for k in range(1, _NS):
            alive = alive + streams[k][0]
        return alive > 0

    def w_body(st):
        nc, streams = st
        qs = [(jnp.full((L,), s[3]), jnp.full((L,), s[4]),
               jnp.full((L,), s[5])) for s in streams]

        _SEED = 16
        tops = []
        for k in range(_NS):
            d0 = dist_chunk(*qs[k], 0)
            td, ti = plsc.sort_key_val(d0, iota)
            tk = (td, ti, _vbcast(td, L - 1))

            def seed(c, tk, k=k):
                return _merge_chunk(dist_chunk(*qs[k], c * L), c * L, tk)

            tk = lax.fori_loop(1, _SEED, seed, tk)
            tops.append(tk)
        tops = tuple(tops)

        def group(g, tops):
            base = g * (_GRP * L)
            d2s = [[dist_chunk(*qs[k], base + c * L) for c in range(_GRP)]
                   for k in range(_NS)]
            anyhit = None
            for k in range(_NS):
                mns = list(d2s[k])
                while len(mns) > 1:
                    mns = [jnp.minimum(mns[2 * i], mns[2 * i + 1])
                           for i in range(len(mns) // 2)]
                hm = mns[0] < tops[k][2]
                anyhit = hm if anyhit is None else (anyhit | hm)
            ghit = _fast_scalar(plsc.all_reduce_population_count(anyhit)) > 0

            def do_merges(tops):
                out = []
                for k in range(_NS):
                    tk = tops[k]
                    for c in range(_GRP):
                        tk = _merge_chunk(d2s[k][c], base + c * L, tk)
                    out.append(tk)
                return tuple(out)

            return lax.cond(ghit, do_merges, lambda a: a, tops)

        tops = plsc.parallel_loop(_SEED // _GRP, _NCHUNK // _GRP, unroll=8,
                                  carry=tops)(group)

        new_streams = []
        for k in range(_NS):
            alive, s_id, it, qx, qy, qz, si = streams[k]
            td, ti = tops[k][0], tops[k][1]

            nx = plsc.load_gather(pcx, [ti])
            ny = plsc.load_gather(pcy, [ti])
            nz = plsc.load_gather(pcz, [ti])
            cx = _lane_sum_strided(nx, iota) * jnp.float32(0.0625)
            cy = _lane_sum_strided(ny, iota) * jnp.float32(0.0625)
            cz = _lane_sum_strided(nz, iota) * jnp.float32(0.0625)
            ex = nx - cx
            ey = ny - cy
            ez = nz - cz
            cd2 = (ex * ex + ey * ey) + ez * ez

            c0 = _vbcast(cd2, 0)
            r0 = _fast_scalar(plsc.all_reduce_population_count(cd2 < c0))
            accept = jnp.logical_and(
                jnp.logical_or(r0 <= 4, it >= _MAX_IT), alive > 0)

            @pl.when(accept)
            def _(s_id=s_id, it=it, qx=qx, qy=qy, qz=qz, si=si, ti=ti):
                _sstore(ptsx, s_id, qx)
                _sstore(ptsy, s_id, qy)
                _sstore(ptsz, s_id, qz)
                _sstore(oidx_v, s_id, si)
                _sstore(oit_v, s_id, it)
                plsc.store_scatter(nbr_v, [s_id * _K + iota], ti)

            mn = jnp.min(cd2)
            jv = plsc.all_reduce_ffs(cd2 == jnp.full((L,), mn))
            jfull = jv if getattr(jv, "ndim", 0) == 1 else jnp.full((L,), jv)
            si_n = _vperm(ti, jfull)[0]
            qx_n = _sload(pcx, si_n)
            qy_n = _sload(pcy, si_n)
            qz_n = _sload(pcz, si_n)

            has = nc < _SPW
            qx_p, qy_p, qz_p, si_p = _load_slot(nc)
            pull = jnp.logical_and(accept, has)
            alive_n = jnp.where(alive > 0,
                                jnp.where(accept, pull.astype(jnp.int32),
                                          jnp.int32(1)),
                                jnp.int32(0))
            s_n = jnp.where(pull, nc, s_id)
            it_n = jnp.where(accept, jnp.int32(0), it + 1)
            new_streams.append((
                alive_n, s_n, it_n,
                jnp.where(accept, qx_p, qx_n),
                jnp.where(accept, qy_p, qy_n),
                jnp.where(accept, qz_p, qz_n),
                jnp.where(accept, si_p, si_n)))
            nc = nc + pull.astype(jnp.int32)

        return (nc, tuple(new_streams))

    init_streams = []
    for k in range(_NS):
        qx0, qy0, qz0, si0 = _load_slot(jnp.int32(k))
        init_streams.append((jnp.int32(1), jnp.int32(k), jnp.int32(0),
                             qx0, qy0, qz0, si0))
    lax.while_loop(w_cond, w_body, (jnp.int32(_NS), tuple(init_streams)))

    pltpu.sync_copy(ptsx, pts_hbm.at[pl.ds((b * 3 + 0) * _S + sb, _SPW)])
    pltpu.sync_copy(ptsy, pts_hbm.at[pl.ds((b * 3 + 1) * _S + sb, _SPW)])
    pltpu.sync_copy(ptsz, pts_hbm.at[pl.ds((b * 3 + 2) * _S + sb, _SPW)])
    pltpu.sync_copy(oidx_v, oidx_hbm.at[pl.ds(b * _S + sb, _SPW)])
    pltpu.sync_copy(nbr_v, nbr_hbm.at[pl.ds((b * _S + sb) * _K, _SPW * _K)])
    pltpu.sync_copy(oit_v, oit_hbm.at[pl.ds(b * _S + sb, _SPW)])


def kernel(xyz, center, idx):
    B, N, _ = xyz.shape
    S = center.shape[1]
    pc_t = jnp.transpose(xyz, (0, 2, 1)).reshape(-1)
    ctr_t = jnp.transpose(center, (0, 2, 1)).reshape(-1)
    idx_f = idx.reshape(-1)

    mesh = plsc.VectorSubcoreMesh(core_axis_name="c", subcore_axis_name="s")
    walk = functools.partial(
        pl.kernel,
        mesh=mesh,
        compiler_params=pltpu.CompilerParams(needs_layout_passes=False),
        out_type=(
            jax.ShapeDtypeStruct((B * 3 * S,), jnp.float32),
            jax.ShapeDtypeStruct((B * S,), jnp.int32),
            jax.ShapeDtypeStruct((B * S * _K,), jnp.int32),
            jax.ShapeDtypeStruct((B * S,), jnp.int32),
        ),
        scratch_types=[
            pltpu.VMEM((N,), jnp.float32),
            pltpu.VMEM((N,), jnp.float32),
            pltpu.VMEM((N,), jnp.float32),
            pltpu.VMEM((S,), jnp.float32),
            pltpu.VMEM((S,), jnp.float32),
            pltpu.VMEM((S,), jnp.float32),
            pltpu.VMEM((S,), jnp.int32),
            pltpu.VMEM((_SPW,), jnp.float32),
            pltpu.VMEM((_SPW,), jnp.float32),
            pltpu.VMEM((_SPW,), jnp.float32),
            pltpu.VMEM((_SPW,), jnp.int32),
            pltpu.VMEM((_SPW * _K,), jnp.int32),
            pltpu.VMEM((_SPW,), jnp.int32),
            pltpu.SemaphoreType.DMA,
        ],
    )(_walk_body)

    pts_f, oidx, nbr, oit = walk(pc_t, ctr_t, idx_f)

    pts = jnp.transpose(pts_f.reshape(B, 3, S), (0, 2, 1))
    oit = oit.reshape(B, S)
    order = jnp.argsort(oit, axis=1, stable=True)
    C = jnp.take_along_axis(pts, order[:, :, None], axis=1)
    I1 = jnp.take_along_axis(oidx.reshape(B, S), order, axis=1)
    I2 = jnp.take_along_axis(nbr.reshape(B, S, _K), order[:, :, None], axis=1)
    return (C, I1, I2)

# --- scband reference (transcript-rebuilt; emitter-appended) ---
"""Pipeline reference for scband-knn-check-68582037783103 (READ-ONLY COPY).

The authoritative reference and input builder live on the scoring server;
editing this copy changes nothing except your own understanding.
"""

import jax, jax.numpy as jnp
import numpy as np

K = 16
MAX_ITERS = 64


def setup_inputs(seed: int = 0) -> dict:
    key = jax.random.key(seed)
    k1, k2, k3 = jax.random.split(key, 3)
    B, N, S = 4, 16384, 512
    xyz = jax.random.normal(k1, (B, N, 3), dtype=jnp.float32)
    center = jax.random.normal(k2, (B, S, 3), dtype=jnp.float32)
    idx = jax.random.randint(k3, (B, S), 0, N, dtype=jnp.int32)
    return {"xyz": xyz, "center": center, "idx": idx}


def reference(xyz, center, idx):
    # Faithful port of KNN_CHECK.forward. sklearn KNeighborsRegressor.kneighbors
    # is replaced by an exact brute-force kNN: pairwise squared distances +
    # top_k of negated distances (ascending order). The original shrinking
    # while-loop is expressed with fixed-shape per-slot state: every slot is
    # accepted exactly once within MAX_ITERS+1 iterations (guaranteed by the
    # safety cap), and the concatenation order is iteration-major with slot
    # order preserved within an iteration, recovered via a stable argsort on
    # the acceptance iteration.
    assert xyz.shape[0] == center.shape[0]
    B = xyz.shape[0]
    S = center.shape[1]
    C, I1, I2 = [], [], []
    for bi in range(B):
        point_cloud = xyz[bi]
        sample_points0 = center[bi]
        sample_idx0 = idx[bi]

        def body(it, state):
            (sample_points, sample_idx, active,
             acc_iter, acc_points, acc_idx, acc_indices) = state
            # kNN query: indices of K nearest points in point_cloud for each sample
            d2 = jnp.sum((sample_points[:, None, :] - point_cloud[None, :, :]) ** 2, axis=-1)
            _, indices = jax.lax.top_k(-d2, K)  # [S, K], ascending by distance
            neighborhood = point_cloud[indices, :]  # [S, K, 3]
            group_centers = jnp.mean(neighborhood, axis=1)  # [S, 3]
            centers_distances = jnp.linalg.norm(neighborhood - group_centers[:, None, :], axis=2)  # [S, K]
            _, top_indices = jax.lax.top_k(-centers_distances, 5)  # 5 smallest, ascending
            center_in_top = jnp.any(top_indices == 0, axis=1)
            # safety cap (not in original, which can in principle cycle):
            # force-accept all remaining samples to guarantee termination
            center_in_top = jnp.logical_or(center_in_top, it >= MAX_ITERS)
            accept_now = jnp.logical_and(active, center_in_top)
            acc_iter = jnp.where(accept_now, it, acc_iter)
            acc_points = jnp.where(accept_now[:, None], sample_points, acc_points)
            acc_idx = jnp.where(accept_now, sample_idx, acc_idx)
            acc_indices = jnp.where(accept_now[:, None], indices, acc_indices)
            remaining = jnp.logical_and(active, jnp.logical_not(center_in_top))
            new_center_idx = top_indices[:, 0]
            new_sample_idx = indices[jnp.arange(S), new_center_idx]
            sample_idx = jnp.where(remaining, new_sample_idx, sample_idx)
            sample_points = jnp.where(remaining[:, None],
                                      point_cloud[new_sample_idx, :], sample_points)
            active = remaining
            return (sample_points, sample_idx, active,
                    acc_iter, acc_points, acc_idx, acc_indices)

        init = (
            sample_points0,
            sample_idx0,
            jnp.ones((S,), dtype=bool),
            jnp.full((S,), MAX_ITERS + 1, dtype=jnp.int32),
            jnp.zeros((S, 3), dtype=point_cloud.dtype),
            jnp.zeros((S,), dtype=sample_idx0.dtype),
            jnp.zeros((S, K), dtype=jnp.int32),
        )
        state = jax.lax.fori_loop(0, MAX_ITERS + 1, body, init)
        _, _, _, acc_iter, acc_points, acc_idx, acc_indices = state
        order = jnp.argsort(acc_iter, stable=True)
        C.append(acc_points[order])
        I1.append(acc_idx[order])
        I2.append(acc_indices[order])
    C = jnp.stack(C, axis=0)
    I1 = jnp.stack(I1, axis=0)
    I2 = jnp.stack(I2, axis=0)
    return (C, I1, I2)

if __name__ == "__main__":
    import jax
    _d = setup_inputs()
    print(jax.jit(kernel)(*tuple(_d.values())))

</pallas_src>

<mosaic_0001>
#map = affine_map<(d0, d1) -> (0)>
module attributes {stable_mosaic.version = 14 : i64} {
  func.func @_walk_body(%arg0: i32, %arg1: i32, %arg2: memref<196608xf32, #tpu.memory_space<hbm>>, %arg3: memref<6144xf32, #tpu.memory_space<hbm>>, %arg4: memref<2048xi32, #tpu.memory_space<hbm>>, %arg5: memref<6144xf32, #tpu.memory_space<hbm>>, %arg6: memref<2048xi32, #tpu.memory_space<hbm>>, %arg7: memref<32768xi32, #tpu.memory_space<hbm>>, %arg8: memref<2048xi32, #tpu.memory_space<hbm>>, %arg9: memref<16384xf32, #tpu.memory_space<vmem>>, %arg10: memref<16384xf32, #tpu.memory_space<vmem>>, %arg11: memref<16384xf32, #tpu.memory_space<vmem>>, %arg12: memref<512xf32, #tpu.memory_space<vmem>>, %arg13: memref<512xf32, #tpu.memory_space<vmem>>, %arg14: memref<512xf32, #tpu.memory_space<vmem>>, %arg15: memref<512xi32, #tpu.memory_space<vmem>>, %arg16: memref<64xf32, #tpu.memory_space<vmem>>, %arg17: memref<64xf32, #tpu.memory_space<vmem>>, %arg18: memref<64xf32, #tpu.memory_space<vmem>>, %arg19: memref<64xi32, #tpu.memory_space<vmem>>, %arg20: memref<1024xi32, #tpu.memory_space<vmem>>, %arg21: memref<64xi32, #tpu.memory_space<vmem>>, %arg22: memref<!tpu.dma_semaphore, #tpu.memory_space<semaphore_mem>>) attributes {dimension_semantics = [#tpu.dimension_semantics<core_parallel>, #tpu.dimension_semantics<subcore_parallel>], iteration_bounds = array<i64: 2, 16>, scalar_prefetch = 0 : i64, scratch_operands = 14 : i64, tpu.core_type = #tpu.core_type<sc_vector_subcore>, window_params = [{transform_indices = #map}, {transform_indices = #map}, {transform_indices = #map}, {transform_indices = #map}, {transform_indices = #map}, {transform_indices = #map}, {transform_indices = #map}]} {
    %mul3A = arith.constant 2 : i32
    %mul3A_0 = arith.muli %arg1, %mul3A : i32
    %add3A = arith.addi %mul3A_0, %arg0 : i32
    %jit3A = arith.constant 8 : i32
    %div3A = arith.divsi %add3A, %jit3A : i32
    %sign3A = arith.constant 0 : i32
    %sign3A_1 = arith.cmpi sgt, %add3A, %sign3A : i32
    %sign3A_2 = arith.extui %sign3A_1 : i1 to i32
    %sign3A_3 = arith.constant 0 : i32
    %sign3A_4 = arith.cmpi slt, %add3A, %sign3A_3 : i32
    %sign3A_5 = arith.extui %sign3A_4 : i1 to i32
    %sign3A_6 = arith.subi %sign3A_2, %sign3A_5 : i32
    %sign3A_7 = arith.constant 0 : i32
    %sign3A_8 = arith.cmpi sgt, %jit3A, %sign3A_7 : i32
    %sign3A_9 = arith.extui %sign3A_8 : i1 to i32
    %sign3A_10 = arith.constant 0 : i32
    %sign3A_11 = arith.cmpi slt, %jit3A, %sign3A_10 : i32
    %sign3A_12 = arith.extui %sign3A_11 : i1 to i32
    %sign3A_13 = arith.subi %sign3A_9, %sign3A_12 : i32
    %ne3A = arith.cmpi ne, %sign3A_6, %sign3A_13 : i32
    %rem3A = arith.remsi %add3A, %jit3A : i32
    %ne3A_14 = arith.constant 0 : i32
    %ne3A_15 = arith.cmpi ne, %rem3A, %ne3A_14 : i32
    %and3A = arith.andi %ne3A, %ne3A_15 : i1
    %sub3A = arith.constant 1 : i32
    %sub3A_16 = arith.subi %div3A, %sub3A : i32
    %select_n3A = arith.select %and3A, %sub3A_16, %div3A : i32
    %jit3A_17 = arith.constant 8 : i32
    %eq3A = arith.constant 0 : i32
    %eq3A_18 = arith.cmpi eq, %jit3A_17, %eq3A : i32
    %jit3A_19 = arith.constant 1 : i32
    %select_n3A_20 = arith.select %eq3A_18, %jit3A_19, %jit3A_17 : i32
    %rem3A_21 = arith.remsi %add3A, %select_n3A_20 : i32
    %ne3A_22 = arith.constant 0 : i32
    %ne3A_23 = arith.cmpi ne, %rem3A_21, %ne3A_22 : i32
    %lt3A = arith.constant 0 : i32
    %lt3A_24 = arith.cmpi slt, %rem3A_21, %lt3A : i32
    %lt3A_25 = arith.constant 0 : i32
    %lt3A_26 = arith.cmpi slt, %select_n3A_20, %lt3A_25 : i32
    %ne3A_27 = arith.xori %lt3A_24, %lt3A_26 : i1
    %and3A_28 = arith.andi %ne3A_27, %ne3A_23 : i1
    %add3A_29 = arith.addi %rem3A_21, %select_n3A_20 : i32
    %select_n3A_30 = arith.select %and3A_28, %add3A_29, %rem3A_21 : i32
    %mul3A_31 = arith.constant 64 : i32
    %mul3A_32 = arith.muli %select_n3A_30, %mul3A_31 : i32
    %mul3A_33 = arith.constant 3 : i32
    %mul3A_34 = arith.muli %select_n3A, %mul3A_33 : i32
    %add3A_35 = arith.constant 0 : i32
    %add3A_36 = arith.addi %mul3A_34, %add3A_35 : i32
    %mul3A_37 = arith.constant 16384 : i32
    %mul3A_38 = arith.muli %add3A_36, %mul3A_37 : i32
    "tpu.region"() ({
      %run_scoped3A = tpu.sem_alloc : memref<!tpu.dma_semaphore, #tpu.memory_space<semaphore_mem>>
      %dma_start3A = tpu.memref_slice %arg2[%mul3A_38] : memref<196608xf32, #tpu.memory_space<hbm>> -> memref<16384xf32, #tpu.memory_space<hbm>>
      %dma_start3A_128 = tpu.memref_slice %arg2[%mul3A_38] : memref<196608xf32, #tpu.memory_space<hbm>> -> memref<16384xf32, #tpu.memory_space<hbm>>
      tpu.enqueue_dma source(%dma_start3A_128 : memref<16384xf32, #tpu.memory_space<hbm>>) target(%arg9 : memref<16384xf32, #tpu.memory_space<vmem>>) target_semaphore(%run_scoped3A : memref<!tpu.dma_semaphore, #tpu.memory_space<semaphore_mem>>)
      %dma_wait3A = tpu.memref_slice %arg2[%mul3A_38] : memref<196608xf32, #tpu.memory_space<hbm>> -> memref<16384xf32, #tpu.memory_space<hbm>>
      %dma_wait3A_129 = tpu.memref_slice %arg2[%mul3A_38] : memref<196608xf32, #tpu.memory_space<hbm>> -> memref<16384xf32, #tpu.memory_space<hbm>>
      tpu.wait_dma2 semaphore(%run_scoped3A : memref<!tpu.dma_semaphore, #tpu.memory_space<semaphore_mem>>) src(%dma_wait3A_129 : memref<16384xf32, #tpu.memory_space<hbm>>) dst(%arg9 : memref<16384xf32, #tpu.memory_space<vmem>>)
      tpu.yield
    }) : () -> ()
    %mul3A_39 = arith.constant 3 : i32
    %mul3A_40 = arith.muli %select_n3A, %mul3A_39 : i32
    %add3A_41 = arith.constant 1 : i32
    %add3A_42 = arith.addi %mul3A_40, %add3A_41 : i32
    %mul3A_43 = arith.constant 16384 : i32
    %mul3A_44 = arith.muli %add3A_42, %mul3A_43 : i32
    "tpu.region"() ({
      %run_scoped3A = tpu.sem_alloc : memref<!tpu.dma_semaphore, #tpu.memory_space<semaphore_mem>>
      %dma_start3A = tpu.memref_slice %arg2[%mul3A_44] : memref<196608xf32, #tpu.memory_space<hbm>> -> memref<16384xf32, #tpu.memory_space<hbm>>
      %dma_start3A_128 = tpu.memref_slice %arg2[%mul3A_44] : memref<196608xf32, #tpu.memory_space<hbm>> -> memref<16384xf32, #tpu.memory_space<hbm>>
      tpu.enqueue_dma source(%dma_start3A_128 : memref<16384xf32, #tpu.memory_space<hbm>>) target(%arg10 : memref<16384xf32, #tpu.memory_space<vmem>>) target_semaphore(%run_scoped3A : memref<!tpu.dma_semaphore, #tpu.memory_space<semaphore_mem>>)
      %dma_wait3A = tpu.memref_slice %arg2[%mul3A_44] : memref<196608xf32, #tpu.memory_space<hbm>> -> memref<16384xf32, #tpu.memory_space<hbm>>
      %dma_wait3A_129 = tpu.memref_slice %arg2[%mul3A_44] : memref<196608xf32, #tpu.memory_space<hbm>> -> memref<16384xf32, #tpu.memory_space<hbm>>
      tpu.wait_dma2 semaphore(%run_scoped3A : memref<!tpu.dma_semaphore, #tpu.memory_space<semaphore_mem>>) src(%dma_wait3A_129 : memref<16384xf32, #tpu.memory_space<hbm>>) dst(%arg10 : memref<16384xf32, #tpu.memory_space<vmem>>)
      tpu.yield
    }) : () -> ()
    %mul3A_45 = arith.constant 3 : i32
    %mul3A_46 = arith.muli %select_n3A, %mul3A_45 : i32
    %add3A_47 = arith.constant 2 : i32
    %add3A_48 = arith.addi %mul3A_46, %add3A_47 : i32
    %mul3A_49 = arith.constant 16384 : i32
    %mul3A_50 = arith.muli %add3A_48, %mul3A_49 : i32
    "tpu.region"() ({
      %run_scoped3A = tpu.sem_alloc : memref<!tpu.dma_semaphore, #tpu.memory_space<semaphore_mem>>
      %dma_start3A = tpu.memref_slice %arg2[%mul3A_50] : memref<196608xf32, #tpu.memory_space<hbm>> -> memref<16384xf32, #tpu.memory_space<hbm>>
      %dma_start3A_128 = tpu.memref_slice %arg2[%mul3A_50] : memref<196608xf32, #tpu.memory_space<hbm>> -> memref<16384xf32, #tpu.memory_space<hbm>>
      tpu.enqueue_dma source(%dma_start3A_128 : memref<16384xf32, #tpu.memory_space<hbm>>) target(%arg11 : memref<16384xf32, #tpu.memory_space<vmem>>) target_semaphore(%run_scoped3A : memref<!tpu.dma_semaphore, #tpu.memory_space<semaphore_mem>>)
      %dma_wait3A = tpu.memref_slice %arg2[%mul3A_50] : memref<196608xf32, #tpu.memory_space<hbm>> -> memref<16384xf32, #tpu.memory_space<hbm>>
      %dma_wait3A_129 = tpu.memref_slice %arg2[%mul3A_50] : memref<196608xf32, #tpu.memory_space<hbm>> -> memref<16384xf32, #tpu.memory_space<hbm>>
      tpu.wait_dma2 semaphore(%run_scoped3A : memref<!tpu.dma_semaphore, #tpu.memory_space<semaphore_mem>>) src(%dma_wait3A_129 : memref<16384xf32, #tpu.memory_space<hbm>>) dst(%arg11 : memref<16384xf32, #tpu.memory_space<vmem>>)
      tpu.yield
    }) : () -> ()
    %mul3A_51 = arith.constant 3 : i32
    %mul3A_52 = arith.muli %select_n3A, %mul3A_51 : i32
    %add3A_53 = arith.constant 0 : i32
    %add3A_54 = arith.addi %mul3A_52, %add3A_53 : i32
    %mul3A_55 = arith.constant 512 : i32
    %mul3A_56 = arith.muli %add3A_54, %mul3A_55 : i32
    "tpu.region"() ({
      %run_scoped3A = tpu.sem_alloc : memref<!tpu.dma_semaphore, #tpu.memory_space<semaphore_mem>>
      %dma_start3A = tpu.memref_slice %arg3[%mul3A_56] : memref<6144xf32, #tpu.memory_space<hbm>> -> memref<512xf32, #tpu.memory_space<hbm>>
      %dma_start3A_128 = tpu.memref_slice %arg3[%mul3A_56] : memref<6144xf32, #tpu.memory_space<hbm>> -> memref<512xf32, #tpu.memory_space<hbm>>
      tpu.enqueue_dma source(%dma_start3A_128 : memref<512xf32, #tpu.memory_space<hbm>>) target(%arg12 : memref<512xf32, #tpu.memory_space<vmem>>) target_semaphore(%run_scoped3A : memref<!tpu.dma_semaphore, #tpu.memory_space<semaphore_mem>>)
      %dma_wait3A = tpu.memref_slice %arg3[%mul3A_56] : memref<6144xf32, #tpu.memory_space<hbm>> -> memref<512xf32, #tpu.memory_space<hbm>>
      %dma_wait3A_129 = tpu.memref_slice %arg3[%mul3A_56] : memref<6144xf32, #tpu.memory_space<hbm>> -> memref<512xf32, #tpu.memory_space<hbm>>
      tpu.wait_dma2 semaphore(%run_scoped3A : memref<!tpu.dma_semaphore, #tpu.memory_space<semaphore_mem>>) src(%dma_wait3A_129 : memref<512xf32, #tpu.memory_space<hbm>>) dst(%arg12 : memref<512xf32, #tpu.memory_space<vmem>>)
      tpu.yield
    }) : () -> ()
    %mul3A_57 = arith.constant 3 : i32
    %mul3A_58 = arith.muli %select_n3A, %mul3A_57 : i32
    %add3A_59 = arith.constant 1 : i32
    %add3A_60 = arith.addi %mul3A_58, %add3A_59 : i32
    %mul3A_61 = arith.constant 512 : i32
    %mul3A_62 = arith.muli %add3A_60, %mul3A_61 : i32
    "tpu.region"() ({
      %run_scoped3A = tpu.sem_alloc : memref<!tpu.dma_semaphore, #tpu.memory_space<semaphore_mem>>
      %dma_start3A = tpu.memref_slice %arg3[%mul3A_62] : memref<6144xf32, #tpu.memory_space<hbm>> -> memref<512xf32, #tpu.memory_space<hbm>>
      %dma_start3A_128 = tpu.memref_slice %arg3[%mul3A_62] : memref<6144xf32, #tpu.memory_space<hbm>> -> memref<512xf32, #tpu.memory_space<hbm>>
      tpu.enqueue_dma source(%dma_start3A_128 : memref<512xf32, #tpu.memory_space<hbm>>) target(%arg13 : memref<512xf32, #tpu.memory_space<vmem>>) target_semaphore(%run_scoped3A : memref<!tpu.dma_semaphore, #tpu.memory_space<semaphore_mem>>)
      %dma_wait3A = tpu.memref_slice %arg3[%mul3A_62] : memref<6144xf32, #tpu.memory_space<hbm>> -> memref<512xf32, #tpu.memory_space<hbm>>
      %dma_wait3A_129 = tpu.memref_slice %arg3[%mul3A_62] : memref<6144xf32, #tpu.memory_space<hbm>> -> memref<512xf32, #tpu.memory_space<hbm>>
      tpu.wait_dma2 semaphore(%run_scoped3A : memref<!tpu.dma_semaphore, #tpu.memory_space<semaphore_mem>>) src(%dma_wait3A_129 : memref<512xf32, #tpu.memory_space<hbm>>) dst(%arg13 : memref<512xf32, #tpu.memory_space<vmem>>)
      tpu.yield
    }) : () -> ()
    %mul3A_63 = arith.constant 3 : i32
    %mul3A_64 = arith.muli %select_n3A, %mul3A_63 : i32
    %add3A_65 = arith.constant 2 : i32
    %add3A_66 = arith.addi %mul3A_64, %add3A_65 : i32
    %mul3A_67 = arith.constant 512 : i32
    %mul3A_68 = arith.muli %add3A_66, %mul3A_67 : i32
    "tpu.region"() ({
      %run_scoped3A = tpu.sem_alloc : memref<!tpu.dma_semaphore, #tpu.memory_space<semaphore_mem>>
      %dma_start3A = tpu.memref_slice %arg3[%mul3A_68] : memref<6144xf32, #tpu.memory_space<hbm>> -> memref<512xf32, #tpu.memory_space<hbm>>
      %dma_start3A_128 = tpu.memref_slice %arg3[%mul3A_68] : memref<6144xf32, #tpu.memory_space<hbm>> -> memref<512xf32, #tpu.memory_space<hbm>>
      tpu.enqueue_dma source(%dma_start3A_128 : memref<512xf32, #tpu.memory_space<hbm>>) target(%arg14 : memref<512xf32, #tpu.memory_space<vmem>>) target_semaphore(%run_scoped3A : memref<!tpu.dma_semaphore, #tpu.memory_space<semaphore_mem>>)
      %dma_wait3A = tpu.memref_slice %arg3[%mul3A_68] : memref<6144xf32, #tpu.memory_space<hbm>> -> memref<512xf32, #tpu.memory_space<hbm>>
      %dma_wait3A_129 = tpu.memref_slice %arg3[%mul3A_68] : memref<6144xf32, #tpu.memory_space<hbm>> -> memref<512xf32, #tpu.memory_space<hbm>>
      tpu.wait_dma2 semaphore(%run_scoped3A : memref<!tpu.dma_semaphore, #tpu.memory_space<semaphore_mem>>) src(%dma_wait3A_129 : memref<512xf32, #tpu.memory_space<hbm>>) dst(%arg14 : memref<512xf32, #tpu.memory_space<vmem>>)
      tpu.yield
    }) : () -> ()
    %mul3A_69 = arith.constant 512 : i32
    %mul3A_70 = arith.muli %select_n3A, %mul3A_69 : i32
    "tpu.region"() ({
      %run_scoped3A = tpu.sem_alloc : memref<!tpu.dma_semaphore, #tpu.memory_space<semaphore_mem>>
      %dma_start3A = tpu.memref_slice %arg4[%mul3A_70] : memref<2048xi32, #tpu.memory_space<hbm>> -> memref<512xi32, #tpu.memory_space<hbm>>
      %dma_start3A_128 = tpu.memref_slice %arg4[%mul3A_70] : memref<2048xi32, #tpu.memory_space<hbm>> -> memref<512xi32, #tpu.memory_space<hbm>>
      tpu.enqueue_dma source(%dma_start3A_128 : memref<512xi32, #tpu.memory_space<hbm>>) target(%arg15 : memref<512xi32, #tpu.memory_space<vmem>>) target_semaphore(%run_scoped3A : memref<!tpu.dma_semaphore, #tpu.memory_space<semaphore_mem>>)
      %dma_wait3A = tpu.memref_slice %arg4[%mul3A_70] : memref<2048xi32, #tpu.memory_space<hbm>> -> memref<512xi32, #tpu.memory_space<hbm>>
      %dma_wait3A_129 = tpu.memref_slice %arg4[%mul3A_70] : memref<2048xi32, #tpu.memory_space<hbm>> -> memref<512xi32, #tpu.memory_space<hbm>>
      tpu.wait_dma2 semaphore(%run_scoped3A : memref<!tpu.dma_semaphore, #tpu.memory_space<semaphore_mem>>) src(%dma_wait3A_129 : memref<512xi32, #tpu.memory_space<hbm>>) dst(%arg15 : memref<512xi32, #tpu.memory_space<vmem>>)
      tpu.yield
    }) : () -> ()
    %iota3A = tpu.iota {dimensions = array<i32: 0>} : vector<16xi32>
    %eq3A_71 = arith.constant 0 : i32
    %eq3A_72 = vector.broadcast %eq3A_71 : i32 to vector<16xi32>
    %eq3A_73 = arith.cmpi eq, %iota3A, %eq3A_72 : vector<16xi32>
    %min3A = arith.constant 0 : i32
    %min3A_74 = arith.constant 63 : i32
    %min3A_75 = arith.minsi %min3A, %min3A_74 : i32
    %add3A_76 = arith.addi %mul3A_32, %min3A_75 : i32
    %broadcast_in_dim3A = vector.broadcast %add3A_76 : i32 to vector<16xi32>
    %gather3A = tpu.vector_load_idx %arg12[%broadcast_in_dim3A] : memref<512xf32, #tpu.memory_space<vmem>>[vector<16xi32>], vector<16xf32>,
    %slice3A = vector.extract_strided_slice %gather3A {offsets = [0], sizes = [1], strides = [1]} : vector<16xf32> to vector<1xf32>
    %squeeze3A = vector.extract %slice3A[0] : f32 from vector<1xf32>
    %add3A_77 = arith.addi %mul3A_32, %min3A_75 : i32
    %broadcast_in_dim3A_78 = vector.broadcast %add3A_77 : i32 to vector<16xi32>
    %gather3A_79 = tpu.vector_load_idx %arg13[%broadcast_in_dim3A_78] : memref<512xf32, #tpu.memory_space<vmem>>[vector<16xi32>], vector<16xf32>,
    %slice3A_80 = vector.extract_strided_slice %gather3A_79 {offsets = [0], sizes = [1], strides = [1]} : vector<16xf32> to vector<1xf32>
    %squeeze3A_81 = vector.extract %slice3A_80[0] : f32 from vector<1xf32>
    %add3A_82 = arith.addi %mul3A_32, %min3A_75 : i32
    %broadcast_in_dim3A_83 = vector.broadcast %add3A_82 : i32 to vector<16xi32>
    %gather3A_84 = tpu.vector_load_idx %arg14[%broadcast_in_dim3A_83] : memref<512xf32, #tpu.memory_space<vmem>>[vector<16xi32>], vector<16xf32>,
    %slice3A_85 = vector.extract_strided_slice %gather3A_84 {offsets = [0], sizes = [1], strides = [1]} : vector<16xf32> to vector<1xf32>
    %squeeze3A_86 = vector.extract %slice3A_85[0] : f32 from vector<1xf32>
    %add3A_87 = arith.addi %mul3A_32, %min3A_75 : i32
    %broadcast_in_dim3A_88 = vector.broadcast %add3A_87 : i32 to vector<16xi32>
    %gather3A_89 = tpu.vector_load_idx %arg15[%broadcast_in_dim3A_88] : memref<512xi32, #tpu.memory_space<vmem>>[vector<16xi32>], vector<16xi32>,
    %slice3A_90 = vector.extract_strided_slice %gather3A_89 {offsets = [0], sizes = [1], strides = [1]} : vector<16xi32> to vector<1xi32>
    %squeeze3A_91 = vector.extract %slice3A_90[0] : i32 from vector<1xi32>
    %while3A = arith.constant 1 : i32
    %while3A_92 = arith.constant 1 : i32
    %while3A_93 = arith.constant 0 : i32
    %while3A_94 = arith.constant 0 : i32
    %while3A_95:8 = scf.while (%while3A_128 = %while3A, %while3A_129 = %while3A_92, %while3A_130 = %while3A_93, %while3A_131 = %while3A_94, %while3A_132 = %squeeze3A, %while3A_133 = %squeeze3A_81, %while3A_134 = %squeeze3A_86, %while3A_135 = %squeeze3A_91) : (i32, i32, i32, i32, f32, f32, f32, i32) -> (i32, i32, i32, i32, f32, f32, f32, i32) {
      %gt3A = arith.constant 0 : i32
      %gt3A_136 = arith.cmpi sgt, %while3A_129, %gt3A : i32
      scf.condition(%gt3A_136) %while3A_128, %while3A_129, %while3A_130, %while3A_131, %while3A_132, %while3A_133, %while3A_134, %while3A_135 : i32, i32, i32, i32, f32, f32, f32, i32
    } do {
    ^bb0(%while3A_128: i32, %while3A_129: i32, %while3A_130: i32, %while3A_131: i32, %while3A_132: f32, %while3A_133: f32, %while3A_134: f32, %while3A_135: i32):
      %broadcast_in_dim3A_136 = vector.broadcast %while3A_132 : f32 to vector<16xf32>
      %broadcast_in_dim3A_137 = vector.broadcast %while3A_133 : f32 to vector<16xf32>
      %broadcast_in_dim3A_138 = vector.broadcast %while3A_134 : f32 to vector<16xf32>
      %get3A = arith.constant 0 : index
      %get3A_139 = tpu.vector_load %arg9[%get3A] {strides = array<i32>} : memref<16384xf32, #tpu.memory_space<vmem>>, vector<16xf32>,
      %get3A_140 = arith.constant 0 : index
      %get3A_141 = tpu.vector_load %arg10[%get3A_140] {strides = array<i32>} : memref<16384xf32, #tpu.memory_space<vmem>>, vector<16xf32>,
      %get3A_142 = arith.constant 0 : index
      %get3A_143 = tpu.vector_load %arg11[%get3A_142] {strides = array<i32>} : memref<16384xf32, #tpu.memory_space<vmem>>, vector<16xf32>,
      %sub3A_144 = arith.subf %broadcast_in_dim3A_136, %get3A_139 : vector<16xf32>
      %sub3A_145 = arith.subf %broadcast_in_dim3A_137, %get3A_141 : vector<16xf32>
      %sub3A_146 = arith.subf %broadcast_in_dim3A_138, %get3A_143 : vector<16xf32>
      %mul3A_147 = arith.mulf %sub3A_144, %sub3A_144 : vector<16xf32>
      %mul3A_148 = arith.mulf %sub3A_145, %sub3A_145 : vector<16xf32>
      %add3A_149 = arith.addf %mul3A_147, %mul3A_148 : vector<16xf32>
      %mul3A_150 = arith.mulf %sub3A_146, %sub3A_146 : vector<16xf32>
      %add3A_151 = arith.addf %add3A_149, %mul3A_150 : vector<16xf32>
      %masked_sort3A = arith.constant dense<true> : vector<16xi1>
      %masked_sort3A_152, %masked_sort3A_153, %masked_sort3A_154 = tpu.sort %add3A_151, %iota3A masked %masked_sort3A : (vector<16xf32>, vector<16xi32>, vector<16xi1>) -> (vector<16xi1>, vector<16xf32>, vector<16xi32>)
      %broadcast_in_dim3A_155 = arith.constant 15 : i32
      %broadcast_in_dim3A_156 = vector.broadcast %broadcast_in_dim3A_155 : i32 to vector<16xi32>
      %lt3A_157 = arith.constant 0 : i32
      %lt3A_158 = vector.broadcast %lt3A_157 : i32 to vector<16xi32>
      %lt3A_159 = arith.cmpi slt, %broadcast_in_dim3A_156, %lt3A_158 : vector<16xi32>
      %add3A_160 = arith.constant 16 : i32
      %add3A_161 = vector.broadcast %add3A_160 : i32 to vector<16xi32>
      %add3A_162 = arith.addi %broadcast_in_dim3A_156, %add3A_161 : vector<16xi32>
      %select_n3A_163 = arith.select %lt3A_159, %add3A_162, %broadcast_in_dim3A_156 : vector<16xi1>, vector<16xi32>
      %broadcast_in_dim3A_164 = vector.shape_cast %select_n3A_163 : vector<16xi32> to vector<16x1xi32>
      %gather3A_165 = vector.shape_cast %broadcast_in_dim3A_164 : vector<16x1xi32> to vector<16xi32>
      %gather3A_166 = tpu.dynamic_gather %masked_sort3A_153[%gather3A_165] in [0] : vector<16xf32>, vector<16xi32> -> vector<16xf32>
      %scan3A = arith.constant 1 : i32
      %scan3A_167 = arith.constant 15 : i32
      %scan3A_168 = arith.addi %scan3A, %scan3A_167 : i32
      %scan3A_169 = arith.constant 1 : i32
      %scan3A_170:3 = scf.for %scan3A_527 = %scan3A to %scan3A_168 step %scan3A_169 iter_args(%scan3A_528 = %masked_sort3A_153, %scan3A_529 = %masked_sort3A_154, %scan3A_530 = %gather3A_166) -> (vector<16xf32>, vector<16xi32>, vector<16xf32>)  : i32 {
        %mul3A_531 = arith.constant 16 : i32
        %mul3A_532 = arith.muli %scan3A_527, %mul3A_531 : i32
        %get3A_533 = arith.index_cast %mul3A_532 : i32 to index
        %get3A_534 = tpu.vector_load %arg9[%get3A_533] {strides = array<i32>} : memref<16384xf32, #tpu.memory_space<vmem>>, vector<16xf32>,
        %get3A_535 = arith.index_cast %mul3A_532 : i32 to index
        %get3A_536 = tpu.vector_load %arg10[%get3A_535] {strides = array<i32>} : memref<16384xf32, #tpu.memory_space<vmem>>, vector<16xf32>,
        %get3A_537 = arith.index_cast %mul3A_532 : i32 to index
        %get3A_538 = tpu.vector_load %arg11[%get3A_537] {strides = array<i32>} : memref<16384xf32, #tpu.memory_space<vmem>>, vector<16xf32>,
        %sub3A_539 = arith.subf %broadcast_in_dim3A_136, %get3A_534 : vector<16xf32>
        %sub3A_540 = arith.subf %broadcast_in_dim3A_137, %get3A_536 : vector<16xf32>
        %sub3A_541 = arith.subf %broadcast_in_dim3A_138, %get3A_538 : vector<16xf32>
        %mul3A_542 = arith.mulf %sub3A_539, %sub3A_539 : vector<16xf32>
        %mul3A_543 = arith.mulf %sub3A_540, %sub3A_540 : vector<16xf32>
        %add3A_544 = arith.addf %mul3A_542, %mul3A_543 : vector<16xf32>
        %mul3A_545 = arith.mulf %sub3A_541, %sub3A_541 : vector<16xf32>
        %add3A_546 = arith.addf %add3A_544, %mul3A_545 : vector<16xf32>
        %mul3A_547 = arith.constant 16 : i32
        %mul3A_548 = arith.muli %scan3A_527, %mul3A_547 : i32
        %lt3A_549 = arith.cmpf olt, %add3A_546, %scan3A_530 : vector<16xf32>
        %all_reduce_population_count3A_550 = tpu.all_reduce %lt3A_549 {dim = 0 : i64, kind = #tpu.reduction_kind<sum>} : vector<16xi1> -> vector<16xi32>
        %slice3A_551 = vector.extract_strided_slice %all_reduce_population_count3A_550 {offsets = [0], sizes = [1], strides = [1]} : vector<16xi32> to vector<1xi32>
        %squeeze3A_552 = vector.extract %slice3A_551[0] : i32 from vector<1xi32>
        %gt3A_553 = arith.constant 0 : i32
        %gt3A_554 = arith.cmpi sgt, %squeeze3A_552, %gt3A_553 : i32
        %convert_element_type3A_555 = arith.extui %gt3A_554 : i1 to i32
        %cond3A_556 = arith.constant 0 : i32
        %cond3A_557 = arith.cmpi ne, %convert_element_type3A_555, %cond3A_556 : i32
        %cond3A_558:3 = scf.if %cond3A_557 -> (vector<16xf32>, vector<16xi32>, vector<16xf32>) {
          %add3A_559 = vector.broadcast %mul3A_548 : i32 to vector<16xi32>
          %add3A_560 = arith.addi %add3A_559, %iota3A : vector<16xi32>
          %masked_sort3A_561 = arith.constant dense<true> : vector<16xi1>
          %masked_sort3A_562, %masked_sort3A_563, %masked_sort3A_564 = tpu.sort %add3A_546, %add3A_560 masked %masked_sort3A_561 : (vector<16xf32>, vector<16xi32>, vector<16xi1>) -> (vector<16xi1>, vector<16xf32>, vector<16xi32>)
          %rev3A = arith.constant 15 : i32
          %rev3A_565 = vector.broadcast %rev3A : i32 to vector<16xi32>
          %rev3A_566 = tpu.iota {dimensions = array<i32: 0>} : vector<16xi32>
          %rev3A_567 = arith.subi %rev3A_565, %rev3A_566 : vector<16xi32>
          %rev3A_568 = tpu.dynamic_gather %masked_sort3A_563[%rev3A_567] in [0] : vector<16xf32>, vector<16xi32> -> vector<16xf32>
          %rev3A_569 = arith.constant 15 : i32
          %rev3A_570 = vector.broadcast %rev3A_569 : i32 to vector<16xi32>
          %rev3A_571 = tpu.iota {dimensions = array<i32: 0>} : vector<16xi32>
          %rev3A_572 = arith.subi %rev3A_570, %rev3A_571 : vector<16xi32>
          %rev3A_573 = tpu.dynamic_gather %masked_sort3A_564[%rev3A_572] in [0] : vector<16xi32>, vector<16xi32> -> vector<16xi32>
          %le3A_574 = arith.cmpf ole, %scan3A_528, %rev3A_568 : vector<16xf32>
          %select_n3A_575 = arith.select %le3A_574, %scan3A_528, %rev3A_568 : vector<16xi1>, vector<16xf32>
          %select_n3A_576 = arith.select %le3A_574, %scan3A_529, %rev3A_573 : vector<16xi1>, vector<16xi32>
          %masked_sort3A_577 = arith.constant dense<true> : vector<16xi1>
          %masked_sort3A_578, %masked_sort3A_579, %masked_sort3A_580 = tpu.sort %select_n3A_575, %select_n3A_576 masked %masked_sort3A_577 : (vector<16xf32>, vector<16xi32>, vector<16xi1>) -> (vector<16xi1>, vector<16xf32>, vector<16xi32>)
          %broadcast_in_dim3A_581 = arith.constant 15 : i32
          %broadcast_in_dim3A_582 = vector.broadcast %broadcast_in_dim3A_581 : i32 to vector<16xi32>
          %lt3A_583 = arith.constant 0 : i32
          %lt3A_584 = vector.broadcast %lt3A_583 : i32 to vector<16xi32>
          %lt3A_585 = arith.cmpi slt, %broadcast_in_dim3A_582, %lt3A_584 : vector<16xi32>
          %add3A_586 = arith.constant 16 : i32
          %add3A_587 = vector.broadcast %add3A_586 : i32 to vector<16xi32>
          %add3A_588 = arith.addi %broadcast_in_dim3A_582, %add3A_587 : vector<16xi32>
          %select_n3A_589 = arith.select %lt3A_585, %add3A_588, %broadcast_in_dim3A_582 : vector<16xi1>, vector<16xi32>
          %broadcast_in_dim3A_590 = vector.shape_cast %select_n3A_589 : vector<16xi32> to vector<16x1xi32>
          %gather3A_591 = vector.shape_cast %broadcast_in_dim3A_590 : vector<16x1xi32> to vector<16xi32>
          %gather3A_592 = tpu.dynamic_gather %masked_sort3A_579[%gather3A_591] in [0] : vector<16xf32>, vector<16xi32> -> vector<16xf32>
          scf.yield %masked_sort3A_579, %masked_sort3A_580, %gather3A_592 : vector<16xf32>, vector<16xi32>, vector<16xf32>
        } else {
          scf.yield %scan3A_528, %scan3A_529, %scan3A_530 : vector<16xf32>, vector<16xi32>, vector<16xf32>
        }
        scf.yield %cond3A_558#0, %cond3A_558#1, %cond3A_558#2 : vector<16xf32>, vector<16xi32>, vector<16xf32>
      }
      %scan3A_171 = arith.constant 15 : i32
      %parallel_loop3A = arith.constant 4 : i32
      %parallel_loop3A_172 = arith.constant 256 : i32
      %parallel_loop3A_173 = arith.constant 1 : i32
      %parallel_loop3A_174:3 = scf.for %parallel_loop3A_527 = %parallel_loop3A to %parallel_loop3A_172 step %parallel_loop3A_173 iter_args(%parallel_loop3A_528 = %scan3A_170#0, %parallel_loop3A_529 = %scan3A_170#1, %parallel_loop3A_530 = %scan3A_170#2) -> (vector<16xf32>, vector<16xi32>, vector<16xf32>)  : i32 {
        %parallel_loop3A_531 = arith.constant 64 : i32
        %parallel_loop3A_532 = arith.muli %parallel_loop3A_527, %parallel_loop3A_531 : i32
        %parallel_loop3A_533 = arith.constant 0 : i32
        %parallel_loop3A_534 = arith.addi %parallel_loop3A_532, %parallel_loop3A_533 : i32
        %parallel_loop3A_535 = arith.index_cast %parallel_loop3A_534 : i32 to index
        %parallel_loop3A_536 = tpu.vector_load %arg9[%parallel_loop3A_535] {strides = array<i32>} : memref<16384xf32, #tpu.memory_space<vmem>>, vector<16xf32>,
        %parallel_loop3A_537 = arith.index_cast %parallel_loop3A_534 : i32 to index
        %parallel_loop3A_538 = tpu.vector_load %arg10[%parallel_loop3A_537] {strides = array<i32>} : memref<16384xf32, #tpu.memory_space<vmem>>, vector<16xf32>,
        %parallel_loop3A_539 = arith.index_cast %parallel_loop3A_534 : i32 to index
        %parallel_loop3A_540 = tpu.vector_load %arg11[%parallel_loop3A_539] {strides = array<i32>} : memref<16384xf32, #tpu.memory_space<vmem>>, vector<16xf32>,
        %parallel_loop3A_541 = arith.subf %broadcast_in_dim3A_136, %parallel_loop3A_536 : vector<16xf32>
        %parallel_loop3A_542 = arith.subf %broadcast_in_dim3A_137, %parallel_loop3A_538 : vector<16xf32>
        %parallel_loop3A_543 = arith.subf %broadcast_in_dim3A_138, %parallel_loop3A_540 : vector<16xf32>
        %parallel_loop3A_544 = arith.mulf %parallel_loop3A_541, %parallel_loop3A_541 : vector<16xf32>
        %parallel_loop3A_545 = arith.mulf %parallel_loop3A_542, %parallel_loop3A_542 : vector<16xf32>
        %parallel_loop3A_546 = arith.addf %parallel_loop3A_544, %parallel_loop3A_545 : vector<16xf32>
        %parallel_loop3A_547 = arith.mulf %parallel_loop3A_543, %parallel_loop3A_543 : vector<16xf32>
        %parallel_loop3A_548 = arith.addf %parallel_loop3A_546, %parallel_loop3A_547 : vector<16xf32>
        %parallel_loop3A_549 = arith.constant 16 : i32
        %parallel_loop3A_550 = arith.addi %parallel_loop3A_532, %parallel_loop3A_549 : i32
        %parallel_loop3A_551 = arith.index_cast %parallel_loop3A_550 : i32 to index
        %parallel_loop3A_552 = tpu.vector_load %arg9[%parallel_loop3A_551] {strides = array<i32>} : memref<16384xf32, #tpu.memory_space<vmem>>, vector<16xf32>,
        %parallel_loop3A_553 = arith.index_cast %parallel_loop3A_550 : i32 to index
        %parallel_loop3A_554 = tpu.vector_load %arg10[%parallel_loop3A_553] {strides = array<i32>} : memref<16384xf32, #tpu.memory_space<vmem>>, vector<16xf32>,
        %parallel_loop3A_555 = arith.index_cast %parallel_loop3A_550 : i32 to index
        %parallel_loop3A_556 = tpu.vector_load %arg11[%parallel_loop3A_555] {strides = array<i32>} : memref<16384xf32, #tpu.memory_space<vmem>>, vector<16xf32>,
        %parallel_loop3A_557 = arith.subf %broadcast_in_dim3A_136, %parallel_loop3A_552 : vector<16xf32>
        %parallel_loop3A_558 = arith.subf %broadcast_in_dim3A_137, %parallel_loop3A_554 : vector<16xf32>
        %parallel_loop3A_559 = arith.subf %broadcast_in_dim3A_138, %parallel_loop3A_556 : vector<16xf32>
        %parallel_loop3A_560 = arith.mulf %parallel_loop3A_557, %parallel_loop3A_557 : vector<16xf32>
        %parallel_loop3A_561 = arith.mulf %parallel_loop3A_558, %parallel_loop3A_558 : vector<16xf32>
        %parallel_loop3A_562 = arith.addf %parallel_loop3A_560, %parallel_loop3A_561 : vector<16xf32>
        %parallel_loop3A_563 = arith.mulf %parallel_loop3A_559, %parallel_loop3A_559 : vector<16xf32>
        %parallel_loop3A_564 = arith.addf %parallel_loop3A_562, %parallel_loop3A_563 : vector<16xf32>
        %parallel_loop3A_565 = arith.constant 32 : i32
        %parallel_loop3A_566 = arith.addi %parallel_loop3A_532, %parallel_loop3A_565 : i32
        %parallel_loop3A_567 = arith.index_cast %parallel_loop3A_566 : i32 to index
        %parallel_loop3A_568 = tpu.vector_load %arg9[%parallel_loop3A_567] {strides = array<i32>} : memref<16384xf32, #tpu.memory_space<vmem>>, vector<16xf32>,
        %parallel_loop3A_569 = arith.index_cast %parallel_loop3A_566 : i32 to index
        %parallel_loop3A_570 = tpu.vector_load %arg10[%parallel_loop3A_569] {strides = array<i32>} : memref<16384xf32, #tpu.memory_space<vmem>>, vector<16xf32>,
        %parallel_loop3A_571 = arith.index_cast %parallel_loop3A_566 : i32 to index
        %parallel_loop3A_572 = tpu.vector_load %arg11[%parallel_loop3A_571] {strides = array<i32>} : memref<16384xf32, #tpu.memory_space<vmem>>, vector<16xf32>,
        %parallel_loop3A_573 = arith.subf %broadcast_in_dim3A_136, %parallel_loop3A_568 : vector<16xf32>
        %parallel_loop3A_574 = arith.subf %broadcast_in_dim3A_137, %parallel_loop3A_570 : vector<16xf32>
        %parallel_loop3A_575 = arith.subf %broadcast_in_dim3A_138, %parallel_loop3A_572 : vector<16xf32>
        %parallel_loop3A_576 = arith.mulf %parallel_loop3A_573, %parallel_loop3A_573 : vector<16xf32>
        %parallel_loop3A_577 = arith.mulf %parallel_loop3A_574, %parallel_loop3A_574 : vector<16xf32>
        %parallel_loop3A_578 = arith.addf %parallel_loop3A_576, %parallel_loop3A_577 : vector<16xf32>
        %parallel_loop3A_579 = arith.mulf %parallel_loop3A_575, %parallel_loop3A_575 : vector<16xf32>
        %parallel_loop3A_580 = arith.addf %parallel_loop3A_578, %parallel_loop3A_579 : vector<16xf32>
        %parallel_loop3A_581 = arith.constant 48 : i32
        %parallel_loop3A_582 = arith.addi %parallel_loop3A_532, %parallel_loop3A_581 : i32
        %parallel_loop3A_583 = arith.index_cast %parallel_loop3A_582 : i32 to index
        %parallel_loop3A_584 = tpu.vector_load %arg9[%parallel_loop3A_583] {strides = array<i32>} : memref<16384xf32, #tpu.memory_space<vmem>>, vector<16xf32>,
        %parallel_loop3A_585 = arith.index_cast %parallel_loop3A_582 : i32 to index
        %parallel_loop3A_586 = tpu.vector_load %arg10[%parallel_loop3A_585] {strides = array<i32>} : memref<16384xf32, #tpu.memory_space<vmem>>, vector<16xf32>,
        %parallel_loop3A_587 = arith.index_cast %parallel_loop3A_582 : i32 to index
        %parallel_loop3A_588 = tpu.vector_load %arg11[%parallel_loop3A_587] {strides = array<i32>} : memref<16384xf32, #tpu.memory_space<vmem>>, vector<16xf32>,
        %parallel_loop3A_589 = arith.subf %broadcast_in_dim3A_136, %parallel_loop3A_584 : vector<16xf32>
        %parallel_loop3A_590 = arith.subf %broadcast_in_dim3A_137, %parallel_loop3A_586 : vector<16xf32>
        %parallel_loop3A_591 = arith.subf %broadcast_in_dim3A_138, %parallel_loop3A_588 : vector<16xf32>
        %parallel_loop3A_592 = arith.mulf %parallel_loop3A_589, %parallel_loop3A_589 : vector<16xf32>
        %parallel_loop3A_593 = arith.mulf %parallel_loop3A_590, %parallel_loop3A_590 : vector<16xf32>
        %parallel_loop3A_594 = arith.addf %parallel_loop3A_592, %parallel_loop3A_593 : vector<16xf32>
        %parallel_loop3A_595 = arith.mulf %parallel_loop3A_591, %parallel_loop3A_591 : vector<16xf32>
        %parallel_loop3A_596 = arith.addf %parallel_loop3A_594, %parallel_loop3A_595 : vector<16xf32>
        %parallel_loop3A_597 = arith.minimumf %parallel_loop3A_548, %parallel_loop3A_564 : vector<16xf32>
        %parallel_loop3A_598 = arith.minimumf %parallel_loop3A_580, %parallel_loop3A_596 : vector<16xf32>
        %parallel_loop3A_599 = arith.minimumf %parallel_loop3A_597, %parallel_loop3A_598 : vector<16xf32>
        %parallel_loop3A_600 = arith.cmpf olt, %parallel_loop3A_599, %parallel_loop3A_530 : vector<16xf32>
        %parallel_loop3A_601 = tpu.all_reduce %parallel_loop3A_600 {dim = 0 : i64, kind = #tpu.reduction_kind<sum>} : vector<16xi1> -> vector<16xi32>
        %parallel_loop3A_602 = vector.extract_strided_slice %parallel_loop3A_601 {offsets = [0], sizes = [1], strides = [1]} : vector<16xi32> to vector<1xi32>
        %parallel_loop3A_603 = vector.extract %parallel_loop3A_602[0] : i32 from vector<1xi32>
        %parallel_loop3A_604 = arith.constant 0 : i32
        %parallel_loop3A_605 = arith.cmpi sgt, %parallel_loop3A_603, %parallel_loop3A_604 : i32
        %parallel_loop3A_606 = arith.extui %parallel_loop3A_605 : i1 to i32
        %parallel_loop3A_607 = arith.constant 0 : i32
        %parallel_loop3A_608 = arith.cmpi ne, %parallel_loop3A_606, %parallel_loop3A_607 : i32
        %parallel_loop3A_609:3 = scf.if %parallel_loop3A_608 -> (vector<16xf32>, vector<16xi32>, vector<16xf32>) {
          %parallel_loop3A_610 = arith.constant 0 : i32
          %parallel_loop3A_611 = arith.addi %parallel_loop3A_532, %parallel_loop3A_610 : i32
          %parallel_loop3A_612 = arith.cmpf olt, %parallel_loop3A_548, %parallel_loop3A_530 : vector<16xf32>
          %parallel_loop3A_613 = tpu.all_reduce %parallel_loop3A_612 {dim = 0 : i64, kind = #tpu.reduction_kind<sum>} : vector<16xi1> -> vector<16xi32>
          %parallel_loop3A_614 = vector.extract_strided_slice %parallel_loop3A_613 {offsets = [0], sizes = [1], strides = [1]} : vector<16xi32> to vector<1xi32>
          %parallel_loop3A_615 = vector.extract %parallel_loop3A_614[0] : i32 from vector<1xi32>
          %parallel_loop3A_616 = arith.constant 0 : i32
          %parallel_loop3A_617 = arith.cmpi sgt, %parallel_loop3A_615, %parallel_loop3A_616 : i32
          %parallel_loop3A_618 = arith.extui %parallel_loop3A_617 : i1 to i32
          %parallel_loop3A_619 = arith.constant 0 : i32
          %parallel_loop3A_620 = arith.cmpi ne, %parallel_loop3A_618, %parallel_loop3A_619 : i32
          %parallel_loop3A_621:3 = scf.if %parallel_loop3A_620 -> (vector<16xf32>, vector<16xi32>, vector<16xf32>) {
            %parallel_loop3A_658 = vector.broadcast %parallel_loop3A_611 : i32 to vector<16xi32>
            %parallel_loop3A_659 = arith.addi %parallel_loop3A_658, %iota3A : vector<16xi32>
            %parallel_loop3A_660 = arith.constant dense<true> : vector<16xi1>
            %parallel_loop3A_661, %parallel_loop3A_662, %parallel_loop3A_663 = tpu.sort %parallel_loop3A_548, %parallel_loop3A_659 masked %parallel_loop3A_660 : (vector<16xf32>, vector<16xi32>, vector<16xi1>) -> (vector<16xi1>, vector<16xf32>, vector<16xi32>)
            %parallel_loop3A_664 = arith.constant 15 : i32
            %parallel_loop3A_665 = vector.broadcast %parallel_loop3A_664 : i32 to vector<16xi32>
            %parallel_loop3A_666 = tpu.iota {dimensions = array<i32: 0>} : vector<16xi32>
            %parallel_loop3A_667 = arith.subi %parallel_loop3A_665, %parallel_loop3A_666 : vector<16xi32>
            %parallel_loop3A_668 = tpu.dynamic_gather %parallel_loop3A_662[%parallel_loop3A_667] in [0] : vector<16xf32>, vector<16xi32> -> vector<16xf32>
            %parallel_loop3A_669 = arith.constant 15 : i32
            %parallel_loop3A_670 = vector.broadcast %parallel_loop3A_669 : i32 to vector<16xi32>
            %parallel_loop3A_671 = tpu.iota {dimensions = array<i32: 0>} : vector<16xi32>
            %parallel_loop3A_672 = arith.subi %parallel_loop3A_670, %parallel_loop3A_671 : vector<16xi32>
            %parallel_loop3A_673 = tpu.dynamic_gather %parallel_loop3A_663[%parallel_loop3A_672] in [0] : vector<16xi32>, vector<16xi32> -> vector<16xi32>
            %parallel_loop3A_674 = arith.cmpf ole, %parallel_loop3A_528, %parallel_loop3A_668 : vector<16xf32>
            %parallel_loop3A_675 = arith.select %parallel_loop3A_674, %parallel_loop3A_528, %parallel_loop3A_668 : vector<16xi1>, vector<16xf32>
            %parallel_loop3A_676 = arith.select %parallel_loop3A_674, %parallel_loop3A_529, %parallel_loop3A_673 : vector<16xi1>, vector<16xi32>
            %parallel_loop3A_677 = arith.constant dense<true> : vector<16xi1>
            %parallel_loop3A_678, %parallel_loop3A_679, %parallel_loop3A_680 = tpu.sort %parallel_loop3A_675, %parallel_loop3A_676 masked %parallel_loop3A_677 : (vector<16xf32>, vector<16xi32>, vector<16xi1>) -> (vector<16xi1>, vector<16xf32>, vector<16xi32>)
            %parallel_loop3A_681 = arith.constant 15 : i32
            %parallel_loop3A_682 = vector.broadcast %parallel_loop3A_681 : i32 to vector<16xi32>
            %parallel_loop3A_683 = arith.constant 0 : i32
            %parallel_loop3A_684 = vector.broadcast %parallel_loop3A_683 : i32 to vector<16xi32>
            %parallel_loop3A_685 = arith.cmpi slt, %parallel_loop3A_682, %parallel_loop3A_684 : vector<16xi32>
            %parallel_loop3A_686 = arith.constant 16 : i32
            %parallel_loop3A_687 = vector.broadcast %parallel_loop3A_686 : i32 to vector<16xi32>
            %parallel_loop3A_688 = arith.addi %parallel_loop3A_682, %parallel_loop3A_687 : vector<16xi32>
            %parallel_loop3A_689 = arith.select %parallel_loop3A_685, %parallel_loop3A_688, %parallel_loop3A_682 : vector<16xi1>, vector<16xi32>
            %parallel_loop3A_690 = vector.shape_cast %parallel_loop3A_689 : vector<16xi32> to vector<16x1xi32>
            %parallel_loop3A_691 = vector.shape_cast %parallel_loop3A_690 : vector<16x1xi32> to vector<16xi32>
            %parallel_loop3A_692 = tpu.dynamic_gather %parallel_loop3A_679[%parallel_loop3A_691] in [0] : vector<16xf32>, vector<16xi32> -> vector<16xf32>
            scf.yield %parallel_loop3A_679, %parallel_loop3A_680, %parallel_loop3A_692 : vector<16xf32>, vector<16xi32>, vector<16xf32>
          } else {
            scf.yield %parallel_loop3A_528, %parallel_loop3A_529, %parallel_loop3A_530 : vector<16xf32>, vector<16xi32>, vector<16xf32>
          }
          %parallel_loop3A_622 = arith.constant 16 : i32
          %parallel_loop3A_623 = arith.addi %parallel_loop3A_532, %parallel_loop3A_622 : i32
          %parallel_loop3A_624 = arith.cmpf olt, %parallel_loop3A_564, %parallel_loop3A_621#2 : vector<16xf32>
          %parallel_loop3A_625 = tpu.all_reduce %parallel_loop3A_624 {dim = 0 : i64, kind = #tpu.reduction_kind<sum>} : vector<16xi1> -> vector<16xi32>
          %parallel_loop3A_626 = vector.extract_strided_slice %parallel_loop3A_625 {offsets = [0], sizes = [1], strides = [1]} : vector<16xi32> to vector<1xi32>
          %parallel_loop3A_627 = vector.extract %parallel_loop3A_626[0] : i32 from vector<1xi32>
          %parallel_loop3A_628 = arith.constant 0 : i32
          %parallel_loop3A_629 = arith.cmpi sgt, %parallel_loop3A_627, %parallel_loop3A_628 : i32
          %parallel_loop3A_630 = arith.extui %parallel_loop3A_629 : i1 to i32
          %parallel_loop3A_631 = arith.constant 0 : i32
          %parallel_loop3A_632 = arith.cmpi ne, %parallel_loop3A_630, %parallel_loop3A_631 : i32
          %parallel_loop3A_633:3 = scf.if %parallel_loop3A_632 -> (vector<16xf32>, vector<16xi32>, vector<16xf32>) {
            %parallel_loop3A_658 = vector.broadcast %parallel_loop3A_623 : i32 to vector<16xi32>
            %parallel_loop3A_659 = arith.addi %parallel_loop3A_658, %iota3A : vector<16xi32>
            %parallel_loop3A_660 = arith.constant dense<true> : vector<16xi1>
            %parallel_loop3A_661, %parallel_loop3A_662, %parallel_loop3A_663 = tpu.sort %parallel_loop3A_564, %parallel_loop3A_659 masked %parallel_loop3A_660 : (vector<16xf32>, vector<16xi32>, vector<16xi1>) -> (vector<16xi1>, vector<16xf32>, vector<16xi32>)
            %parallel_loop3A_664 = arith.constant 15 : i32
            %parallel_loop3A_665 = vector.broadcast %parallel_loop3A_664 : i32 to vector<16xi32>
            %parallel_loop3A_666 = tpu.iota {dimensions = array<i32: 0>} : vector<16xi32>
            %parallel_loop3A_667 = arith.subi %parallel_loop3A_665, %parallel_loop3A_666 : vector<16xi32>
            %parallel_loop3A_668 = tpu.dynamic_gather %parallel_loop3A_662[%parallel_loop3A_667] in [0] : vector<16xf32>, vector<16xi32> -> vector<16xf32>
            %parallel_loop3A_669 = arith.constant 15 : i32
            %parallel_loop3A_670 = vector.broadcast %parallel_loop3A_669 : i32 to vector<16xi32>
            %parallel_loop3A_671 = tpu.iota {dimensions = array<i32: 0>} : vector<16xi32>
            %parallel_loop3A_672 = arith.subi %parallel_loop3A_670, %parallel_loop3A_671 : vector<16xi32>
            %parallel_loop3A_673 = tpu.dynamic_gather %parallel_loop3A_663[%parallel_loop3A_672] in [0] : vector<16xi32>, vector<16xi32> -> vector<16xi32>
            %parallel_loop3A_674 = arith.cmpf ole, %parallel_loop3A_621#0, %parallel_loop3A_668 : vector<16xf32>
            %parallel_loop3A_675 = arith.select %parallel_loop3A_674, %parallel_loop3A_621#0, %parallel_loop3A_668 : vector<16xi1>, vector<16xf32>
            %parallel_loop3A_676 = arith.select %parallel_loop3A_674, %parallel_loop3A_621#1, %parallel_loop3A_673 : vector<16xi1>, vector<16xi32>
            %parallel_loop3A_677 = arith.constant dense<true> : vector<16xi1>
            %parallel_loop3A_678, %parallel_loop3A_679, %parallel_loop3A_680 = tpu.sort %parallel_loop3A_675, %parallel_loop3A_676 masked %parallel_loop3A_677 : (vector<16xf32>, vector<16xi32>, vector<16xi1>) -> (vector<16xi1>, vector<16xf32>, vector<16xi32>)
            %parallel_loop3A_681 = arith.constant 15 : i32
            %parallel_loop3A_682 = vector.broadcast %parallel_loop3A_681 : i32 to vector<16xi32>
            %parallel_loop3A_683 = arith.constant 0 : i32
            %parallel_loop3A_684 = vector.broadcast %parallel_loop3A_683 : i32 to vector<16xi32>
            %parallel_loop3A_685 = arith.cmpi slt, %parallel_loop3A_682, %parallel_loop3A_684 : vector<16xi32>
            %parallel_loop3A_686 = arith.constant 16 : i32
            %parallel_loop3A_687 = vector.broadcast %parallel_loop3A_686 : i32 to vector<16xi32>
            %parallel_loop3A_688 = arith.addi %parallel_loop3A_682, %parallel_loop3A_687 : vector<16xi32>
            %parallel_loop3A_689 = arith.select %parallel_loop3A_685, %parallel_loop3A_688, %parallel_loop3A_682 : vector<16xi1>, vector<16xi32>
            %parallel_loop3A_690 = vector.shape_cast %parallel_loop3A_689 : vector<16xi32> to vector<16x1xi32>
            %parallel_loop3A_691 = vector.shape_cast %parallel_loop3A_690 : vector<16x1xi32> to vector<16xi32>
            %parallel_loop3A_692 = tpu.dynamic_gather %parallel_loop3A_679[%parallel_loop3A_691] in [0] : vector<16xf32>, vector<16xi32> -> vector<16xf32>
            scf.yield %parallel_loop3A_679, %parallel_loop3A_680, %parallel_loop3A_692 : vector<16xf32>, vector<16xi32>, vector<16xf32>
          } else {
            scf.yield %parallel_loop3A_621#0, %parallel_loop3A_621#1, %parallel_loop3A_621#2 : vector<16xf32>, vector<16xi32>, vector<16xf32>
          }
          %parallel_loop3A_634 = arith.constant 32 : i32
          %parallel_loop3A_635 = arith.addi %parallel_loop3A_532, %parallel_loop3A_634 : i32
          %parallel_loop3A_636 = arith.cmpf olt, %parallel_loop3A_580, %parallel_loop3A_633#2 : vector<16xf32>
          %parallel_loop3A_637 = tpu.all_reduce %parallel_loop3A_636 {dim = 0 : i64, kind = #tpu.reduction_kind<sum>} : vector<16xi1> -> vector<16xi32>
          %parallel_loop3A_638 = vector.extract_strided_slice %parallel_loop3A_637 {offsets = [0], sizes = [1], strides = [1]} : vector<16xi32> to vector<1xi32>
          %parallel_loop3A_639 = vector.extract %parallel_loop3A_638[0] : i32 from vector<1xi32>
          %parallel_loop3A_640 = arith.constant 0 : i32
          %parallel_loop3A_641 = arith.cmpi sgt, %parallel_loop3A_639, %parallel_loop3A_640 : i32
          %parallel_loop3A_642 = arith.extui %parallel_loop3A_641 : i1 to i32
          %parallel_loop3A_643 = arith.constant 0 : i32
          %parallel_loop3A_644 = arith.cmpi ne, %parallel_loop3A_642, %parallel_loop3A_643 : i32
          %parallel_loop3A_645:3 = scf.if %parallel_loop3A_644 -> (vector<16xf32>, vector<16xi32>, vector<16xf32>) {
            %parallel_loop3A_658 = vector.broadcast %parallel_loop3A_635 : i32 to vector<16xi32>
            %parallel_loop3A_659 = arith.addi %parallel_loop3A_658, %iota3A : vector<16xi32>
            %parallel_loop3A_660 = arith.constant dense<true> : vector<16xi1>
            %parallel_loop3A_661, %parallel_loop3A_662, %parallel_loop3A_663 = tpu.sort %parallel_loop3A_580, %parallel_loop3A_659 masked %parallel_loop3A_660 : (vector<16xf32>, vector<16xi32>, vector<16xi1>) -> (vector<16xi1>, vector<16xf32>, vector<16xi32>)
            %parallel_loop3A_664 = arith.constant 15 : i32
            %parallel_loop3A_665 = vector.broadcast %parallel_loop3A_664 : i32 to vector<16xi32>
            %parallel_loop3A_666 = tpu.iota {dimensions = array<i32: 0>} : vector<16xi32>
            %parallel_loop3A_667 = arith.subi %parallel_loop3A_665, %parallel_loop3A_666 : vector<16xi32>
            %parallel_loop3A_668 = tpu.dynamic_gather %parallel_loop3A_662[%parallel_loop3A_667] in [0] : vector<16xf32>, vector<16xi32> -> vector<16xf32>
            %parallel_loop3A_669 = arith.constant 15 : i32
            %parallel_loop3A_670 = vector.broadcast %parallel_loop3A_669 : i32 to vector<16xi32>
            %parallel_loop3A_671 = tpu.iota {dimensions = array<i32: 0>} : vector<16xi32>
            %parallel_loop3A_672 = arith.subi %parallel_loop3A_670, %parallel_loop3A_671 : vector<16xi32>
            %parallel_loop3A_673 = tpu.dynamic_gather %parallel_loop3A_663[%parallel_loop3A_672] in [0] : vector<16xi32>, vector<16xi32> -> vector<16xi32>
            %parallel_loop3A_674 = arith.cmpf ole, %parallel_loop3A_633#0, %parallel_loop3A_668 : vector<16xf32>
            %parallel_loop3A_675 = arith.select %parallel_loop3A_674, %parallel_loop3A_633#0, %parallel_loop3A_668 : vector<16xi1>, vector<16xf32>
            %parallel_loop3A_676 = arith.select %parallel_loop3A_674, %parallel_loop3A_633#1, %parallel_loop3A_673 : vector<16xi1>, vector<16xi32>
            %parallel_loop3A_677 = arith.constant dense<true> : vector<16xi1>
            %parallel_loop3A_678, %parallel_loop3A_679, %parallel_loop3A_680 = tpu.sort %parallel_loop3A_675, %parallel_loop3A_676 masked %parallel_loop3A_677 : (vector<16xf32>, vector<16xi32>, vector<16xi1>) -> (vector<16xi1>, vector<16xf32>, vector<16xi32>)
            %parallel_loop3A_681 = arith.constant 15 : i32
            %parallel_loop3A_682 = vector.broadcast %parallel_loop3A_681 : i32 to vector<16xi32>
            %parallel_loop3A_683 = arith.constant 0 : i32
            %parallel_loop3A_684 = vector.broadcast %parallel_loop3A_683 : i32 to vector<16xi32>
            %parallel_loop3A_685 = arith.cmpi slt, %parallel_loop3A_682, %parallel_loop3A_684 : vector<16xi32>
            %parallel_loop3A_686 = arith.constant 16 : i32
            %parallel_loop3A_687 = vector.broadcast %parallel_loop3A_686 : i32 to vector<16xi32>
            %parallel_loop3A_688 = arith.addi %parallel_loop3A_682, %parallel_loop3A_687 : vector<16xi32>
            %parallel_loop3A_689 = arith.select %parallel_loop3A_685, %parallel_loop3A_688, %parallel_loop3A_682 : vector<16xi1>, vector<16xi32>
            %parallel_loop3A_690 = vector.shape_cast %parallel_loop3A_689 : vector<16xi32> to vector<16x1xi32>
            %parallel_loop3A_691 = vector.shape_cast %parallel_loop3A_690 : vector<16x1xi32> to vector<16xi32>
            %parallel_loop3A_692 = tpu.dynamic_gather %parallel_loop3A_679[%parallel_loop3A_691] in [0] : vector<16xf32>, vector<16xi32> -> vector<16xf32>
            scf.yield %parallel_loop3A_679, %parallel_loop3A_680, %parallel_loop3A_692 : vector<16xf32>, vector<16xi32>, vector<16xf32>
          } else {
            scf.yield %parallel_loop3A_633#0, %parallel_loop3A_633#1, %parallel_loop3A_633#2 : vector<16xf32>, vector<16xi32>, vector<16xf32>
          }
          %parallel_loop3A_646 = arith.constant 48 : i32
          %parallel_loop3A_647 = arith.addi %parallel_loop3A_532, %parallel_loop3A_646 : i32
          %parallel_loop3A_648 = arith.cmpf olt, %parallel_loop3A_596, %parallel_loop3A_645#2 : vector<16xf32>
          %parallel_loop3A_649 = tpu.all_reduce %parallel_loop3A_648 {dim = 0 : i64, kind = #tpu.reduction_kind<sum>} : vector<16xi1> -> vector<16xi32>
          %parallel_loop3A_650 = vector.extract_strided_slice %parallel_loop3A_649 {offsets = [0], sizes = [1], strides = [1]} : vector<16xi32> to vector<1xi32>
          %parallel_loop3A_651 = vector.extract %parallel_loop3A_650[0] : i32 from vector<1xi32>
          %parallel_loop3A_652 = arith.constant 0 : i32
          %parallel_loop3A_653 = arith.cmpi sgt, %parallel_loop3A_651, %parallel_loop3A_652 : i32
          %parallel_loop3A_654 = arith.extui %parallel_loop3A_653 : i1 to i32
          %parallel_loop3A_655 = arith.constant 0 : i32
          %parallel_loop3A_656 = arith.cmpi ne, %parallel_loop3A_654, %parallel_loop3A_655 : i32
          %parallel_loop3A_657:3 = scf.if %parallel_loop3A_656 -> (vector<16xf32>, vector<16xi32>, vector<16xf32>) {
            %parallel_loop3A_658 = vector.broadcast %parallel_loop3A_647 : i32 to vector<16xi32>
            %parallel_loop3A_659 = arith.addi %parallel_loop3A_658, %iota3A : vector<16xi32>
            %parallel_loop3A_660 = arith.constant dense<true> : vector<16xi1>
            %parallel_loop3A_661, %parallel_loop3A_662, %parallel_loop3A_663 = tpu.sort %parallel_loop3A_596, %parallel_loop3A_659 masked %parallel_loop3A_660 : (vector<16xf32>, vector<16xi32>, vector<16xi1>) -> (vector<16xi1>, vector<16xf32>, vector<16xi32>)
            %parallel_loop3A_664 = arith.constant 15 : i32
            %parallel_loop3A_665 = vector.broadcast %parallel_loop3A_664 : i32 to vector<16xi32>
            %parallel_loop3A_666 = tpu.iota {dimensions = array<i32: 0>} : vector<16xi32>
            %parallel_loop3A_667 = arith.subi %parallel_loop3A_665, %parallel_loop3A_666 : vector<16xi32>
            %parallel_loop3A_668 = tpu.dynamic_gather %parallel_loop3A_662[%parallel_loop3A_667] in [0] : vector<16xf32>, vector<16xi32> -> vector<16xf32>
            %parallel_loop3A_669 = arith.constant 15 : i32
            %parallel_loop3A_670 = vector.broadcast %parallel_loop3A_669 : i32 to vector<16xi32>
            %parallel_loop3A_671 = tpu.iota {dimensions = array<i32: 0>} : vector<16xi32>
            %parallel_loop3A_672 = arith.subi %parallel_loop3A_670, %parallel_loop3A_671 : vector<16xi32>
            %parallel_loop3A_673 = tpu.dynamic_gather %parallel_loop3A_663[%parallel_loop3A_672] in [0] : vector<16xi32>, vector<16xi32> -> vector<16xi32>
            %parallel_loop3A_674 = arith.cmpf ole, %parallel_loop3A_645#0, %parallel_loop3A_668 : vector<16xf32>
            %parallel_loop3A_675 = arith.select %parallel_loop3A_674, %parallel_loop3A_645#0, %parallel_loop3A_668 : vector<16xi1>, vector<16xf32>
            %parallel_loop3A_676 = arith.select %parallel_loop3A_674, %parallel_loop3A_645#1, %parallel_loop3A_673 : vector<16xi1>, vector<16xi32>
            %parallel_loop3A_677 = arith.constant dense<true> : vector<16xi1>
            %parallel_loop3A_678, %parallel_loop3A_679, %parallel_loop3A_680 = tpu.sort %parallel_loop3A_675, %parallel_loop3A_676 masked %parallel_loop3A_677 : (vector<16xf32>, vector<16xi32>, vector<16xi1>) -> (vector<16xi1>, vector<16xf32>, vector<16xi32>)
            %parallel_loop3A_681 = arith.constant 15 : i32
            %parallel_loop3A_682 = vector.broadcast %parallel_loop3A_681 : i32 to vector<16xi32>
            %parallel_loop3A_683 = arith.constant 0 : i32
            %parallel_loop3A_684 = vector.broadcast %parallel_loop3A_683 : i32 to vector<16xi32>
            %parallel_loop3A_685 = arith.cmpi slt, %parallel_loop3A_682, %parallel_loop3A_684 : vector<16xi32>
            %parallel_loop3A_686 = arith.constant 16 : i32
            %parallel_loop3A_687 = vector.broadcast %parallel_loop3A_686 : i32 to vector<16xi32>
            %parallel_loop3A_688 = arith.addi %parallel_loop3A_682, %parallel_loop3A_687 : vector<16xi32>
            %parallel_loop3A_689 = arith.select %parallel_loop3A_685, %parallel_loop3A_688, %parallel_loop3A_682 : vector<16xi1>, vector<16xi32>
            %parallel_loop3A_690 = vector.shape_cast %parallel_loop3A_689 : vector<16xi32> to vector<16x1xi32>
            %parallel_loop3A_691 = vector.shape_cast %parallel_loop3A_690 : vector<16x1xi32> to vector<16xi32>
            %parallel_loop3A_692 = tpu.dynamic_gather %parallel_loop3A_679[%parallel_loop3A_691] in [0] : vector<16xf32>, vector<16xi32> -> vector<16xf32>
            scf.yield %parallel_loop3A_679, %parallel_loop3A_680, %parallel_loop3A_692 : vector<16xf32>, vector<16xi32>, vector<16xf32>
          } else {
            scf.yield %parallel_loop3A_645#0, %parallel_loop3A_645#1, %parallel_loop3A_645#2 : vector<16xf32>, vector<16xi32>, vector<16xf32>
          }
          scf.yield %parallel_loop3A_657#0, %parallel_loop3A_657#1, %parallel_loop3A_657#2 : vector<16xf32>, vector<16xi32>, vector<16xf32>
        } else {
          scf.yield %parallel_loop3A_528, %parallel_loop3A_529, %parallel_loop3A_530 : vector<16xf32>, vector<16xi32>, vector<16xf32>
        }
        scf.yield %parallel_loop3A_609#0, %parallel_loop3A_609#1, %parallel_loop3A_609#2 : vector<16xf32>, vector<16xi32>, vector<16xf32>
      } {sc.loop_unroll_factor = 8 : i64, sc.parallel_access}
      %gather3A_175 = tpu.vector_load_idx %arg9[%parallel_loop3A_174#1] : memref<16384xf32, #tpu.memory_space<vmem>>[vector<16xi32>], vector<16xf32>,
      %gather3A_176 = tpu.vector_load_idx %arg10[%parallel_loop3A_174#1] : memref<16384xf32, #tpu.memory_space<vmem>>[vector<16xi32>], vector<16xf32>,
      %gather3A_177 = tpu.vector_load_idx %arg11[%parallel_loop3A_174#1] : memref<16384xf32, #tpu.memory_space<vmem>>[vector<16xi32>], vector<16xf32>,
      %add3A_178 = arith.constant 8 : i32
      %add3A_179 = vector.broadcast %add3A_178 : i32 to vector<16xi32>
      %add3A_180 = arith.addi %iota3A, %add3A_179 : vector<16xi32>
      %and3A_181 = arith.constant 15 : i32
      %and3A_182 = vector.broadcast %and3A_181 : i32 to vector<16xi32>
      %and3A_183 = arith.andi %add3A_180, %and3A_182 : vector<16xi32>
      %lt3A_184 = arith.constant 0 : i32
      %lt3A_185 = vector.broadcast %lt3A_184 : i32 to vector<16xi32>
      %lt3A_186 = arith.cmpi slt, %and3A_183, %lt3A_185 : vector<16xi32>
      %add3A_187 = arith.constant 16 : i32
      %add3A_188 = vector.broadcast %add3A_187 : i32 to vector<16xi32>
      %add3A_189 = arith.addi %and3A_183, %add3A_188 : vector<16xi32>
      %select_n3A_190 = arith.select %lt3A_186, %add3A_189, %and3A_183 : vector<16xi1>, vector<16xi32>
      %broadcast_in_dim3A_191 = vector.shape_cast %select_n3A_190 : vector<16xi32> to vector<16x1xi32>
      %gather3A_192 = vector.shape_cast %broadcast_in_dim3A_191 : vector<16x1xi32> to vector<16xi32>
      %gather3A_193 = tpu.dynamic_gather %gather3A_175[%gather3A_192] in [0] : vector<16xf32>, vector<16xi32> -> vector<16xf32>
      %add3A_194 = arith.addf %gather3A_175, %gather3A_193 : vector<16xf32>
      %add3A_195 = arith.constant 4 : i32
      %add3A_196 = vector.broadcast %add3A_195 : i32 to vector<16xi32>
      %add3A_197 = arith.addi %iota3A, %add3A_196 : vector<16xi32>
      %and3A_198 = arith.constant 15 : i32
      %and3A_199 = vector.broadcast %and3A_198 : i32 to vector<16xi32>
      %and3A_200 = arith.andi %add3A_197, %and3A_199 : vector<16xi32>
      %lt3A_201 = arith.constant 0 : i32
      %lt3A_202 = vector.broadcast %lt3A_201 : i32 to vector<16xi32>
      %lt3A_203 = arith.cmpi slt, %and3A_200, %lt3A_202 : vector<16xi32>
      %add3A_204 = arith.constant 16 : i32
      %add3A_205 = vector.broadcast %add3A_204 : i32 to vector<16xi32>
      %add3A_206 = arith.addi %and3A_200, %add3A_205 : vector<16xi32>
      %select_n3A_207 = arith.select %lt3A_203, %add3A_206, %and3A_200 : vector<16xi1>, vector<16xi32>
      %broadcast_in_dim3A_208 = vector.shape_cast %select_n3A_207 : vector<16xi32> to vector<16x1xi32>
      %gather3A_209 = vector.shape_cast %broadcast_in_dim3A_208 : vector<16x1xi32> to vector<16xi32>
      %gather3A_210 = tpu.dynamic_gather %add3A_194[%gather3A_209] in [0] : vector<16xf32>, vector<16xi32> -> vector<16xf32>
      %add3A_211 = arith.addf %add3A_194, %gather3A_210 : vector<16xf32>
      %add3A_212 = arith.constant 2 : i32
      %add3A_213 = vector.broadcast %add3A_212 : i32 to vector<16xi32>
      %add3A_214 = arith.addi %iota3A, %add3A_213 : vector<16xi32>
      %and3A_215 = arith.constant 15 : i32
      %and3A_216 = vector.broadcast %and3A_215 : i32 to vector<16xi32>
      %and3A_217 = arith.andi %add3A_214, %and3A_216 : vector<16xi32>
      %lt3A_218 = arith.constant 0 : i32
      %lt3A_219 = vector.broadcast %lt3A_218 : i32 to vector<16xi32>
      %lt3A_220 = arith.cmpi slt, %and3A_217, %lt3A_219 : vector<16xi32>
      %add3A_221 = arith.constant 16 : i32
      %add3A_222 = vector.broadcast %add3A_221 : i32 to vector<16xi32>
      %add3A_223 = arith.addi %and3A_217, %add3A_222 : vector<16xi32>
      %select_n3A_224 = arith.select %lt3A_220, %add3A_223, %and3A_217 : vector<16xi1>, vector<16xi32>
      %broadcast_in_dim3A_225 = vector.shape_cast %select_n3A_224 : vector<16xi32> to vector<16x1xi32>
      %gather3A_226 = vector.shape_cast %broadcast_in_dim3A_225 : vector<16x1xi32> to vector<16xi32>
      %gather3A_227 = tpu.dynamic_gather %add3A_211[%gather3A_226] in [0] : vector<16xf32>, vector<16xi32> -> vector<16xf32>
      %add3A_228 = arith.addf %add3A_211, %gather3A_227 : vector<16xf32>
      %add3A_229 = arith.constant 1 : i32
      %add3A_230 = vector.broadcast %add3A_229 : i32 to vector<16xi32>
      %add3A_231 = arith.addi %iota3A, %add3A_230 : vector<16xi32>
      %and3A_232 = arith.constant 15 : i32
      %and3A_233 = vector.broadcast %and3A_232 : i32 to vector<16xi32>
      %and3A_234 = arith.andi %add3A_231, %and3A_233 : vector<16xi32>
      %lt3A_235 = arith.constant 0 : i32
      %lt3A_236 = vector.broadcast %lt3A_235 : i32 to vector<16xi32>
      %lt3A_237 = arith.cmpi slt, %and3A_234, %lt3A_236 : vector<16xi32>
      %add3A_238 = arith.constant 16 : i32
      %add3A_239 = vector.broadcast %add3A_238 : i32 to vector<16xi32>
      %add3A_240 = arith.addi %and3A_234, %add3A_239 : vector<16xi32>
      %select_n3A_241 = arith.select %lt3A_237, %add3A_240, %and3A_234 : vector<16xi1>, vector<16xi32>
      %broadcast_in_dim3A_242 = vector.shape_cast %select_n3A_241 : vector<16xi32> to vector<16x1xi32>
      %gather3A_243 = vector.shape_cast %broadcast_in_dim3A_242 : vector<16x1xi32> to vector<16xi32>
      %gather3A_244 = tpu.dynamic_gather %add3A_228[%gather3A_243] in [0] : vector<16xf32>, vector<16xi32> -> vector<16xf32>
      %add3A_245 = arith.addf %add3A_228, %gather3A_244 : vector<16xf32>
      %broadcast_in_dim3A_246 = arith.constant 0 : i32
      %broadcast_in_dim3A_247 = vector.broadcast %broadcast_in_dim3A_246 : i32 to vector<16xi32>
      %lt3A_248 = arith.constant 0 : i32
      %lt3A_249 = vector.broadcast %lt3A_248 : i32 to vector<16xi32>
      %lt3A_250 = arith.cmpi slt, %broadcast_in_dim3A_247, %lt3A_249 : vector<16xi32>
      %add3A_251 = arith.constant 16 : i32
      %add3A_252 = vector.broadcast %add3A_251 : i32 to vector<16xi32>
      %add3A_253 = arith.addi %broadcast_in_dim3A_247, %add3A_252 : vector<16xi32>
      %select_n3A_254 = arith.select %lt3A_250, %add3A_253, %broadcast_in_dim3A_247 : vector<16xi1>, vector<16xi32>
      %broadcast_in_dim3A_255 = vector.shape_cast %select_n3A_254 : vector<16xi32> to vector<16x1xi32>
      %gather3A_256 = vector.shape_cast %broadcast_in_dim3A_255 : vector<16x1xi32> to vector<16xi32>
      %gather3A_257 = tpu.dynamic_gather %add3A_245[%gather3A_256] in [0] : vector<16xf32>, vector<16xi32> -> vector<16xf32>
      %mul3A_258 = arith.constant 6.250000e-02 : f32
      %mul3A_259 = vector.broadcast %mul3A_258 : f32 to vector<16xf32>
      %mul3A_260 = arith.mulf %gather3A_257, %mul3A_259 : vector<16xf32>
      %add3A_261 = arith.constant 8 : i32
      %add3A_262 = vector.broadcast %add3A_261 : i32 to vector<16xi32>
      %add3A_263 = arith.addi %iota3A, %add3A_262 : vector<16xi32>
      %and3A_264 = arith.constant 15 : i32
      %and3A_265 = vector.broadcast %and3A_264 : i32 to vector<16xi32>
      %and3A_266 = arith.andi %add3A_263, %and3A_265 : vector<16xi32>
      %lt3A_267 = arith.constant 0 : i32
      %lt3A_268 = vector.broadcast %lt3A_267 : i32 to vector<16xi32>
      %lt3A_269 = arith.cmpi slt, %and3A_266, %lt3A_268 : vector<16xi32>
      %add3A_270 = arith.constant 16 : i32
      %add3A_271 = vector.broadcast %add3A_270 : i32 to vector<16xi32>
      %add3A_272 = arith.addi %and3A_266, %add3A_271 : vector<16xi32>
      %select_n3A_273 = arith.select %lt3A_269, %add3A_272, %and3A_266 : vector<16xi1>, vector<16xi32>
      %broadcast_in_dim3A_274 = vector.shape_cast %select_n3A_273 : vector<16xi32> to vector<16x1xi32>
      %gather3A_275 = vector.shape_cast %broadcast_in_dim3A_274 : vector<16x1xi32> to vector<16xi32>
      %gather3A_276 = tpu.dynamic_gather %gather3A_176[%gather3A_275] in [0] : vector<16xf32>, vector<16xi32> -> vector<16xf32>
      %add3A_277 = arith.addf %gather3A_176, %gather3A_276 : vector<16xf32>
      %add3A_278 = arith.constant 4 : i32
      %add3A_279 = vector.broadcast %add3A_278 : i32 to vector<16xi32>
      %add3A_280 = arith.addi %iota3A, %add3A_279 : vector<16xi32>
      %and3A_281 = arith.constant 15 : i32
      %and3A_282 = vector.broadcast %and3A_281 : i32 to vector<16xi32>
      %and3A_283 = arith.andi %add3A_280, %and3A_282 : vector<16xi32>
      %lt3A_284 = arith.constant 0 : i32
      %lt3A_285 = vector.broadcast %lt3A_284 : i32 to vector<16xi32>
      %lt3A_286 = arith.cmpi slt, %and3A_283, %lt3A_285 : vector<16xi32>
      %add3A_287 = arith.constant 16 : i32
      %add3A_288 = vector.broadcast %add3A_287 : i32 to vector<16xi32>
      %add3A_289 = arith.addi %and3A_283, %add3A_288 : vector<16xi32>
      %select_n3A_290 = arith.select %lt3A_286, %add3A_289, %and3A_283 : vector<16xi1>, vector<16xi32>
      %broadcast_in_dim3A_291 = vector.shape_cast %select_n3A_290 : vector<16xi32> to vector<16x1xi32>
      %gather3A_292 = vector.shape_cast %broadcast_in_dim3A_291 : vector<16x1xi32> to vector<16xi32>
      %gather3A_293 = tpu.dynamic_gather %add3A_277[%gather3A_292] in [0] : vector<16xf32>, vector<16xi32> -> vector<16xf32>
      %add3A_294 = arith.addf %add3A_277, %gather3A_293 : vector<16xf32>
      %add3A_295 = arith.constant 2 : i32
      %add3A_296 = vector.broadcast %add3A_295 : i32 to vector<16xi32>
      %add3A_297 = arith.addi %iota3A, %add3A_296 : vector<16xi32>
      %and3A_298 = arith.constant 15 : i32
      %and3A_299 = vector.broadcast %and3A_298 : i32 to vector<16xi32>
      %and3A_300 = arith.andi %add3A_297, %and3A_299 : vector<16xi32>
      %lt3A_301 = arith.constant 0 : i32
      %lt3A_302 = vector.broadcast %lt3A_301 : i32 to vector<16xi32>
      %lt3A_303 = arith.cmpi slt, %and3A_300, %lt3A_302 : vector<16xi32>
      %add3A_304 = arith.constant 16 : i32
      %add3A_305 = vector.broadcast %add3A_304 : i32 to vector<16xi32>
      %add3A_306 = arith.addi %and3A_300, %add3A_305 : vector<16xi32>
      %select_n3A_307 = arith.select %lt3A_303, %add3A_306, %and3A_300 : vector<16xi1>, vector<16xi32>
      %broadcast_in_dim3A_308 = vector.shape_cast %select_n3A_307 : vector<16xi32> to vector<16x1xi32>
      %gather3A_309 = vector.shape_cast %broadcast_in_dim3A_308 : vector<16x1xi32> to vector<16xi32>
      %gather3A_310 = tpu.dynamic_gather %add3A_294[%gather3A_309] in [0] : vector<16xf32>, vector<16xi32> -> vector<16xf32>
      %add3A_311 = arith.addf %add3A_294, %gather3A_310 : vector<16xf32>
      %add3A_312 = arith.constant 1 : i32
      %add3A_313 = vector.broadcast %add3A_312 : i32 to vector<16xi32>
      %add3A_314 = arith.addi %iota3A, %add3A_313 : vector<16xi32>
      %and3A_315 = arith.constant 15 : i32
      %and3A_316 = vector.broadcast %and3A_315 : i32 to vector<16xi32>
      %and3A_317 = arith.andi %add3A_314, %and3A_316 : vector<16xi32>
      %lt3A_318 = arith.constant 0 : i32
      %lt3A_319 = vector.broadcast %lt3A_318 : i32 to vector<16xi32>
      %lt3A_320 = arith.cmpi slt, %and3A_317, %lt3A_319 : vector<16xi32>
      %add3A_321 = arith.constant 16 : i32
      %add3A_322 = vector.broadcast %add3A_321 : i32 to vector<16xi32>
      %add3A_323 = arith.addi %and3A_317, %add3A_322 : vector<16xi32>
      %select_n3A_324 = arith.select %lt3A_320, %add3A_323, %and3A_317 : vector<16xi1>, vector<16xi32>
      %broadcast_in_dim3A_325 = vector.shape_cast %select_n3A_324 : vector<16xi32> to vector<16x1xi32>
      %gather3A_326 = vector.shape_cast %broadcast_in_dim3A_325 : vector<16x1xi32> to vector<16xi32>
      %gather3A_327 = tpu.dynamic_gather %add3A_311[%gather3A_326] in [0] : vector<16xf32>, vector<16xi32> -> vector<16xf32>
      %add3A_328 = arith.addf %add3A_311, %gather3A_327 : vector<16xf32>
      %broadcast_in_dim3A_329 = arith.constant 0 : i32
      %broadcast_in_dim3A_330 = vector.broadcast %broadcast_in_dim3A_329 : i32 to vector<16xi32>
      %lt3A_331 = arith.constant 0 : i32
      %lt3A_332 = vector.broadcast %lt3A_331 : i32 to vector<16xi32>
      %lt3A_333 = arith.cmpi slt, %broadcast_in_dim3A_330, %lt3A_332 : vector<16xi32>
      %add3A_334 = arith.constant 16 : i32
      %add3A_335 = vector.broadcast %add3A_334 : i32 to vector<16xi32>
      %add3A_336 = arith.addi %broadcast_in_dim3A_330, %add3A_335 : vector<16xi32>
      %select_n3A_337 = arith.select %lt3A_333, %add3A_336, %broadcast_in_dim3A_330 : vector<16xi1>, vector<16xi32>
      %broadcast_in_dim3A_338 = vector.shape_cast %select_n3A_337 : vector<16xi32> to vector<16x1xi32>
      %gather3A_339 = vector.shape_cast %broadcast_in_dim3A_338 : vector<16x1xi32> to vector<16xi32>
      %gather3A_340 = tpu.dynamic_gather %add3A_328[%gather3A_339] in [0] : vector<16xf32>, vector<16xi32> -> vector<16xf32>
      %mul3A_341 = arith.constant 6.250000e-02 : f32
      %mul3A_342 = vector.broadcast %mul3A_341 : f32 to vector<16xf32>
      %mul3A_343 = arith.mulf %gather3A_340, %mul3A_342 : vector<16xf32>
      %add3A_344 = arith.constant 8 : i32
      %add3A_345 = vector.broadcast %add3A_344 : i32 to vector<16xi32>
      %add3A_346 = arith.addi %iota3A, %add3A_345 : vector<16xi32>
      %and3A_347 = arith.constant 15 : i32
      %and3A_348 = vector.broadcast %and3A_347 : i32 to vector<16xi32>
      %and3A_349 = arith.andi %add3A_346, %and3A_348 : vector<16xi32>
      %lt3A_350 = arith.constant 0 : i32
      %lt3A_351 = vector.broadcast %lt3A_350 : i32 to vector<16xi32>
      %lt3A_352 = arith.cmpi slt, %and3A_349, %lt3A_351 : vector<16xi32>
      %add3A_353 = arith.constant 16 : i32
      %add3A_354 = vector.broadcast %add3A_353 : i32 to vector<16xi32>
      %add3A_355 = arith.addi %and3A_349, %add3A_354 : vector<16xi32>
      %select_n3A_356 = arith.select %lt3A_352, %add3A_355, %and3A_349 : vector<16xi1>, vector<16xi32>
      %broadcast_in_dim3A_357 = vector.shape_cast %select_n3A_356 : vector<16xi32> to vector<16x1xi32>
      %gather3A_358 = vector.shape_cast %broadcast_in_dim3A_357 : vector<16x1xi32> to vector<16xi32>
      %gather3A_359 = tpu.dynamic_gather %gather3A_177[%gather3A_358] in [0] : vector<16xf32>, vector<16xi32> -> vector<16xf32>
      %add3A_360 = arith.addf %gather3A_177, %gather3A_359 : vector<16xf32>
      %add3A_361 = arith.constant 4 : i32
      %add3A_362 = vector.broadcast %add3A_361 : i32 to vector<16xi32>
      %add3A_363 = arith.addi %iota3A, %add3A_362 : vector<16xi32>
      %and3A_364 = arith.constant 15 : i32
      %and3A_365 = vector.broadcast %and3A_364 : i32 to vector<16xi32>
      %and3A_366 = arith.andi %add3A_363, %and3A_365 : vector<16xi32>
      %lt3A_367 = arith.constant 0 : i32
      %lt3A_368 = vector.broadcast %lt3A_367 : i32 to vector<16xi32>
      %lt3A_369 = arith.cmpi slt, %and3A_366, %lt3A_368 : vector<16xi32>
      %add3A_370 = arith.constant 16 : i32
      %add3A_371 = vector.broadcast %add3A_370 : i32 to vector<16xi32>
      %add3A_372 = arith.addi %and3A_366, %add3A_371 : vector<16xi32>
      %select_n3A_373 = arith.select %lt3A_369, %add3A_372, %and3A_366 : vector<16xi1>, vector<16xi32>
      %broadcast_in_dim3A_374 = vector.shape_cast %select_n3A_373 : vector<16xi32> to vector<16x1xi32>
      %gather3A_375 = vector.shape_cast %broadcast_in_dim3A_374 : vector<16x1xi32> to vector<16xi32>
      %gather3A_376 = tpu.dynamic_gather %add3A_360[%gather3A_375] in [0] : vector<16xf32>, vector<16xi32> -> vector<16xf32>
      %add3A_377 = arith.addf %add3A_360, %gather3A_376 : vector<16xf32>
      %add3A_378 = arith.constant 2 : i32
      %add3A_379 = vector.broadcast %add3A_378 : i32 to vector<16xi32>
      %add3A_380 = arith.addi %iota3A, %add3A_379 : vector<16xi32>
      %and3A_381 = arith.constant 15 : i32
      %and3A_382 = vector.broadcast %and3A_381 : i32 to vector<16xi32>
      %and3A_383 = arith.andi %add3A_380, %and3A_382 : vector<16xi32>
      %lt3A_384 = arith.constant 0 : i32
      %lt3A_385 = vector.broadcast %lt3A_384 : i32 to vector<16xi32>
      %lt3A_386 = arith.cmpi slt, %and3A_383, %lt3A_385 : vector<16xi32>
      %add3A_387 = arith.constant 16 : i32
      %add3A_388 = vector.broadcast %add3A_387 : i32 to vector<16xi32>
      %add3A_389 = arith.addi %and3A_383, %add3A_388 : vector<16xi32>
      %select_n3A_390 = arith.select %lt3A_386, %add3A_389, %and3A_383 : vector<16xi1>, vector<16xi32>
      %broadcast_in_dim3A_391 = vector.shape_cast %select_n3A_390 : vector<16xi32> to vector<16x1xi32>
      %gather3A_392 = vector.shape_cast %broadcast_in_dim3A_391 : vector<16x1xi32> to vector<16xi32>
      %gather3A_393 = tpu.dynamic_gather %add3A_377[%gather3A_392] in [0] : vector<16xf32>, vector<16xi32> -> vector<16xf32>
      %add3A_394 = arith.addf %add3A_377, %gather3A_393 : vector<16xf32>
      %add3A_395 = arith.constant 1 : i32
      %add3A_396 = vector.broadcast %add3A_395 : i32 to vector<16xi32>
      %add3A_397 = arith.addi %iota3A, %add3A_396 : vector<16xi32>
      %and3A_398 = arith.constant 15 : i32
      %and3A_399 = vector.broadcast %and3A_398 : i32 to vector<16xi32>
      %and3A_400 = arith.andi %add3A_397, %and3A_399 : vector<16xi32>
      %lt3A_401 = arith.constant 0 : i32
      %lt3A_402 = vector.broadcast %lt3A_401 : i32 to vector<16xi32>
      %lt3A_403 = arith.cmpi slt, %and3A_400, %lt3A_402 : vector<16xi32>
      %add3A_404 = arith.constant 16 : i32
      %add3A_405 = vector.broadcast %add3A_404 : i32 to vector<16xi32>
      %add3A_406 = arith.addi %and3A_400, %add3A_405 : vector<16xi32>
      %select_n3A_407 = arith.select %lt3A_403, %add3A_406, %and3A_400 : vector<16xi1>, vector<16xi32>
      %broadcast_in_dim3A_408 = vector.shape_cast %select_n3A_407 : vector<16xi32> to vector<16x1xi32>
      %gather3A_409 = vector.shape_cast %broadcast_in_dim3A_408 : vector<16x1xi32> to vector<16xi32>
      %gather3A_410 = tpu.dynamic_gather %add3A_394[%gather3A_409] in [0] : vector<16xf32>, vector<16xi32> -> vector<16xf32>
      %add3A_411 = arith.addf %add3A_394, %gather3A_410 : vector<16xf32>
      %broadcast_in_dim3A_412 = arith.constant 0 : i32
      %broadcast_in_dim3A_413 = vector.broadcast %broadcast_in_dim3A_412 : i32 to vector<16xi32>
      %lt3A_414 = arith.constant 0 : i32
      %lt3A_415 = vector.broadcast %lt3A_414 : i32 to vector<16xi32>
      %lt3A_416 = arith.cmpi slt, %broadcast_in_dim3A_413, %lt3A_415 : vector<16xi32>
      %add3A_417 = arith.constant 16 : i32
      %add3A_418 = vector.broadcast %add3A_417 : i32 to vector<16xi32>
      %add3A_419 = arith.addi %broadcast_in_dim3A_413, %add3A_418 : vector<16xi32>
      %select_n3A_420 = arith.select %lt3A_416, %add3A_419, %broadcast_in_dim3A_413 : vector<16xi1>, vector<16xi32>
      %broadcast_in_dim3A_421 = vector.shape_cast %select_n3A_420 : vector<16xi32> to vector<16x1xi32>
      %gather3A_422 = vector.shape_cast %broadcast_in_dim3A_421 : vector<16x1xi32> to vector<16xi32>
      %gather3A_423 = tpu.dynamic_gather %add3A_411[%gather3A_422] in [0] : vector<16xf32>, vector<16xi32> -> vector<16xf32>
      %mul3A_424 = arith.constant 6.250000e-02 : f32
      %mul3A_425 = vector.broadcast %mul3A_424 : f32 to vector<16xf32>
      %mul3A_426 = arith.mulf %gather3A_423, %mul3A_425 : vector<16xf32>
      %sub3A_427 = arith.subf %gather3A_175, %mul3A_260 : vector<16xf32>
      %sub3A_428 = arith.subf %gather3A_176, %mul3A_343 : vector<16xf32>
      %sub3A_429 = arith.subf %gather3A_177, %mul3A_426 : vector<16xf32>
      %mul3A_430 = arith.mulf %sub3A_427, %sub3A_427 : vector<16xf32>
      %mul3A_431 = arith.mulf %sub3A_428, %sub3A_428 : vector<16xf32>
      %add3A_432 = arith.addf %mul3A_430, %mul3A_431 : vector<16xf32>
      %mul3A_433 = arith.mulf %sub3A_429, %sub3A_429 : vector<16xf32>
      %add3A_434 = arith.addf %add3A_432, %mul3A_433 : vector<16xf32>
      %broadcast_in_dim3A_435 = arith.constant 0 : i32
      %broadcast_in_dim3A_436 = vector.broadcast %broadcast_in_dim3A_435 : i32 to vector<16xi32>
      %lt3A_437 = arith.constant 0 : i32
      %lt3A_438 = vector.broadcast %lt3A_437 : i32 to vector<16xi32>
      %lt3A_439 = arith.cmpi slt, %broadcast_in_dim3A_436, %lt3A_438 : vector<16xi32>
      %add3A_440 = arith.constant 16 : i32
      %add3A_441 = vector.broadcast %add3A_440 : i32 to vector<16xi32>
      %add3A_442 = arith.addi %broadcast_in_dim3A_436, %add3A_441 : vector<16xi32>
      %select_n3A_443 = arith.select %lt3A_439, %add3A_442, %broadcast_in_dim3A_436 : vector<16xi1>, vector<16xi32>
      %broadcast_in_dim3A_444 = vector.shape_cast %select_n3A_443 : vector<16xi32> to vector<16x1xi32>
      %gather3A_445 = vector.shape_cast %broadcast_in_dim3A_444 : vector<16x1xi32> to vector<16xi32>
      %gather3A_446 = tpu.dynamic_gather %add3A_434[%gather3A_445] in [0] : vector<16xf32>, vector<16xi32> -> vector<16xf32>
      %lt3A_447 = arith.cmpf olt, %add3A_434, %gather3A_446 : vector<16xf32>
      %all_reduce_population_count3A = tpu.all_reduce %lt3A_447 {dim = 0 : i64, kind = #tpu.reduction_kind<sum>} : vector<16xi1> -> vector<16xi32>
      %slice3A_448 = vector.extract_strided_slice %all_reduce_population_count3A {offsets = [0], sizes = [1], strides = [1]} : vector<16xi32> to vector<1xi32>
      %squeeze3A_449 = vector.extract %slice3A_448[0] : i32 from vector<1xi32>
      %le3A = arith.constant 4 : i32
      %le3A_450 = arith.cmpi sle, %squeeze3A_449, %le3A : i32
      %ge3A = arith.constant 64 : i32
      %ge3A_451 = arith.cmpi sge, %while3A_131, %ge3A : i32
      %or3A = arith.ori %le3A_450, %ge3A_451 : i1
      %gt3A = arith.constant 0 : i32
      %gt3A_452 = arith.cmpi sgt, %while3A_129, %gt3A : i32
      %and3A_453 = arith.andi %or3A, %gt3A_452 : i1
      %convert_element_type3A = arith.extui %and3A_453 : i1 to i32
      %cond3A = arith.constant 0 : i32
      %cond3A_454 = arith.cmpi ne, %convert_element_type3A, %cond3A : i32
      scf.if %cond3A_454 {
        %broadcast_in_dim3A_527 = vector.broadcast %while3A_130 : i32 to vector<16xi32>
        %broadcast_in_dim3A_528 = vector.broadcast %while3A_132 : f32 to vector<16xf32>
        tpu.vector_store_idx %arg16[%broadcast_in_dim3A_527], %broadcast_in_dim3A_528 masked %eq3A_73 : memref<64xf32, #tpu.memory_space<vmem>>[vector<16xi32>], vector<16xf32>, vector<16xi1>
        %broadcast_in_dim3A_529 = vector.broadcast %while3A_130 : i32 to vector<16xi32>
        %broadcast_in_dim3A_530 = vector.broadcast %while3A_133 : f32 to vector<16xf32>
        tpu.vector_store_idx %arg17[%broadcast_in_dim3A_529], %broadcast_in_dim3A_530 masked %eq3A_73 : memref<64xf32, #tpu.memory_space<vmem>>[vector<16xi32>], vector<16xf32>, vector<16xi1>
        %broadcast_in_dim3A_531 = vector.broadcast %while3A_130 : i32 to vector<16xi32>
        %broadcast_in_dim3A_532 = vector.broadcast %while3A_134 : f32 to vector<16xf32>
        tpu.vector_store_idx %arg18[%broadcast_in_dim3A_531], %broadcast_in_dim3A_532 masked %eq3A_73 : memref<64xf32, #tpu.memory_space<vmem>>[vector<16xi32>], vector<16xf32>, vector<16xi1>
        %broadcast_in_dim3A_533 = vector.broadcast %while3A_130 : i32 to vector<16xi32>
        %broadcast_in_dim3A_534 = vector.broadcast %while3A_135 : i32 to vector<16xi32>
        tpu.vector_store_idx %arg19[%broadcast_in_dim3A_533], %broadcast_in_dim3A_534 masked %eq3A_73 : memref<64xi32, #tpu.memory_space<vmem>>[vector<16xi32>], vector<16xi32>, vector<16xi1>
        %broadcast_in_dim3A_535 = vector.broadcast %while3A_130 : i32 to vector<16xi32>
        %broadcast_in_dim3A_536 = vector.broadcast %while3A_131 : i32 to vector<16xi32>
        tpu.vector_store_idx %arg21[%broadcast_in_dim3A_535], %broadcast_in_dim3A_536 masked %eq3A_73 : memref<64xi32, #tpu.memory_space<vmem>>[vector<16xi32>], vector<16xi32>, vector<16xi1>
        %mul3A_537 = arith.constant 16 : i32
        %mul3A_538 = arith.muli %while3A_130, %mul3A_537 : i32
        %add3A_539 = vector.broadcast %mul3A_538 : i32 to vector<16xi32>
        %add3A_540 = arith.addi %add3A_539, %iota3A : vector<16xi32>
        tpu.vector_store_idx %arg20[%add3A_540], %parallel_loop3A_174#1 : memref<1024xi32, #tpu.memory_space<vmem>>[vector<16xi32>], vector<16xi32>,
      } else {
      }
      %reduce_min3A = arith.constant true
      %reduce_min3A_455 = vector.broadcast %reduce_min3A : i1 to vector<16xi1>
      %reduce_min3A_456 = tpu.scan <min>, %add3A_434 masked %reduce_min3A_455 : vector<16xf32>, vector<16xi1> -> vector<16xf32>
      %reduce_min3A_457 = vector.extract %reduce_min3A_456[15] : f32 from vector<16xf32>
      %broadcast_in_dim3A_458 = vector.broadcast %reduce_min3A_457 : f32 to vector<16xf32>
      %eq3A_459 = arith.cmpf oeq, %add3A_434, %broadcast_in_dim3A_458 : vector<16xf32>
      %all_reduce_ffs3A = tpu.all_reduce %eq3A_459 {dim = 0 : i64, kind = #tpu.reduction_kind<find_first_set>} : vector<16xi1> -> vector<16xi32>
      %lt3A_460 = arith.constant 0 : i32
      %lt3A_461 = vector.broadcast %lt3A_460 : i32 to vector<16xi32>
      %lt3A_462 = arith.cmpi slt, %all_reduce_ffs3A, %lt3A_461 : vector<16xi32>
      %add3A_463 = arith.constant 16 : i32
      %add3A_464 = vector.broadcast %add3A_463 : i32 to vector<16xi32>
      %add3A_465 = arith.addi %all_reduce_ffs3A, %add3A_464 : vector<16xi32>
      %select_n3A_466 = arith.select %lt3A_462, %add3A_465, %all_reduce_ffs3A : vector<16xi1>, vector<16xi32>
      %broadcast_in_dim3A_467 = vector.shape_cast %select_n3A_466 : vector<16xi32> to vector<16x1xi32>
      %gather3A_468 = vector.shape_cast %broadcast_in_dim3A_467 : vector<16x1xi32> to vector<16xi32>
      %gather3A_469 = tpu.dynamic_gather %parallel_loop3A_174#1[%gather3A_468] in [0] : vector<16xi32>, vector<16xi32> -> vector<16xi32>
      %slice3A_470 = vector.extract_strided_slice %gather3A_469 {offsets = [0], sizes = [1], strides = [1]} : vector<16xi32> to vector<1xi32>
      %squeeze3A_471 = vector.extract %slice3A_470[0] : i32 from vector<1xi32>
      %broadcast_in_dim3A_472 = vector.broadcast %squeeze3A_471 : i32 to vector<16xi32>
      %gather3A_473 = tpu.vector_load_idx %arg9[%broadcast_in_dim3A_472] : memref<16384xf32, #tpu.memory_space<vmem>>[vector<16xi32>], vector<16xf32>,
      %slice3A_474 = vector.extract_strided_slice %gather3A_473 {offsets = [0], sizes = [1], strides = [1]} : vector<16xf32> to vector<1xf32>
      %squeeze3A_475 = vector.extract %slice3A_474[0] : f32 from vector<1xf32>
      %broadcast_in_dim3A_476 = vector.broadcast %squeeze3A_471 : i32 to vector<16xi32>
      %gather3A_477 = tpu.vector_load_idx %arg10[%broadcast_in_dim3A_476] : memref<16384xf32, #tpu.memory_space<vmem>>[vector<16xi32>], vector<16xf32>,
      %slice3A_478 = vector.extract_strided_slice %gather3A_477 {offsets = [0], sizes = [1], strides = [1]} : vector<16xf32> to vector<1xf32>
      %squeeze3A_479 = vector.extract %slice3A_478[0] : f32 from vector<1xf32>
      %broadcast_in_dim3A_480 = vector.broadcast %squeeze3A_471 : i32 to vector<16xi32>
      %gather3A_481 = tpu.vector_load_idx %arg11[%broadcast_in_dim3A_480] : memref<16384xf32, #tpu.memory_space<vmem>>[vector<16xi32>], vector<16xf32>,
      %slice3A_482 = vector.extract_strided_slice %gather3A_481 {offsets = [0], sizes = [1], strides = [1]} : vector<16xf32> to vector<1xf32>
      %squeeze3A_483 = vector.extract %slice3A_482[0] : f32 from vector<1xf32>
      %lt3A_484 = arith.constant 64 : i32
      %lt3A_485 = arith.cmpi slt, %while3A_128, %lt3A_484 : i32
      %min3A_486 = arith.constant 63 : i32
      %min3A_487 = arith.minsi %while3A_128, %min3A_486 : i32
      %add3A_488 = arith.addi %mul3A_32, %min3A_487 : i32
      %broadcast_in_dim3A_489 = vector.broadcast %add3A_488 : i32 to vector<16xi32>
      %gather3A_490 = tpu.vector_load_idx %arg12[%broadcast_in_dim3A_489] : memref<512xf32, #tpu.memory_space<vmem>>[vector<16xi32>], vector<16xf32>,
      %slice3A_491 = vector.extract_strided_slice %gather3A_490 {offsets = [0], sizes = [1], strides = [1]} : vector<16xf32> to vector<1xf32>
      %squeeze3A_492 = vector.extract %slice3A_491[0] : f32 from vector<1xf32>
      %add3A_493 = arith.addi %mul3A_32, %min3A_487 : i32
      %broadcast_in_dim3A_494 = vector.broadcast %add3A_493 : i32 to vector<16xi32>
      %gather3A_495 = tpu.vector_load_idx %arg13[%broadcast_in_dim3A_494] : memref<512xf32, #tpu.memory_space<vmem>>[vector<16xi32>], vector<16xf32>,
      %slice3A_496 = vector.extract_strided_slice %gather3A_495 {offsets = [0], sizes = [1], strides = [1]} : vector<16xf32> to vector<1xf32>
      %squeeze3A_497 = vector.extract %slice3A_496[0] : f32 from vector<1xf32>
      %add3A_498 = arith.addi %mul3A_32, %min3A_487 : i32
      %broadcast_in_dim3A_499 = vector.broadcast %add3A_498 : i32 to vector<16xi32>
      %gather3A_500 = tpu.vector_load_idx %arg14[%broadcast_in_dim3A_499] : memref<512xf32, #tpu.memory_space<vmem>>[vector<16xi32>], vector<16xf32>,
      %slice3A_501 = vector.extract_strided_slice %gather3A_500 {offsets = [0], sizes = [1], strides = [1]} : vector<16xf32> to vector<1xf32>
      %squeeze3A_502 = vector.extract %slice3A_501[0] : f32 from vector<1xf32>
      %add3A_503 = arith.addi %mul3A_32, %min3A_487 : i32
      %broadcast_in_dim3A_504 = vector.broadcast %add3A_503 : i32 to vector<16xi32>
      %gather3A_505 = tpu.vector_load_idx %arg15[%broadcast_in_dim3A_504] : memref<512xi32, #tpu.memory_space<vmem>>[vector<16xi32>], vector<16xi32>,
      %slice3A_506 = vector.extract_strided_slice %gather3A_505 {offsets = [0], sizes = [1], strides = [1]} : vector<16xi32> to vector<1xi32>
      %squeeze3A_507 = vector.extract %slice3A_506[0] : i32 from vector<1xi32>
      %and3A_508 = arith.andi %and3A_453, %lt3A_485 : i1
      %gt3A_509 = arith.constant 0 : i32
      %gt3A_510 = arith.cmpi sgt, %while3A_129, %gt3A_509 : i32
      %convert_element_type3A_511 = arith.extui %and3A_508 : i1 to i32
      %jit3A_512 = arith.constant 1 : i32
      %select_n3A_513 = arith.select %and3A_453, %convert_element_type3A_511, %jit3A_512 : i32
      %jit3A_514 = arith.constant 0 : i32
      %select_n3A_515 = arith.select %gt3A_510, %select_n3A_513, %jit3A_514 : i32
      %select_n3A_516 = arith.select %and3A_508, %while3A_128, %while3A_130 : i32
      %add3A_517 = arith.constant 1 : i32
      %add3A_518 = arith.addi %while3A_131, %add3A_517 : i32
      %jit3A_519 = arith.constant 0 : i32
      %select_n3A_520 = arith.select %and3A_453, %jit3A_519, %add3A_518 : i32
      %select_n3A_521 = arith.select %and3A_453, %squeeze3A_492, %squeeze3A_475 : f32
      %select_n3A_522 = arith.select %and3A_453, %squeeze3A_497, %squeeze3A_479 : f32
      %select_n3A_523 = arith.select %and3A_453, %squeeze3A_502, %squeeze3A_483 : f32
      %select_n3A_524 = arith.select %and3A_453, %squeeze3A_507, %squeeze3A_471 : i32
      %convert_element_type3A_525 = arith.extui %and3A_508 : i1 to i32
      %add3A_526 = arith.addi %while3A_128, %convert_element_type3A_525 : i32
      scf.yield %add3A_526, %select_n3A_515, %select_n3A_516, %select_n3A_520, %select_n3A_521, %select_n3A_522, %select_n3A_523, %select_n3A_524 : i32, i32, i32, i32, f32, f32, f32, i32
    }
    %mul3A_96 = arith.constant 3 : i32
    %mul3A_97 = arith.muli %select_n3A, %mul3A_96 : i32
    %add3A_98 = arith.constant 0 : i32
    %add3A_99 = arith.addi %mul3A_97, %add3A_98 : i32
    %mul3A_100 = arith.constant 512 : i32
    %mul3A_101 = arith.muli %add3A_99, %mul3A_100 : i32
    %add3A_102 = arith.addi %mul3A_101, %mul3A_32 : i32
    "tpu.region"() ({
      %run_scoped3A = tpu.sem_alloc : memref<!tpu.dma_semaphore, #tpu.memory_space<semaphore_mem>>
      %dma_start3A = tpu.memref_slice %arg5[%add3A_102] : memref<6144xf32, #tpu.memory_space<hbm>> -> memref<64xf32, #tpu.memory_space<hbm>>
      %dma_start3A_128 = tpu.memref_slice %arg5[%add3A_102] : memref<6144xf32, #tpu.memory_space<hbm>> -> memref<64xf32, #tpu.memory_space<hbm>>
      tpu.enqueue_dma source(%arg16 : memref<64xf32, #tpu.memory_space<vmem>>) target(%dma_start3A_128 : memref<64xf32, #tpu.memory_space<hbm>>) target_semaphore(%run_scoped3A : memref<!tpu.dma_semaphore, #tpu.memory_space<semaphore_mem>>)
      %dma_wait3A = tpu.memref_slice %arg5[%add3A_102] : memref<6144xf32, #tpu.memory_space<hbm>> -> memref<64xf32, #tpu.memory_space<hbm>>
      %dma_wait3A_129 = tpu.memref_slice %arg5[%add3A_102] : memref<6144xf32, #tpu.memory_space<hbm>> -> memref<64xf32, #tpu.memory_space<hbm>>
      tpu.wait_dma2 semaphore(%run_scoped3A : memref<!tpu.dma_semaphore, #tpu.memory_space<semaphore_mem>>) src(%arg16 : memref<64xf32, #tpu.memory_space<vmem>>) dst(%dma_wait3A_129 : memref<64xf32, #tpu.memory_space<hbm>>)
      tpu.yield
    }) : () -> ()
    %mul3A_103 = arith.constant 3 : i32
    %mul3A_104 = arith.muli %select_n3A, %mul3A_103 : i32
    %add3A_105 = arith.constant 1 : i32
    %add3A_106 = arith.addi %mul3A_104, %add3A_105 : i32
    %mul3A_107 = arith.constant 512 : i32
    %mul3A_108 = arith.muli %add3A_106, %mul3A_107 : i32
    %add3A_109 = arith.addi %mul3A_108, %mul3A_32 : i32
    "tpu.region"() ({
      %run_scoped3A = tpu.sem_alloc : memref<!tpu.dma_semaphore, #tpu.memory_space<semaphore_mem>>
      %dma_start3A = tpu.memref_slice %arg5[%add3A_109] : memref<6144xf32, #tpu.memory_space<hbm>> -> memref<64xf32, #tpu.memory_space<hbm>>
      %dma_start3A_128 = tpu.memref_slice %arg5[%add3A_109] : memref<6144xf32, #tpu.memory_space<hbm>> -> memref<64xf32, #tpu.memory_space<hbm>>
      tpu.enqueue_dma source(%arg17 : memref<64xf32, #tpu.memory_space<vmem>>) target(%dma_start3A_128 : memref<64xf32, #tpu.memory_space<hbm>>) target_semaphore(%run_scoped3A : memref<!tpu.dma_semaphore, #tpu.memory_space<semaphore_mem>>)
      %dma_wait3A = tpu.memref_slice %arg5[%add3A_109] : memref<6144xf32, #tpu.memory_space<hbm>> -> memref<64xf32, #tpu.memory_space<hbm>>
      %dma_wait3A_129 = tpu.memref_slice %arg5[%add3A_109] : memref<6144xf32, #tpu.memory_space<hbm>> -> memref<64xf32, #tpu.memory_space<hbm>>
      tpu.wait_dma2 semaphore(%run_scoped3A : memref<!tpu.dma_semaphore, #tpu.memory_space<semaphore_mem>>) src(%arg17 : memref<64xf32, #tpu.memory_space<vmem>>) dst(%dma_wait3A_129 : memref<64xf32, #tpu.memory_space<hbm>>)
      tpu.yield
    }) : () -> ()
    %mul3A_110 = arith.constant 3 : i32
    %mul3A_111 = arith.muli %select_n3A, %mul3A_110 : i32
    %add3A_112 = arith.constant 2 : i32
    %add3A_113 = arith.addi %mul3A_111, %add3A_112 : i32
    %mul3A_114 = arith.constant 512 : i32
    %mul3A_115 = arith.muli %add3A_113, %mul3A_114 : i32
    %add3A_116 = arith.addi %mul3A_115, %mul3A_32 : i32
    "tpu.region"() ({
      %run_scoped3A = tpu.sem_alloc : memref<!tpu.dma_semaphore, #tpu.memory_space<semaphore_mem>>
      %dma_start3A = tpu.memref_slice %arg5[%add3A_116] : memref<6144xf32, #tpu.memory_space<hbm>> -> memref<64xf32, #tpu.memory_space<hbm>>
      %dma_start3A_128 = tpu.memref_slice %arg5[%add3A_116] : memref<6144xf32, #tpu.memory_space<hbm>> -> memref<64xf32, #tpu.memory_space<hbm>>
      tpu.enqueue_dma source(%arg18 : memref<64xf32, #tpu.memory_space<vmem>>) target(%dma_start3A_128 : memref<64xf32, #tpu.memory_space<hbm>>) target_semaphore(%run_scoped3A : memref<!tpu.dma_semaphore, #tpu.memory_space<semaphore_mem>>)
      %dma_wait3A = tpu.memref_slice %arg5[%add3A_116] : memref<6144xf32, #tpu.memory_space<hbm>> -> memref<64xf32, #tpu.memory_space<hbm>>
      %dma_wait3A_129 = tpu.memref_slice %arg5[%add3A_116] : memref<6144xf32, #tpu.memory_space<hbm>> -> memref<64xf32, #tpu.memory_space<hbm>>
      tpu.wait_dma2 semaphore(%run_scoped3A : memref<!tpu.dma_semaphore, #tpu.memory_space<semaphore_mem>>) src(%arg18 : memref<64xf32, #tpu.memory_space<vmem>>) dst(%dma_wait3A_129 : memref<64xf32, #tpu.memory_space<hbm>>)
      tpu.yield
    }) : () -> ()
    %mul3A_117 = arith.constant 512 : i32
    %mul3A_118 = arith.muli %select_n3A, %mul3A_117 : i32
    %add3A_119 = arith.addi %mul3A_118, %mul3A_32 : i32
    "tpu.region"() ({
      %run_scoped3A = tpu.sem_alloc : memref<!tpu.dma_semaphore, #tpu.memory_space<semaphore_mem>>
      %dma_start3A = tpu.memref_slice %arg6[%add3A_119] : memref<2048xi32, #tpu.memory_space<hbm>> -> memref<64xi32, #tpu.memory_space<hbm>>
      %dma_start3A_128 = tpu.memref_slice %arg6[%add3A_119] : memref<2048xi32, #tpu.memory_space<hbm>> -> memref<64xi32, #tpu.memory_space<hbm>>
      tpu.enqueue_dma source(%arg19 : memref<64xi32, #tpu.memory_space<vmem>>) target(%dma_start3A_128 : memref<64xi32, #tpu.memory_space<hbm>>) target_semaphore(%run_scoped3A : memref<!tpu.dma_semaphore, #tpu.memory_space<semaphore_mem>>)
      %dma_wait3A = tpu.memref_slice %arg6[%add3A_119] : memref<2048xi32, #tpu.memory_space<hbm>> -> memref<64xi32, #tpu.memory_space<hbm>>
      %dma_wait3A_129 = tpu.memref_slice %arg6[%add3A_119] : memref<2048xi32, #tpu.memory_space<hbm>> -> memref<64xi32, #tpu.memory_space<hbm>>
      tpu.wait_dma2 semaphore(%run_scoped3A : memref<!tpu.dma_semaphore, #tpu.memory_space<semaphore_mem>>) src(%arg19 : memref<64xi32, #tpu.memory_space<vmem>>) dst(%dma_wait3A_129 : memref<64xi32, #tpu.memory_space<hbm>>)
      tpu.yield
    }) : () -> ()
    %mul3A_120 = arith.constant 512 : i32
    %mul3A_121 = arith.muli %select_n3A, %mul3A_120 : i32
    %add3A_122 = arith.addi %mul3A_121, %mul3A_32 : i32
    %mul3A_123 = arith.constant 16 : i32
    %mul3A_124 = arith.muli %add3A_122, %mul3A_123 : i32
    "tpu.region"() ({
      %run_scoped3A = tpu.sem_alloc : memref<!tpu.dma_semaphore, #tpu.memory_space<semaphore_mem>>
      %dma_start3A = tpu.memref_slice %arg7[%mul3A_124] : memref<32768xi32, #tpu.memory_space<hbm>> -> memref<1024xi32, #tpu.memory_space<hbm>>
      %dma_start3A_128 = tpu.memref_slice %arg7[%mul3A_124] : memref<32768xi32, #tpu.memory_space<hbm>> -> memref<1024xi32, #tpu.memory_space<hbm>>
      tpu.enqueue_dma source(%arg20 : memref<1024xi32, #tpu.memory_space<vmem>>) target(%dma_start3A_128 : memref<1024xi32, #tpu.memory_space<hbm>>) target_semaphore(%run_scoped3A : memref<!tpu.dma_semaphore, #tpu.memory_space<semaphore_mem>>)
      %dma_wait3A = tpu.memref_slice %arg7[%mul3A_124] : memref<32768xi32, #tpu.memory_space<hbm>> -> memref<1024xi32, #tpu.memory_space<hbm>>
      %dma_wait3A_129 = tpu.memref_slice %arg7[%mul3A_124] : memref<32768xi32, #tpu.memory_space<hbm>> -> memref<1024xi32, #tpu.memory_space<hbm>>
      tpu.wait_dma2 semaphore(%run_scoped3A : memref<!tpu.dma_semaphore, #tpu.memory_space<semaphore_mem>>) src(%arg20 : memref<1024xi32, #tpu.memory_space<vmem>>) dst(%dma_wait3A_129 : memref<1024xi32, #tpu.memory_space<hbm>>)
      tpu.yield
    }) : () -> ()
    %mul3A_125 = arith.constant 512 : i32
    %mul3A_126 = arith.muli %select_n3A, %mul3A_125 : i32
    %add3A_127 = arith.addi %mul3A_126, %mul3A_32 : i32
    "tpu.region"() ({
      %run_scoped3A = tpu.sem_alloc : memref<!tpu.dma_semaphore, #tpu.memory_space<semaphore_mem>>
      %dma_start3A = tpu.memref_slice %arg8[%add3A_127] : memref<2048xi32, #tpu.memory_space<hbm>> -> memref<64xi32, #tpu.memory_space<hbm>>
      %dma_start3A_128 = tpu.memref_slice %arg8[%add3A_127] : memref<2048xi32, #tpu.memory_space<hbm>> -> memref<64xi32, #tpu.memory_space<hbm>>
      tpu.enqueue_dma source(%arg21 : memref<64xi32, #tpu.memory_space<vmem>>) target(%dma_start3A_128 : memref<64xi32, #tpu.memory_space<hbm>>) target_semaphore(%run_scoped3A : memref<!tpu.dma_semaphore, #tpu.memory_space<semaphore_mem>>)
      %dma_wait3A = tpu.memref_slice %arg8[%add3A_127] : memref<2048xi32, #tpu.memory_space<hbm>> -> memref<64xi32, #tpu.memory_space<hbm>>
      %dma_wait3A_129 = tpu.memref_slice %arg8[%add3A_127] : memref<2048xi32, #tpu.memory_space<hbm>> -> memref<64xi32, #tpu.memory_space<hbm>>
      tpu.wait_dma2 semaphore(%run_scoped3A : memref<!tpu.dma_semaphore, #tpu.memory_space<semaphore_mem>>) src(%arg21 : memref<64xi32, #tpu.memory_space<vmem>>) dst(%dma_wait3A_129 : memref<64xi32, #tpu.memory_space<hbm>>)
      tpu.yield
    }) : () -> ()
    return
  }
}

</mosaic_0001>

<sc_bundles>
// kernel: gather_offload_async_start.1
scs
__scs_entry_jumppad:
0x0: {  	(pc) =	sbr.rel $0x88, $3  }
0x1: {  	(tag) =	ssettag $0x0;
	lr =	simm.s32 $0x1  }
0x2: {  	[smem:$0x3F9E] =	sst lr;
	_ =	strace $0xD0000000  }
0x3: {  	_ = 	snop  }
0x4: {  	_ = 	snop  }
0x5: {  	_ = 	snop  }
0x6: {  	_ = 	snop  }
0x7: {  	_ = 	snop  }
__scs_overlays_trampoline_lowered:
0x8: {  	[smem:$0x3FAD] =	sst s0  }
0x9: {  	[smem:$0x3FAE] =	sst s1  }
0xa: {  	[smem:$0x3FAF] =	sst s2  }
0xb: {  	[smem:$0x3FB0] =	sst s3  }
0xc: {  	[smem:$0x3FB1] =	sst s4  }
0xd: {  	[smem:$0x3FB2] =	sst s5  }
0xe: {  	[smem:$0x3FB3] =	sst s6  }
0xf: {  	[smem:$0x3FB4] =	sst s7  }
0x10: {  	[smem:$0x3FB5] =	sst s8  }
0x11: {  	[smem:$0x3FB6] =	sst s9;
	s0 =	simm.s32 @!p0 $0x0  }
0x12: {  	s1 =	sld [smem:$0x3F9C];
	s0 =	simm.s32 @p0 $0x1  }
0x13: {  	[smem:$0x3FB7] =	sst s0;
	s0 =	simm.s32 @!p1 $0x0  }
0x14: {  	s2 =	sld [smem:$0x3F9B];
	s0 =	simm.s32 @p1 $0x1  }
0x15: {  	[smem:$0x3FB8] =	sst s0;
	s0 =	simm.s32 @!p2 $0x0  }
0x16: {  	s3 =	sld [smem:$0x3FDB];
	s0 =	simm.s32 @p2 $0x1  }
0x17: {  	s4 =	simm.s32 $0x1BF5;
	[smem:$0x3FBA] =	sst s0  }
0x18: {  	s0 =	sld [smem:$0x3F9D];
	_ =	swait.ge [sflag:s4], $0x0  }
0x19: {  	s7 =	sld [smem:$0x3F9E]  }
0x1a: {  	s8 =	sadd.s32 $0xFFFFE003, lr  }
0x1b: {  	s9 =	sadd.s32 $0xFFFFFEF7, lr;
	s5 =	simm.s32 $0xFFFFFFFF;
	p2 =	slt.u32 s8, $0xFFFFF086  }
0x1c: {  	p1 =	slt.u32 s9, $0xF7A;
	s5 =	simm.s32 @!p2 $0x0  }
0x1d: {  	s5 =	simm.s32 @p1 $0x1;
	p0 =	seq.s32 s7, s2  }
0x1e: {  	s7 =	smul.u32 @!p0 $0xF7A, s2;
	p2 =	seq.s32 @!p0 s5, $0x0  }
0x1f: {  	s9 =	smul.u32 $0xF7A, s1;
	s8 =	simm.s32 @!p0 $0x1BF5;
	p2 =	por !p2, p0  }
0x20: {  	[sflag:s8] =	ssyncset.s32 @!p0 $0xFFFFF086;
	s6 =	sadd.s32 @!p0 s3, s7;
	s7 =	simm.s32 @!p0 $0x108  }
0x21: {  	s3 =	sadd.s32 s3, s9;
	s6 =	sadd.s32 @!p0 $0x88, s6;
	s7 =	simm.s32 @p2 $0x1082  }
0x22: {  	[simem:s7], [sflag:s8] =	dma.local @!p0 [hbm:s6], $0xF7A  }
0x23: {  	s9 =	sor.u32 $0xD0000000, s2;
	s6 =	simm.s32 $0x108;
	_ =	swait.ge @!p0 [sflag:s8], $0x0  }
0x24: {  	s3 =	sadd.s32 $0x88, s3;
	s6 =	simm.s32 @!p1 $0x1082;
	[sflag:s4] =	ssyncset.s32 $0xFFFFF086  }
0x25: {  	[simem:s6], [sflag:s4] =	dma.local [hbm:s3], $0xF7A  }
0x26: {  	[smem:$0x3F9E] =	sst s1;
	(tag) =	ssettag s2;
	_ =	strace s9  }
0x27: {  	s1 =	sld [smem:$0x3FAE]  }
0x28: {  	s2 =	sld [smem:$0x3FAF]  }
0x29: {  	s4 =	sld [smem:$0x3FB1]  }
0x2a: {  	p0 =	seq.s32 s5, $0x0;
	s5 =	sld [smem:$0x3FB2]  }
0x2b: {  	s6 =	sld [smem:$0x3FB3]  }
0x2c: {  	s7 =	sld [smem:$0x3FB4]  }
0x2d: {  	s3 =	simm.s32 $0x108;
	s8 =	sld [smem:$0x3FB5]  }
0x2e: {  	s3 =	simm.s32 @!p0 $0x1082;
	s9 =	sld [smem:$0x3FB6]  }
0x2f: {  	lr =	sadd.s32 s0, s3;
	s0 =	sld [smem:$0x3FAD]  }
0x30: {  	s3 =	sld [smem:$0x3FB0]  }
0x31: {  	[smem:$0x3FB9] =	sst s10  }
0x32: {  	s10 =	sld [smem:$0x3FB7];
	_ =	sdelay $0x3  }
0x33: {  	p0 =	seq.s32 s10, $0x1;
	s10 =	sld [smem:$0x3FB9];
	_ =	sdelay $0x3  }
0x34: {  	[smem:$0x3FB9] =	sst s10  }
0x35: {  	s10 =	sld [smem:$0x3FB8];
	_ =	sdelay $0x3  }
0x36: {  	p1 =	seq.s32 s10, $0x1;
	s10 =	sld [smem:$0x3FB9];
	_ =	sdelay $0x3  }
0x37: {  	[smem:$0x3FB9] =	sst s10  }
0x38: {  	s10 =	sld [smem:$0x3FBA]  }
0x39: {  	_ = 	snop;
	(pc) =	sbr.ind lr, $3  }
0x3a: {  	_ = 	snop  }
0x3b: {  	_ = 	snop  }
0x3c: {  	p2 =	seq.s32 s10, $0x1;
	s10 =	sld [smem:$0x3FB9]  }
0x3d: {  	_ =	shalt  }
0x3e: {  	_ =	shalt  }
0x3f: {  	_ =	shalt  }
0x40: {  	_ =	shalt  }
0x41: {  	_ =	shalt  }
0x42: {  	_ =	shalt  }
0x43: {  	_ =	shalt  }
0x44: {  	_ =	shalt  }
0x45: {  	_ =	shalt  }
0x46: {  	_ =	shalt  }
0x47: {  	_ =	shalt  }
0x48: {  	_ =	shalt  }
0x49: {  	_ =	shalt  }
0x4a: {  	_ =	shalt  }
0x4b: {  	_ =	shalt  }
0x4c: {  	_ =	shalt  }
0x4d: {  	_ =	shalt  }
0x4e: {  	_ =	shalt  }
0x4f: {  	_ =	shalt  }
0x50: {  	_ =	shalt  }
0x51: {  	_ =	shalt  }
0x52: {  	_ =	shalt  }
0x53: {  	_ =	shalt  }
0x54: {  	_ =	shalt  }
0x55: {  	_ =	shalt  }
0x56: {  	_ =	shalt  }
0x57: {  	_ =	shalt  }
0x58: {  	_ =	shalt  }
0x59: {  	_ =	shalt  }
0x5a: {  	_ =	shalt  }
0x5b: {  	_ =	shalt  }
0x5c: {  	_ =	shalt  }
0x5d: {  	_ =	shalt  }
0x5e: {  	_ =	shalt  }
0x5f: {  	_ =	shalt  }
0x60: {  	_ =	shalt  }
0x61: {  	_ =	shalt  }
0x62: {  	_ =	shalt  }
0x63: {  	_ =	shalt  }
0x64: {  	_ =	shalt  }
0x65: {  	_ =	shalt  }
0x66: {  	_ =	shalt  }
0x67: {  	_ =	shalt  }
0x68: {  	_ =	shalt  }
0x69: {  	_ =	shalt  }
0x6a: {  	_ =	shalt  }
0x6b: {  	_ =	shalt  }
0x6c: {  	_ =	shalt  }
0x6d: {  	_ =	shalt  }
0x6e: {  	_ =	shalt  }
0x6f: {  	_ =	shalt  }
0x70: {  	_ =	shalt  }
0x71: {  	_ =	shalt  }
0x72: {  	_ =	shalt  }
0x73: {  	_ =	shalt  }
0x74: {  	_ =	shalt  }
0x75: {  	_ =	shalt  }
0x76: {  	_ =	shalt  }
0x77: {  	_ =	shalt  }
0x78: {  	_ =	shalt  }
0x79: {  	_ =	shalt  }
0x7a: {  	_ =	shalt  }
0x7b: {  	_ =	shalt  }
0x7c: {  	_ =	shalt  }
0x7d: {  	_ =	shalt  }
0x7e: {  	_ =	shalt  }
0x7f: {  	_ =	shalt  }
0x80: {  	_ =	shalt  }
0x81: {  	_ =	shalt  }
0x82: {  	_ =	shalt  }
0x83: {  	_ =	shalt  }
0x84: {  	_ =	shalt  }
0x85: {  	_ =	shalt  }
0x86: {  	_ =	shalt  }
0x87: {  	_ =	shalt  }
.Lfunc_end0:
.L_simem_size_0:
called_computation.1_lowered:
.L_overlay_start_0:
0x88: {  	s2 =	sld [smem:$0x3FD9]  }
0x89: {  	s3 =	sld [smem:$0x3FFE];
	_ =	sdelay $0x1  }
0x8a: {  	s1 =	srdreg.scid  }
0x8b: {  	s0 =	sand.u32 $0x1, s1  }
0x8c: {  	s14 =	sshll.u32 s0, $0xA;
	s2 =	sadd.s32 s3, s2  }
0x8d: {  	s2 =	sadd.s32 s2, s14  }
0x8e: {  	[smem:$0x3FC5] =	sst s2  }
0x8f: {  	_ = 	snop  }
0x90: {  	s2 =	sld [smem:$0x3FD0];
	_ =	sdelay $0x2  }
0x91: {  	s15 =	simm.s32 $0xA;
	s4 =	simm.s32 $0x10  }
0x92: {  	[smem:s4], [sflag:s15] =	dma.local [hbm:s2], $0x1  }
0x93: {  	_ =	swait.eq [sflag:s15], $0x1  }
0x94: {  	[sflag:s15] =	ssyncset.done $0x0  }
0x95: {  	s16 =	sld [smem:$0x10];
	[sflag:s15] =	ssyncadd.s32 $0xFFFFFFFF  }
0x96: {  	s17 =	sld [smem:$0x11];
	(tm) =	ssettm $0x1  }
0x97: {  	s18 =	sld [smem:$0x3FFB];
	_ =	sdelay $0x3  }
0x98: {  	_ =	strace s18  }
0x99: {  	s4 =	sld [smem:$0x3FFC];
	_ =	sdelay $0x3  }
0x9a: {  	_ =	strace s4  }
0x9b: {  	s4 =	sld [smem:$0x3FFD];
	_ =	sdelay $0x3  }
0x9c: {  	_ =	strace s4  }
0x9d: {  	_ =	strace $0x8FFFFFFF  }
0x9e: {  	s19 =	sld [smem:$0x3FDB];
	_ =	sdelay $0x1  }
0x9f: {  	s5 =	simm.s32 $_scs_section_size  }
0xa0: {  	s6 =	simm.s32 $_size__tile_overlayer_lowered;
	s7 =	simm.s32 $_tile_overlayer_lowered  }
0xa1: {  	s22 =	simm.s32 $0x1BFF;
	s21 =	sshll.u32 s7, $0x1;
	s4 =	sadd.s32 s5, s19  }
0xa2: {  	s8 =	simm.s32 $0x0;
	s20 =	sshll.u32 s6, $0x1;
	s6 =	sadd.s32 s21, s4  }
0xa3: {  	[timem:s8], [sflag:s22] =	dma.local [hbm:s6], s20  }
0xa4: {  	_ =	swait.ge [sflag:s22], s20  }
0xa5: {  	s5 =	ssub.s32 $0x0, s20;
	[sflag:s22] =	ssyncset.done $0x0  }
0xa6: {  	[sflag:s22] =	ssyncadd.s32 s5;
	_ =	sdelay $0x1  }
0xa7: {  	s23 =	simm.s32 $0x1B8B  }
0xa8: {  	_ =	swait.ge [sflag:s23], $0x1  }
0xa9: {  	[sflag:s23] =	ssyncset.done $0x0  }
0xaa: {  	s25 =	simm.s32 $0x1B8E;
	s24 =	sld [smem:$0x3FFE];
	[sflag:s23] =	ssyncadd.s32 $0xFFFFFFFF  }
0xab: {  	s26 =	simm.s32 $execute0_lowered;
	[smem:$0x3FD2] =	sst s25  }
0xac: {  	s6 =	sshll.u32 s26, $0x1;
	_ =	strace $0x80000049;
	[dreg:$0x1] =	wrdreg $0xFFFFFFFF  }
0xad: {  	s28 =	simm.s32 $_size_execute0_lowered;
	s4 =	sadd.s32 s4, s6;
	[dreg:$0x0] =	wrdreg $0x0  }
0xae: {  	s6 =	sshll.u32 s28, $0x1;
	[dreg:$0x2] =	wrdreg s4  }
0xaf: {  	[dreg:$0x3] =	wrdreg s6  }
0xb0: {  	[dreg:$0x4] =	wrdreg $0xC0  }
0xb1: {  	_ =	task [dreg:s8], $0x5FFFF  }
0xb2: {  	[dreg:$0x1] =	wrdreg $0xFFFFFFFF  }
0xb3: {  	[dreg:$0x0] =	wrdreg $0x60  }
0xb4: {  	[dreg:$0x2] =	wrdreg s17  }
0xb5: {  	[dreg:$0x3] =	wrdreg s24  }
0xb6: {  	[dreg:$0x4] =	wrdreg s16  }
0xb7: {  	[dreg:$0x5] =	wrdreg $0x9  }
0xb8: {  	_ =	task.clear_ibuf [dreg:s8], $0x6FFFF;
	_ =	strace $0x90000049  }
0xb9: {  	s29 =	simm.s32 $0x9;
	_ =	strace $0x8000004B  }
0xba: {  	_ =	swait.ge [sflag:s29], $0x1  }
0xbb: {  	[sflag:s29] =	ssyncadd.s32 $0xFFFFFFFF  }
0xbc: {  	_ =	strace $0x9000004B  }
0xbd: {  	_ =	sfence  }
0xbe: {  	s30 =	sld [smem:$0x0];
	_ =	sdelay $0x2  }
0xbf: {  	s31 =	sshll.u32 s1, $0xD;
	s1 =	sshrl.u32 s1, $0x2  }
0xc0: {  	s3 =	sand.u32 $0x4000, s31;
	s1 =	sadd.s32 s1, s30  }
0xc1: {  	s0 =	sor.u32 s3, s0;
	s1 =	sshll.u32 s1, $0x11  }
0xc2: {  	s0 =	sor.u32 s1, s0  }
0xc3: {  	s0 =	sadd.s32 $0x8F2B, s0  }
0xc4: {  	[sflag:s0] =	ssyncadd.remote.s32 $0x1  }
0xc5: {  	_ =	sfence.sel $0xFFFF  }
0xc6: {  	[dreg:$0x0] =	wrdreg $0xFFFFFFFF;
	(pc) =	sbr.abs _section_cstart, $3  }
0xc7: {  	[dreg:$0x1] =	wrdreg $0xFFFFFFFF  }
0xc8: {  	_ =	task.clear_ibuf [dreg:s8], $0x2FFFF;
	_ =	strace $0x9FFFFFFF  }
0xc9: {  	(tm) =	ssettm $0x7FFFFFFF  }
tec
execute0_lowered:
.L_overlay_start_1:
0x0: {  	(tag) =	ssettag $0x1  }
0x1: {  	s1 =	srdreg.scid;
	s2 =	rddreg [dreg:$0x0]  }
0x2: {  	s0 =	stileid.u32;
	s8 =	rddreg [dreg:$0x1]  }
0x3: {  	s3 =	rddreg [dreg:$0x2];
	s5 =	simm.s32 $0x1;
	s1 =	sshll.u32 s1, $0x5  }
0x4: {  	s9 =	simm.s32 $0x1;
	s4 =	sshll.u32 s0, $0x6;
	s1 =	sand.u32 $0x20, s1  }
0x5: {  	s10 =	simm.s32 $0x3;
	s13 =	simm.s32 $0x0;
	s4 =	sor.u32 s4, s1  }
0x6: {  	s12 =	simm.s32 $0x0;
	s1 =	rddreg [dreg:$0x3];
	s7 =	ssub.s32 $0x800, s4  }
.Ltmp0:
0x7: {  	_ =	strace $0x8000004A;
	s6 =	sand.u32 $0x3E0, s7;
	(pc) =	sbr.rel .LBB2_1-.Ltmp0, $4  }
0x8: {  	s8 =	sadd.s32 $0x1000, s8;
	[sflag:s5] =	ssyncpa.u1 $0x0;
	p0 =	sne.s32 s6, $0x0  }
0x9: {  	s7 =	sshrl.u32 s7, $0xA;
	s6 =	simm.s32 $0x2;
	s9 =	simm.s32 @!p0 $0x0  }
0xa: {  	s11 =	smov.u32 s4;
	[sflag:s6] =	ssyncpa.u1 $0x0;
	s7 =	sadd.s32 s9, s7  }
0xb: {  	vm0 =	vmmov $0xffff;
	[sflag:s10] =	ssyncpa.u1 $0x0;
	s10 =	simm.s32 $0x0;
	s9 =	sadd.s32 $0x1, s7  }
.LBB2_5:
0xc: {  	s15 =	sadd.s32 $0x400, s11  }
0xd: {  	p1 =	sgt.s32 s15, $0x7FF  }
0xe: {  	s15 =	smov.u32 @p1 s4;
	p1 =	sne.s32 s12, s9  }
.Ltmp1:
0xf: {  	p0 =	slt.u32 s12, $0x2;
	(pc) =	sbr.rel @!p1 .LBB2_6-.Ltmp1, $4  }
0x10: {  	s14 =	simm.s32 @!p0 $0x3  }
0x11: {  	_ =	swait.ge @!p0 [sflag:s14], $0x20  }
0x12: {  	s16 =	sadd.s32 $0x1, s12;
	s13 =	smov.u32 s11;
	[sflag:s14] =	ssyncset.done @!p0 $0x0  }
0x13: {  	s12 =	smov.u32 s16;
	s11 =	smov.u32 s15;
	[sflag:s14] =	ssyncadd.s32 @!p0 $0xFFFFFFE0  }
.LBB2_1:
0x14: {  	p0 =	sge.u32 s12, s7  }
0x15: {  	s14 =	sxor.u32 @!p0 $0xFFFFFFFF, s12  }
0x16: {  	s31 =	sadd.s32 $0xFFFFFFFF, s12;
	s15 =	sshrl.u32 @!p0 s11, $0x3;
	s14 =	sshll.u32 @!p0 s14, $0x5  }
0x17: {  	s16 =	sand.u32 @!p0 $0x7, s11;
	s15 =	sadd.s32 @!p0 s8, s15;
	s14 =	sand.u32 @!p0 $0x20, s14  }
0x18: {  	[tilespmem:s14], [sflag:$0x2] =	stream.linear.gather @!p0 [hbm4b:s15+s16], $0x20, $0x38;
	[tilespmem:$0x80] =	vst v63  }
0x19: {  	p0 =	sge.u32 s31, s7  }
.Ltmp2:
0x1a: {  	_ = 	snop;
	(pc) =	sbr.rel @p0 .LBB2_5-.Ltmp2, $1  }
0x1b: {  	_ =	sdelay $0x3  }
0x1c: {  	_ =	swait.ge [sflag:s6], $0x20;
	s14 =	sshll.u32 s12, $0x5;
	s16 =	simm.s32 $0x0  }
0x1d: {  	p0 =	por $0x1, $0x1;
	[sflag:s6] =	ssyncset.done $0x0;
	s15 =	sand.u32 $0x20, s14  }
0x1e: {  	[sflag:s6] =	ssyncadd.s32 $0xFFFFFFE0;
	(ifvalue) =	ssetifvalue $0x7FFFFFFF;
	s14 =	sor.u32 $0x40, s15  }
.LBB2_3:
0x1f: {  	s17 =	sadd.s32 s16, s15  }
0x20: {  	v0 =	vld.msk [tilespmem:s17+$0x0 ss:$0x1], $0xffff;
	_ =	sdelay $0x4  }
0x21: {  	v1 =	vshrl.u32 v0, $0x2  }
0x22: {  	vm1 =	veq.s32 v0, $0x80000000;
	v1 =	vand.u32 $0x1FF, v1  }
0x23: {  	v0 =	vand.u32 $0x3, v0;
	v1 =	vsel vm1, $0xFFFFFFFF, v1  }
0x24: {  	v0 =	vsel vm1, $0xFFFFFFFF, v0;
	v2 =	vshll.u32 v1, $0x2  }
0x25: {  	v3 =	vand.u32 $0xFFFFF800, v0;
	v0 =	vshll.u32 v0, $0x7;
	v2 =	vand.u32 $0xFFFFFE00, v2  }
0x26: {  	v0 =	vand.u32 $0x180, v0;
	v2 =	vadd.s32 v3, v2  }
0x27: {  	v1 =	vand.u32 $0x7F, v1;
	v0 =	vor.u32 v0, v2  }
0x28: {  	p1 =	por p0, p0;
	v0 =	vor.u32 v1, v0  }
.Ltmp3:
0x29: {  	_ = 	snop;
	(pc) =	sbr.rel @p1 .LBB2_3-.Ltmp3, $4  }
0x2a: {  	_ = 	snop  }
0x2b: {  	s31 =	sadd.s32 s16, s14  }
0x2c: {  	s16 =	simm.s32 $0x10;
	p0 =	por $0x0, $0x0;
	(ifvalue) =	ssetifvalue $0x7FFFFFFF  }
0x2d: {  	[tilespmem:s31], [sflag:$0x1] =	stream.indirect_vreg.gather [hbm4b:s2+s10], $0x1, v0, vm0, $0x4038;
	[tilespmem:$0x80] =	vst v63  }
.Ltmp4:
0x2e: {  	(pc) =	sbr.rel .LBB2_5-.Ltmp4, $4  }
0x2f: {  	_ =	swait.ge [sflag:s5], $0x20  }
0x30: {  	s15 =	sshrl.u32 s13, $0x3;
	[sflag:s5] =	ssyncset.done $0x0  }
0x31: {  	s31 =	sand.u32 $0x7, s13;
	s15 =	sadd.s32 s3, s15;
	[sflag:s5] =	ssyncadd.s32 $0xFFFFFFE0  }
0x32: {  	[hbm4b:s15+s31] =	stream.linear.scatter [tilespmem:s14], [sflag:$0x3], $0x20, $0x38;
	[tilespmem:$0x80] =	vst v63  }
.LBB2_6:
0x33: {  	_ =	sfence.sel $0x180000  }
0x34: {  	s2 =	simm.s32 $0x2;
	[bflag:$0x0] =	sbarrier.arrive $0xFFFF  }
0x35: {  	s30 =	simm.s32 $0x3;
	[sflag:s2] =	ssyncpa.u1 $0x1  }
0x36: {  	s31 =	simm.s32 $0x1;
	[sflag:s30] =	ssyncpa.u1 $0x1  }
0x37: {  	[sflag:s31] =	ssyncpa.u1 $0x1  }
0x38: {  	p0 =	sne.s32 s0, $0x0;
	_ =	strace $0x9000004A  }
0x39: {  	s0 =	sadd.s32 @!p0 $0x100000, s1;
	[bflag:$0x2] =	sbarrier.arrive $0xFFFF  }
0x3a: {  	[sflag:s0] =	ssyncadd.tile.s32 @!p0 $0x1;
	_ =	shalt  }
.Lfunc_end2:
_tile_overlayer_lowered:
.L_overlay_start_2:
0x3b: {  	(tag) =	ssettag $0x2  }
0x3c: {  	s0 =	rddreg [dreg:$0x0];
	s2 =	stileid.u32  }
0x3d: {  	s1 =	rddreg [dreg:$0x1];
	p0 =	sne.s32 s2, $0x0  }
0x3e: {  	s3 =	rddreg [dreg:$0x2];
	[bflag:$0x3] =	sbarrier.arrive $0xFFFF;
	s2 =	simm.s32 @!p0 $0x1C01  }
0x3f: {  	[timem:s3], [sflag:s2] =	dma.local @!p0 [hbm:s0], s1  }
0x40: {  	s0 =	simm.s32 @!p0 $0x1  }
0x41: {  	_ =	swait.ge @!p0 [sflag:s0], s1  }
0x42: {  	s1 =	ssub.s32 @!p0 $0x0, s1;
	[sflag:s0] =	ssyncset.done @!p0 $0x0  }
0x43: {  	[sflag:s0] =	ssyncadd.s32 @!p0 s1  }
0x44: {  	[bflag:$0x3] =	sbarrier.arrive $0xFFFF  }
0x45: {  	_ =	shalt  }

// kernel: gather_offload_async_start.2
scs
__scs_entry_jumppad:
0x0: {  	(pc) =	sbr.rel $0x88, $3  }
0x1: {  	(tag) =	ssettag $0x0;
	lr =	simm.s32 $0x1  }
0x2: {  	[smem:$0x3F9E] =	sst lr;
	_ =	strace $0xD0000000  }
0x3: {  	_ = 	snop  }
0x4: {  	_ = 	snop  }
0x5: {  	_ = 	snop  }
0x6: {  	_ = 	snop  }
0x7: {  	_ = 	snop  }
__scs_overlays_trampoline_lowered:
0x8: {  	[smem:$0x3FAD] =	sst s0  }
0x9: {  	[smem:$0x3FAE] =	sst s1  }
0xa: {  	[smem:$0x3FAF] =	sst s2  }
0xb: {  	[smem:$0x3FB0] =	sst s3  }
0xc: {  	[smem:$0x3FB1] =	sst s4  }
0xd: {  	[smem:$0x3FB2] =	sst s5  }
0xe: {  	[smem:$0x3FB3] =	sst s6  }
0xf: {  	[smem:$0x3FB4] =	sst s7  }
0x10: {  	[smem:$0x3FB5] =	sst s8  }
0x11: {  	[smem:$0x3FB6] =	sst s9;
	s0 =	simm.s32 @!p0 $0x0  }
0x12: {  	s1 =	sld [smem:$0x3F9C];
	s0 =	simm.s32 @p0 $0x1  }
0x13: {  	[smem:$0x3FB7] =	sst s0;
	s0 =	simm.s32 @!p1 $0x0  }
0x14: {  	s2 =	sld [smem:$0x3F9B];
	s0 =	simm.s32 @p1 $0x1  }
0x15: {  	[smem:$0x3FB8] =	sst s0;
	s0 =	simm.s32 @!p2 $0x0  }
0x16: {  	s3 =	sld [smem:$0x3FDB];
	s0 =	simm.s32 @p2 $0x1  }
0x17: {  	s4 =	simm.s32 $0x1BF5;
	[smem:$0x3FBA] =	sst s0  }
0x18: {  	s0 =	sld [smem:$0x3F9D];
	_ =	swait.ge [sflag:s4], $0x0  }
0x19: {  	s7 =	sld [smem:$0x3F9E]  }
0x1a: {  	s8 =	sadd.s32 $0xFFFFE003, lr  }
0x1b: {  	s9 =	sadd.s32 $0xFFFFFEF7, lr;
	s5 =	simm.s32 $0xFFFFFFFF;
	p2 =	slt.u32 s8, $0xFFFFF086  }
0x1c: {  	p1 =	slt.u32 s9, $0xF7A;
	s5 =	simm.s32 @!p2 $0x0  }
0x1d: {  	s5 =	simm.s32 @p1 $0x1;
	p0 =	seq.s32 s7, s2  }
0x1e: {  	s7 =	smul.u32 @!p0 $0xF7A, s2;
	p2 =	seq.s32 @!p0 s5, $0x0  }
0x1f: {  	s9 =	smul.u32 $0xF7A, s1;
	s8 =	simm.s32 @!p0 $0x1BF5;
	p2 =	por !p2, p0  }
0x20: {  	[sflag:s8] =	ssyncset.s32 @!p0 $0xFFFFF086;
	s6 =	sadd.s32 @!p0 s3, s7;
	s7 =	simm.s32 @!p0 $0x108  }
0x21: {  	s3 =	sadd.s32 s3, s9;
	s6 =	sadd.s32 @!p0 $0x88, s6;
	s7 =	simm.s32 @p2 $0x1082  }
0x22: {  	[simem:s7], [sflag:s8] =	dma.local @!p0 [hbm:s6], $0xF7A  }
0x23: {  	s9 =	sor.u32 $0xD0000000, s2;
	s6 =	simm.s32 $0x108;
	_ =	swait.ge @!p0 [sflag:s8], $0x0  }
0x24: {  	s3 =	sadd.s32 $0x88, s3;
	s6 =	simm.s32 @!p1 $0x1082;
	[sflag:s4] =	ssyncset.s32 $0xFFFFF086  }
0x25: {  	[simem:s6], [sflag:s4] =	dma.local [hbm:s3], $0xF7A  }
0x26: {  	[smem:$0x3F9E] =	sst s1;
	(tag) =	ssettag s2;
	_ =	strace s9  }
0x27: {  	s1 =	sld [smem:$0x3FAE]  }
0x28: {  	s2 =	sld [smem:$0x3FAF]  }
0x29: {  	s4 =	sld [smem:$0x3FB1]  }
0x2a: {  	p0 =	seq.s32 s5, $0x0;
	s5 =	sld [smem:$0x3FB2]  }
0x2b: {  	s6 =	sld [smem:$0x3FB3]  }
0x2c: {  	s7 =	sld [smem:$0x3FB4]  }
0x2d: {  	s3 =	simm.s32 $0x108;
	s8 =	sld [smem:$0x3FB5]  }
0x2e: {  	s3 =	simm.s32 @!p0 $0x1082;
	s9 =	sld [smem:$0x3FB6]  }
0x2f: {  	lr =	sadd.s32 s0, s3;
	s0 =	sld [smem:$0x3FAD]  }
0x30: {  	s3 =	sld [smem:$0x3FB0]  }
0x31: {  	[smem:$0x3FB9] =	sst s10  }
0x32: {  	s10 =	sld [smem:$0x3FB7];
	_ =	sdelay $0x3  }
0x33: {  	p0 =	seq.s32 s10, $0x1;
	s10 =	sld [smem:$0x3FB9];
	_ =	sdelay $0x3  }
0x34: {  	[smem:$0x3FB9] =	sst s10  }
0x35: {  	s10 =	sld [smem:$0x3FB8];
	_ =	sdelay $0x3  }
0x36: {  	p1 =	seq.s32 s10, $0x1;
	s10 =	sld [smem:$0x3FB9];
	_ =	sdelay $0x3  }
0x37: {  	[smem:$0x3FB9] =	sst s10  }
0x38: {  	s10 =	sld [smem:$0x3FBA]  }
0x39: {  	_ = 	snop;
	(pc) =	sbr.ind lr, $3  }
0x3a: {  	_ = 	snop  }
0x3b: {  	_ = 	snop  }
0x3c: {  	p2 =	seq.s32 s10, $0x1;
	s10 =	sld [smem:$0x3FB9]  }
0x3d: {  	_ =	shalt  }
0x3e: {  	_ =	shalt  }
0x3f: {  	_ =	shalt  }
0x40: {  	_ =	shalt  }
0x41: {  	_ =	shalt  }
0x42: {  	_ =	shalt  }
0x43: {  	_ =	shalt  }
0x44: {  	_ =	shalt  }
0x45: {  	_ =	shalt  }
0x46: {  	_ =	shalt  }
0x47: {  	_ =	shalt  }
0x48: {  	_ =	shalt  }
0x49: {  	_ =	shalt  }
0x4a: {  	_ =	shalt  }
0x4b: {  	_ =	shalt  }
0x4c: {  	_ =	shalt  }
0x4d: {  	_ =	shalt  }
0x4e: {  	_ =	shalt  }
0x4f: {  	_ =	shalt  }
0x50: {  	_ =	shalt  }
0x51: {  	_ =	shalt  }
0x52: {  	_ =	shalt  }
0x53: {  	_ =	shalt  }
0x54: {  	_ =	shalt  }
0x55: {  	_ =	shalt  }
0x56: {  	_ =	shalt  }
0x57: {  	_ =	shalt  }
0x58: {  	_ =	shalt  }
0x59: {  	_ =	shalt  }
0x5a: {  	_ =	shalt  }
0x5b: {  	_ =	shalt  }
0x5c: {  	_ =	shalt  }
0x5d: {  	_ =	shalt  }
0x5e: {  	_ =	shalt  }
0x5f: {  	_ =	shalt  }
0x60: {  	_ =	shalt  }
0x61: {  	_ =	shalt  }
0x62: {  	_ =	shalt  }
0x63: {  	_ =	shalt  }
0x64: {  	_ =	shalt  }
0x65: {  	_ =	shalt  }
0x66: {  	_ =	shalt  }
0x67: {  	_ =	shalt  }
0x68: {  	_ =	shalt  }
0x69: {  	_ =	shalt  }
0x6a: {  	_ =	shalt  }
0x6b: {  	_ =	shalt  }
0x6c: {  	_ =	shalt  }
0x6d: {  	_ =	shalt  }
0x6e: {  	_ =	shalt  }
0x6f: {  	_ =	shalt  }
0x70: {  	_ =	shalt  }
0x71: {  	_ =	shalt  }
0x72: {  	_ =	shalt  }
0x73: {  	_ =	shalt  }
0x74: {  	_ =	shalt  }
0x75: {  	_ =	shalt  }
0x76: {  	_ =	shalt  }
0x77: {  	_ =	shalt  }
0x78: {  	_ =	shalt  }
0x79: {  	_ =	shalt  }
0x7a: {  	_ =	shalt  }
0x7b: {  	_ =	shalt  }
0x7c: {  	_ =	shalt  }
0x7d: {  	_ =	shalt  }
0x7e: {  	_ =	shalt  }
0x7f: {  	_ =	shalt  }
0x80: {  	_ =	shalt  }
0x81: {  	_ =	shalt  }
0x82: {  	_ =	shalt  }
0x83: {  	_ =	shalt  }
0x84: {  	_ =	shalt  }
0x85: {  	_ =	shalt  }
0x86: {  	_ =	shalt  }
0x87: {  	_ =	shalt  }
.Lfunc_end0:
.L_simem_size_0:
called_computation.2_lowered:
.L_overlay_start_0:
0x88: {  	s2 =	sld [smem:$0x3FD9]  }
0x89: {  	s3 =	sld [smem:$0x3FFE];
	_ =	sdelay $0x1  }
0x8a: {  	s1 =	srdreg.scid  }
0x8b: {  	s0 =	sand.u32 $0x1, s1  }
0x8c: {  	s16 =	sshll.u32 s0, $0xA;
	s2 =	sadd.s32 s3, s2  }
0x8d: {  	s2 =	sadd.s32 s2, s16  }
0x8e: {  	[smem:$0x3FC5] =	sst s2  }
0x8f: {  	_ = 	snop  }
0x90: {  	(tm) =	ssettm $0x1  }
0x91: {  	s17 =	sld [smem:$0x3FFB];
	_ =	sdelay $0x3  }
0x92: {  	_ =	strace s17  }
0x93: {  	s2 =	sld [smem:$0x3FFC];
	_ =	sdelay $0x3  }
0x94: {  	_ =	strace s2  }
0x95: {  	s2 =	sld [smem:$0x3FFD];
	_ =	sdelay $0x3  }
0x96: {  	_ =	strace s2  }
0x97: {  	_ =	strace $0x8FFFFFFF  }
0x98: {  	s18 =	sld [smem:$0x3FDB];
	_ =	sdelay $0x1  }
0x99: {  	s19 =	simm.s32 $_scs_section_size  }
0x9a: {  	s4 =	simm.s32 $_size__tile_overlayer_lowered;
	s5 =	simm.s32 $_tile_overlayer_lowered  }
0x9b: {  	s22 =	simm.s32 $0x1BFF;
	s21 =	sshll.u32 s5, $0x1;
	s2 =	sadd.s32 s19, s18  }
0x9c: {  	s6 =	simm.s32 $0x0;
	s20 =	sshll.u32 s4, $0x1;
	s4 =	sadd.s32 s21, s2  }
0x9d: {  	[timem:s6], [sflag:s22] =	dma.local [hbm:s4], s20  }
0x9e: {  	_ =	swait.ge [sflag:s22], s20  }
0x9f: {  	s3 =	ssub.s32 $0x0, s20;
	[sflag:s22] =	ssyncset.done $0x0  }
0xa0: {  	[sflag:s22] =	ssyncadd.s32 s3;
	_ =	sdelay $0x1  }
0xa1: {  	s23 =	simm.s32 $0x1B8B  }
0xa2: {  	_ =	swait.ge [sflag:s23], $0x1  }
0xa3: {  	[sflag:s23] =	ssyncset.done $0x0  }
0xa4: {  	s25 =	simm.s32 $0x1B8E;
	s24 =	sld [smem:$0x3FFE];
	[sflag:s23] =	ssyncadd.s32 $0xFFFFFFFF  }
0xa5: {  	s26 =	simm.s32 $execute0_lowered;
	[smem:$0x3FD2] =	sst s25  }
0xa6: {  	s4 =	sshll.u32 s26, $0x1;
	_ =	strace $0x8000004F;
	[dreg:$0x1] =	wrdreg $0xFFFFFFFF  }
0xa7: {  	s28 =	simm.s32 $_size_execute0_lowered;
	s2 =	sadd.s32 s2, s4;
	[dreg:$0x0] =	wrdreg $0x0  }
0xa8: {  	s4 =	sshll.u32 s28, $0x1;
	[dreg:$0x2] =	wrdreg s2  }
0xa9: {  	[dreg:$0x3] =	wrdreg s4  }
0xaa: {  	[dreg:$0x4] =	wrdreg $0xC0  }
0xab: {  	_ =	task [dreg:s6], $0x5FFFF  }
0xac: {  	[dreg:$0x1] =	wrdreg $0xFFFFFFFF  }
0xad: {  	[dreg:$0x0] =	wrdreg $0x60  }
0xae: {  	[dreg:$0x2] =	wrdreg s24  }
0xaf: {  	[dreg:$0x3] =	wrdreg $0x9  }
0xb0: {  	_ =	task.clear_ibuf [dreg:s6], $0x4FFFF;
	_ =	strace $0x9000004F  }
0xb1: {  	s29 =	simm.s32 $0x9;
	_ =	strace $0x80000051  }
0xb2: {  	_ =	swait.ge [sflag:s29], $0x1  }
0xb3: {  	[sflag:s29] =	ssyncadd.s32 $0xFFFFFFFF  }
0xb4: {  	_ =	strace $0x90000051  }
0xb5: {  	_ =	sfence  }
0xb6: {  	s30 =	sld [smem:$0x0];
	_ =	sdelay $0x2  }
0xb7: {  	s31 =	sshll.u32 s1, $0xD;
	s1 =	sshrl.u32 s1, $0x2  }
0xb8: {  	s3 =	sand.u32 $0x4000, s31;
	s1 =	sadd.s32 s1, s30  }
0xb9: {  	s0 =	sor.u32 s3, s0;
	s1 =	sshll.u32 s1, $0x11  }
0xba: {  	s0 =	sor.u32 s1, s0  }
0xbb: {  	s0 =	sadd.s32 $0x8F2B, s0  }
0xbc: {  	[sflag:s0] =	ssyncadd.remote.s32 $0x1  }
0xbd: {  	_ =	sfence.sel $0xFFFF  }
0xbe: {  	[dreg:$0x0] =	wrdreg $0xFFFFFFFF;
	(pc) =	sbr.abs _section_cstart, $3  }
0xbf: {  	[dreg:$0x1] =	wrdreg $0xFFFFFFFF  }
0xc0: {  	_ =	task.clear_ibuf [dreg:s6], $0x2FFFF;
	_ =	strace $0x9FFFFFFF  }
0xc1: {  	(tm) =	ssettm $0x7FFFFFFF  }
tec
execute0_lowered:
.L_overlay_start_1:
0x0: {  	(tag) =	ssettag $0x1  }
0x1: {  	s7 =	rddreg [dreg:$0x0]  }
0x2: {  	s0 =	rddreg [dreg:$0x1];
	_ =	strace $0x80000050  }
0x3: {  	s1 =	srdreg.scid;
	s4 =	simm.s32 $0x1;
	s9 =	simm.s32 $0x3  }
0x4: {  	s12 =	simm.s32 $0x0;
	s10 =	simm.s32 $0x0;
	s5 =	sshll.u32 s1, $0x4  }
.Ltmp0:
0x5: {  	s1 =	stileid.u32;
	s5 =	sand.u32 $0x10, s5;
	(pc) =	sbr.rel .LBB2_1-.Ltmp0, $4  }
0x6: {  	s2 =	sadd.s32 $0x7800, s7;
	s3 =	sadd.s32 $0x1000, s7;
	s6 =	sor.u32 s1, s5  }
0x7: {  	[sflag:s4] =	ssyncpa.u1 $0x0;
	s5 =	simm.s32 $0x2;
	s6 =	sshll.u32 s6, $0x6  }
0x8: {  	s7 =	sadd.s32 $0xF800, s7;
	[sflag:s5] =	ssyncpa.u1 $0x0;
	s8 =	sadd.s32 $0x40, s6  }
0x9: {  	vm0 =	vmmov $0xff;
	vm1 =	vcmask $0x3F20;
	[sflag:s9] =	ssyncpa.u1 $0x0;
	s9 =	simm.s32 $0x40;
	s11 =	smov.u32 s6  }
.LBB2_9:
0xa: {  	p0 =	seq.s32 s10, $0x2  }
.Ltmp1:
0xb: {  	_ = 	snop;
	(pc) =	sbr.rel @p0 .LBB2_11-.Ltmp1, $1  }
0xc: {  	_ =	sdelay $0x3  }
.LBB2_10:
0xd: {  	s12 =	sadd.s32 $0x40, s11  }
0xe: {  	s13 =	smov.u32 s6;
	p0 =	slt.s32 s12, s8  }
0xf: {  	s13 =	smov.u32 @p0 s12  }
0x10: {  	s10 =	sadd.s32 $0x1, s10;
	s12 =	smov.u32 s11;
	s11 =	smov.u32 s13  }
.LBB2_1:
0x11: {  	p0 =	sne.s32 s10, $0x0  }
.Ltmp2:
0x12: {  	_ = 	snop;
	(pc) =	sbr.rel @!p0 .LBB2_2-.Ltmp2, $1  }
0x13: {  	_ =	sdelay $0x3  }
0x14: {  	s13 =	sand.u32 $0x1, s10  }
0x15: {  	p0 =	seq.s32 s13, $0x0  }
.Ltmp3:
0x16: {  	_ = 	snop;
	(pc) =	sbr.rel @p0 .LBB2_9-.Ltmp3, $1  }
0x17: {  	_ =	sdelay $0x3  }
0x18: {  	_ =	swait.ge [sflag:s5], $0x40  }
0x19: {  	[sflag:s5] =	ssyncset.done $0x0  }
0x1a: {  	s13 =	simm.s32 $0x0;
	[sflag:s5] =	ssyncadd.s32 $0xFFFFFFC0  }
0x1b: {  	v0 =	vld.msk [tilespmem:s13+$0x40 ss:$0x1], $0xffff;
	_ =	sdelay $0x4  }
0x1c: {  	v1 =	vshll.u32 v0, $0x5  }
0x1d: {  	vm2 =	veq.s32 v0, $0x80000000;
	v0 =	vshll.u32 v0, $0x10;
	v1 =	vand.u32 $0xFF80, v1  }
0x1e: {  	v0 =	vand.u32 $0x30000, v0;
	v1 =	vsel vm2, $0xFFFFFF80, v1  }
0x1f: {  	v0 =	vsel vm2, $0xFFFF0000, v0;
	v2 =	vand.u32 $0xFFFFFC00, v1  }
0x20: {  	v1 =	vand.u32 $0x380, v1;
	v0 =	vadd.s32 v0, v2  }
0x21: {  	v0 =	vor.u32 v1, v0  }
0x22: {  	v0 =	vshrl.u32 v0, $0x3;
	_ =	sdelay $0x3  }
0x23: {  	s13 =	simm.s32 $0x2080  }
0x24: {  	[tilespmem:s13], [sflag:$0x1] =	stream.indirect_vreg.gather [hbm:s2], $0x80, v0, vm0, $0x38;
	[tilespmem:$0x4080] =	vst v63  }
0x25: {  	s14 =	simm.s32 $0x2480;
	s31 =	simm.s32 $0x10  }
0x26: {  	[tilespmem:s14], [sflag:$0x1] =	stream.indirect_vreg.gather [hbm:s2], $0x80, v0, vm1, $0x38;
	[tilespmem:$0x4080] =	vst v63  }
0x27: {  	s14 =	simm.s32 $0x80;
	v0 =	vld.msk [tilespmem:s31+$0x40 ss:$0x1], $0xffff  }
.LBB2_5:
0x28: {  	p0 =	sne.s32 s14, $0xC0;
	_ =	sdelay $0x4  }
0x29: {  	v1 =	vshll.u32 v0, $0x5  }
0x2a: {  	vm2 =	veq.s32 v0, $0x80000000;
	v0 =	vshll.u32 v0, $0x10;
	v1 =	vand.u32 $0xFF80, v1  }
0x2b: {  	v0 =	vand.u32 $0x30000, v0;
	v1 =	vsel vm2, $0xFFFFFF80, v1  }
0x2c: {  	v0 =	vsel vm2, $0xFFFF0000, v0;
	v2 =	vand.u32 $0xFFFFFC00, v1  }
0x2d: {  	v1 =	vand.u32 $0x380, v1;
	v0 =	vadd.s32 v0, v2  }
0x2e: {  	v0 =	vor.u32 v1, v0  }
0x2f: {  	v0 =	vshrl.u32 v0, $0x3;
	_ =	sdelay $0x3  }
.Ltmp4:
0x30: {  	s13 =	sadd.s32 $0x800, s13;
	(pc) =	sbr.rel @p0 .LBB2_5-.Ltmp4, $4  }
0x31: {  	[tilespmem:s13], [sflag:$0x1] =	stream.indirect_vreg.gather [hbm:s2], $0x80, v0, vm0, $0x38;
	[tilespmem:$0x4080] =	vst v63  }
0x32: {  	s15 =	sshra.s32 s14, $0x2;
	s16 =	sadd.s32 $0x400, s13  }
0x33: {  	[tilespmem:s16], [sflag:$0x1] =	stream.indirect_vreg.gather [hbm:s2], $0x80, v0, vm1, $0x38;
	[tilespmem:$0x4080] =	vst v63  }
0x34: {  	s14 =	sadd.s32 $0x40, s14;
	v0 =	vld.msk [tilespmem:s15+$0x40 ss:$0x1], $0xffff  }
0x35: {  	_ =	sdelay $0x3  }
0x36: {  	v1 =	vshll.u32 v0, $0x5  }
0x37: {  	vm2 =	veq.s32 v0, $0x80000000;
	v63 =	vshll.u32 v0, $0x10;
	v1 =	vand.u32 $0xFF80, v1  }
0x38: {  	v0 =	vand.u32 $0x30000, v63;
	v1 =	vsel vm2, $0xFFFFFF80, v1  }
0x39: {  	v0 =	vsel vm2, $0xFFFF0000, v0;
	v2 =	vand.u32 $0xFFFFFC00, v1  }
0x3a: {  	v1 =	vand.u32 $0x380, v1;
	v0 =	vadd.s32 v0, v2  }
0x3b: {  	v0 =	vor.u32 v1, v0  }
0x3c: {  	v0 =	vshrl.u32 v0, $0x3;
	_ =	sdelay $0x3  }
0x3d: {  	s13 =	sadd.s32 $0x800, s13  }
0x3e: {  	[tilespmem:s13], [sflag:$0x1] =	stream.indirect_vreg.gather [hbm:s2], $0x80, v0, vm0, $0x38;
	[tilespmem:$0x4080] =	vst v63  }
0x3f: {  	s13 =	sadd.s32 $0x400, s13  }
0x40: {  	[tilespmem:s13], [sflag:$0x1] =	stream.indirect_vreg.gather [hbm:s2], $0x80, v0, vm1, $0x38;
	[tilespmem:$0x4080] =	vst v63  }
0x41: {  	s12 =	sshll.u32 s12, $0x4;
	s14 =	simm.s32 $0x80;
	_ =	swait.ge [sflag:s4], $0x2000  }
0x42: {  	s15 =	simm.s32 $0x2480;
	s12 =	sadd.s32 s12, s7;
	[sflag:s4] =	ssyncset.done $0x0  }
0x43: {  	s16 =	sadd.s32 $0x0, s12;
	s13 =	simm.s32 $0x2080;
	[sflag:s4] =	ssyncadd.s32 $0xFFFFE000  }
.LBB2_7:
0x44: {  	[hbm:s16] =	stream.linear.scatter [tilespmem:s13], [sflag:$0x3], $0x400, $0x38;
	[tilespmem:$0x4080] =	vst v63  }
0x45: {  	s16 =	smov.u32 s14;
	s13 =	smov.u32 s15;
	p0 =	sne.s32 s14, $0x380  }
.Ltmp5:
0x46: {  	s14 =	sadd.s32 $0x80, s14;
	(pc) =	sbr.rel @p0 .LBB2_7-.Ltmp5, $2  }
0x47: {  	_ =	sdelay $0x2  }
0x48: {  	s15 =	sadd.s32 $0x400, s15;
	s16 =	sadd.s32 s16, s12  }
.Ltmp6:
0x49: {  	(pc) =	sbr.rel .LBB2_9-.Ltmp6, $2  }
0x4a: {  	_ =	sdelay $0x2  }
0x4b: {  	[hbm:s16] =	stream.linear.scatter [tilespmem:s13], [sflag:$0x3], $0x400, $0x38;
	[tilespmem:$0x4080] =	vst v63  }
.LBB2_2:
.Ltmp7:
0x4c: {  	(pc) =	sbr.rel .LBB2_10-.Ltmp7, $4  }
0x4d: {  	_ = 	snop  }
0x4e: {  	s12 =	sshrl.u32 s11, $0x3  }
0x4f: {  	s13 =	sand.u32 $0x7, s11;
	s12 =	sadd.s32 s3, s12  }
0x50: {  	[tilespmem:s9], [sflag:$0x2] =	stream.linear.gather [hbm4b:s12+s13], $0x40, $0x38;
	[tilespmem:$0x4080] =	vst v63  }
.LBB2_11:
0x51: {  	s2 =	simm.s32 $0x3  }
0x52: {  	_ =	swait.ge [sflag:s2], $0x2000  }
0x53: {  	[sflag:s2] =	ssyncset.done $0x0  }
0x54: {  	[sflag:s2] =	ssyncadd.s32 $0xFFFFE000  }
0x55: {  	_ =	sfence.sel $0x180000  }
0x56: {  	s3 =	simm.s32 $0x2;
	[bflag:$0x0] =	sbarrier.arrive $0xFFFF  }
0x57: {  	[sflag:s3] =	ssyncpa.u1 $0x1  }
0x58: {  	s31 =	simm.s32 $0x1;
	[sflag:s2] =	ssyncpa.u1 $0x1  }
0x59: {  	[sflag:s31] =	ssyncpa.u1 $0x1  }
0x5a: {  	p0 =	sne.s32 s1, $0x0;
	_ =	strace $0x90000050  }
0x5b: {  	s0 =	sadd.s32 @!p0 $0x100000, s0;
	[bflag:$0x2] =	sbarrier.arrive $0xFFFF  }
0x5c: {  	[sflag:s0] =	ssyncadd.tile.s32 @!p0 $0x1;
	_ =	shalt  }
.Lfunc_end2:
_tile_overlayer_lowered:
.L_overlay_start_2:
0x5d: {  	(tag) =	ssettag $0x2  }
0x5e: {  	s0 =	rddreg [dreg:$0x0];
	s2 =	stileid.u32  }
0x5f: {  	s1 =	rddreg [dreg:$0x1];
	p0 =	sne.s32 s2, $0x0  }
0x60: {  	s3 =	rddreg [dreg:$0x2];
	[bflag:$0x3] =	sbarrier.arrive $0xFFFF;
	s2 =	simm.s32 @!p0 $0x1C01  }
0x61: {  	[timem:s3], [sflag:s2] =	dma.local @!p0 [hbm:s0], s1  }
0x62: {  	s0 =	simm.s32 @!p0 $0x1  }
0x63: {  	_ =	swait.ge @!p0 [sflag:s0], s1  }
0x64: {  	s1 =	ssub.s32 @!p0 $0x0, s1;
	[sflag:s0] =	ssyncset.done @!p0 $0x0  }
0x65: {  	[sflag:s0] =	ssyncadd.s32 @!p0 s1  }
0x66: {  	[bflag:$0x3] =	sbarrier.arrive $0xFFFF  }
0x67: {  	_ =	shalt  }

// kernel: gather_offload_async_start
scs
__scs_entry_jumppad:
0x0: {  	(pc) =	sbr.rel $0x88, $3  }
0x1: {  	(tag) =	ssettag $0x0;
	lr =	simm.s32 $0x1  }
0x2: {  	[smem:$0x3F9E] =	sst lr;
	_ =	strace $0xD0000000  }
0x3: {  	_ = 	snop  }
0x4: {  	_ = 	snop  }
0x5: {  	_ = 	snop  }
0x6: {  	_ = 	snop  }
0x7: {  	_ = 	snop  }
__scs_overlays_trampoline_lowered:
0x8: {  	[smem:$0x3FAD] =	sst s0  }
0x9: {  	[smem:$0x3FAE] =	sst s1  }
0xa: {  	[smem:$0x3FAF] =	sst s2  }
0xb: {  	[smem:$0x3FB0] =	sst s3  }
0xc: {  	[smem:$0x3FB1] =	sst s4  }
0xd: {  	[smem:$0x3FB2] =	sst s5  }
0xe: {  	[smem:$0x3FB3] =	sst s6  }
0xf: {  	[smem:$0x3FB4] =	sst s7  }
0x10: {  	[smem:$0x3FB5] =	sst s8  }
0x11: {  	[smem:$0x3FB6] =	sst s9;
	s0 =	simm.s32 @!p0 $0x0  }
0x12: {  	s1 =	sld [smem:$0x3F9C];
	s0 =	simm.s32 @p0 $0x1  }
0x13: {  	[smem:$0x3FB7] =	sst s0;
	s0 =	simm.s32 @!p1 $0x0  }
0x14: {  	s2 =	sld [smem:$0x3F9B];
	s0 =	simm.s32 @p1 $0x1  }
0x15: {  	[smem:$0x3FB8] =	sst s0;
	s0 =	simm.s32 @!p2 $0x0  }
0x16: {  	s3 =	sld [smem:$0x3FDB];
	s0 =	simm.s32 @p2 $0x1  }
0x17: {  	s4 =	simm.s32 $0x1BF5;
	[smem:$0x3FBA] =	sst s0  }
0x18: {  	s0 =	sld [smem:$0x3F9D];
	_ =	swait.ge [sflag:s4], $0x0  }
0x19: {  	s7 =	sld [smem:$0x3F9E]  }
0x1a: {  	s8 =	sadd.s32 $0xFFFFE003, lr  }
0x1b: {  	s9 =	sadd.s32 $0xFFFFFEF7, lr;
	s5 =	simm.s32 $0xFFFFFFFF;
	p2 =	slt.u32 s8, $0xFFFFF086  }
0x1c: {  	p1 =	slt.u32 s9, $0xF7A;
	s5 =	simm.s32 @!p2 $0x0  }
0x1d: {  	s5 =	simm.s32 @p1 $0x1;
	p0 =	seq.s32 s7, s2  }
0x1e: {  	s7 =	smul.u32 @!p0 $0xF7A, s2;
	p2 =	seq.s32 @!p0 s5, $0x0  }
0x1f: {  	s9 =	smul.u32 $0xF7A, s1;
	s8 =	simm.s32 @!p0 $0x1BF5;
	p2 =	por !p2, p0  }
0x20: {  	[sflag:s8] =	ssyncset.s32 @!p0 $0xFFFFF086;
	s6 =	sadd.s32 @!p0 s3, s7;
	s7 =	simm.s32 @!p0 $0x108  }
0x21: {  	s3 =	sadd.s32 s3, s9;
	s6 =	sadd.s32 @!p0 $0x88, s6;
	s7 =	simm.s32 @p2 $0x1082  }
0x22: {  	[simem:s7], [sflag:s8] =	dma.local @!p0 [hbm:s6], $0xF7A  }
0x23: {  	s9 =	sor.u32 $0xD0000000, s2;
	s6 =	simm.s32 $0x108;
	_ =	swait.ge @!p0 [sflag:s8], $0x0  }
0x24: {  	s3 =	sadd.s32 $0x88, s3;
	s6 =	simm.s32 @!p1 $0x1082;
	[sflag:s4] =	ssyncset.s32 $0xFFFFF086  }
0x25: {  	[simem:s6], [sflag:s4] =	dma.local [hbm:s3], $0xF7A  }
0x26: {  	[smem:$0x3F9E] =	sst s1;
	(tag) =	ssettag s2;
	_ =	strace s9  }
0x27: {  	s1 =	sld [smem:$0x3FAE]  }
0x28: {  	s2 =	sld [smem:$0x3FAF]  }
0x29: {  	s4 =	sld [smem:$0x3FB1]  }
0x2a: {  	p0 =	seq.s32 s5, $0x0;
	s5 =	sld [smem:$0x3FB2]  }
0x2b: {  	s6 =	sld [smem:$0x3FB3]  }
0x2c: {  	s7 =	sld [smem:$0x3FB4]  }
0x2d: {  	s3 =	simm.s32 $0x108;
	s8 =	sld [smem:$0x3FB5]  }
0x2e: {  	s3 =	simm.s32 @!p0 $0x1082;
	s9 =	sld [smem:$0x3FB6]  }
0x2f: {  	lr =	sadd.s32 s0, s3;
	s0 =	sld [smem:$0x3FAD]  }
0x30: {  	s3 =	sld [smem:$0x3FB0]  }
0x31: {  	[smem:$0x3FB9] =	sst s10  }
0x32: {  	s10 =	sld [smem:$0x3FB7];
	_ =	sdelay $0x3  }
0x33: {  	p0 =	seq.s32 s10, $0x1;
	s10 =	sld [smem:$0x3FB9];
	_ =	sdelay $0x3  }
0x34: {  	[smem:$0x3FB9] =	sst s10  }
0x35: {  	s10 =	sld [smem:$0x3FB8];
	_ =	sdelay $0x3  }
0x36: {  	p1 =	seq.s32 s10, $0x1;
	s10 =	sld [smem:$0x3FB9];
	_ =	sdelay $0x3  }
0x37: {  	[smem:$0x3FB9] =	sst s10  }
0x38: {  	s10 =	sld [smem:$0x3FBA]  }
0x39: {  	_ = 	snop;
	(pc) =	sbr.ind lr, $3  }
0x3a: {  	_ = 	snop  }
0x3b: {  	_ = 	snop  }
0x3c: {  	p2 =	seq.s32 s10, $0x1;
	s10 =	sld [smem:$0x3FB9]  }
0x3d: {  	_ =	shalt  }
0x3e: {  	_ =	shalt  }
0x3f: {  	_ =	shalt  }
0x40: {  	_ =	shalt  }
0x41: {  	_ =	shalt  }
0x42: {  	_ =	shalt  }
0x43: {  	_ =	shalt  }
0x44: {  	_ =	shalt  }
0x45: {  	_ =	shalt  }
0x46: {  	_ =	shalt  }
0x47: {  	_ =	shalt  }
0x48: {  	_ =	shalt  }
0x49: {  	_ =	shalt  }
0x4a: {  	_ =	shalt  }
0x4b: {  	_ =	shalt  }
0x4c: {  	_ =	shalt  }
0x4d: {  	_ =	shalt  }
0x4e: {  	_ =	shalt  }
0x4f: {  	_ =	shalt  }
0x50: {  	_ =	shalt  }
0x51: {  	_ =	shalt  }
0x52: {  	_ =	shalt  }
0x53: {  	_ =	shalt  }
0x54: {  	_ =	shalt  }
0x55: {  	_ =	shalt  }
0x56: {  	_ =	shalt  }
0x57: {  	_ =	shalt  }
0x58: {  	_ =	shalt  }
0x59: {  	_ =	shalt  }
0x5a: {  	_ =	shalt  }
0x5b: {  	_ =	shalt  }
0x5c: {  	_ =	shalt  }
0x5d: {  	_ =	shalt  }
0x5e: {  	_ =	shalt  }
0x5f: {  	_ =	shalt  }
0x60: {  	_ =	shalt  }
0x61: {  	_ =	shalt  }
0x62: {  	_ =	shalt  }
0x63: {  	_ =	shalt  }
0x64: {  	_ =	shalt  }
0x65: {  	_ =	shalt  }
0x66: {  	_ =	shalt  }
0x67: {  	_ =	shalt  }
0x68: {  	_ =	shalt  }
0x69: {  	_ =	shalt  }
0x6a: {  	_ =	shalt  }
0x6b: {  	_ =	shalt  }
0x6c: {  	_ =	shalt  }
0x6d: {  	_ =	shalt  }
0x6e: {  	_ =	shalt  }
0x6f: {  	_ =	shalt  }
0x70: {  	_ =	shalt  }
0x71: {  	_ =	shalt  }
0x72: {  	_ =	shalt  }
0x73: {  	_ =	shalt  }
0x74: {  	_ =	shalt  }
0x75: {  	_ =	shalt  }
0x76: {  	_ =	shalt  }
0x77: {  	_ =	shalt  }
0x78: {  	_ =	shalt  }
0x79: {  	_ =	shalt  }
0x7a: {  	_ =	shalt  }
0x7b: {  	_ =	shalt  }
0x7c: {  	_ =	shalt  }
0x7d: {  	_ =	shalt  }
0x7e: {  	_ =	shalt  }
0x7f: {  	_ =	shalt  }
0x80: {  	_ =	shalt  }
0x81: {  	_ =	shalt  }
0x82: {  	_ =	shalt  }
0x83: {  	_ =	shalt  }
0x84: {  	_ =	shalt  }
0x85: {  	_ =	shalt  }
0x86: {  	_ =	shalt  }
0x87: {  	_ =	shalt  }
.Lfunc_end0:
.L_simem_size_0:
called_computation_lowered:
.L_overlay_start_0:
0x88: {  	s2 =	sld [smem:$0x3FD9]  }
0x89: {  	s3 =	sld [smem:$0x3FFE];
	_ =	sdelay $0x1  }
0x8a: {  	s1 =	srdreg.scid  }
0x8b: {  	s0 =	sand.u32 $0x1, s1  }
0x8c: {  	s16 =	sshll.u32 s0, $0xA;
	s2 =	sadd.s32 s3, s2  }
0x8d: {  	s2 =	sadd.s32 s2, s16  }
0x8e: {  	[smem:$0x3FC5] =	sst s2  }
0x8f: {  	_ = 	snop  }
0x90: {  	(tm) =	ssettm $0x1  }
0x91: {  	s17 =	sld [smem:$0x3FFB];
	_ =	sdelay $0x3  }
0x92: {  	_ =	strace s17  }
0x93: {  	s2 =	sld [smem:$0x3FFC];
	_ =	sdelay $0x3  }
0x94: {  	_ =	strace s2  }
0x95: {  	s2 =	sld [smem:$0x3FFD];
	_ =	sdelay $0x3  }
0x96: {  	_ =	strace s2  }
0x97: {  	_ =	strace $0x8FFFFFFF  }
0x98: {  	s18 =	sld [smem:$0x3FDB];
	_ =	sdelay $0x1  }
0x99: {  	s19 =	simm.s32 $_scs_section_size  }
0x9a: {  	s4 =	simm.s32 $_size__tile_overlayer_lowered;
	s5 =	simm.s32 $_tile_overlayer_lowered  }
0x9b: {  	s22 =	simm.s32 $0x1BFF;
	s21 =	sshll.u32 s5, $0x1;
	s2 =	sadd.s32 s19, s18  }
0x9c: {  	s6 =	simm.s32 $0x0;
	s20 =	sshll.u32 s4, $0x1;
	s4 =	sadd.s32 s21, s2  }
0x9d: {  	[timem:s6], [sflag:s22] =	dma.local [hbm:s4], s20  }
0x9e: {  	_ =	swait.ge [sflag:s22], s20  }
0x9f: {  	s3 =	ssub.s32 $0x0, s20;
	[sflag:s22] =	ssyncset.done $0x0  }
0xa0: {  	[sflag:s22] =	ssyncadd.s32 s3;
	_ =	sdelay $0x1  }
0xa1: {  	s23 =	simm.s32 $0x1B8B  }
0xa2: {  	_ =	swait.ge [sflag:s23], $0x1  }
0xa3: {  	[sflag:s23] =	ssyncset.done $0x0  }
0xa4: {  	s25 =	simm.s32 $0x1B8E;
	s24 =	sld [smem:$0x3FFE];
	[sflag:s23] =	ssyncadd.s32 $0xFFFFFFFF  }
0xa5: {  	s26 =	simm.s32 $execute0_lowered;
	[smem:$0x3FD2] =	sst s25  }
0xa6: {  	s4 =	sshll.u32 s26, $0x1;
	_ =	strace $0x8000004C;
	[dreg:$0x1] =	wrdreg $0xFFFFFFFF  }
0xa7: {  	s28 =	simm.s32 $_size_execute0_lowered;
	s2 =	sadd.s32 s2, s4;
	[dreg:$0x0] =	wrdreg $0x0  }
0xa8: {  	s4 =	sshll.u32 s28, $0x1;
	[dreg:$0x2] =	wrdreg s2  }
0xa9: {  	[dreg:$0x3] =	wrdreg s4  }
0xaa: {  	[dreg:$0x4] =	wrdreg $0xC0  }
0xab: {  	_ =	task [dreg:s6], $0x5FFFF  }
0xac: {  	[dreg:$0x1] =	wrdreg $0xFFFFFFFF  }
0xad: {  	[dreg:$0x0] =	wrdreg $0x60  }
0xae: {  	[dreg:$0x2] =	wrdreg s24  }
0xaf: {  	[dreg:$0x3] =	wrdreg $0x9  }
0xb0: {  	_ =	task.clear_ibuf [dreg:s6], $0x4FFFF;
	_ =	strace $0x9000004C  }
0xb1: {  	s29 =	simm.s32 $0x9;
	_ =	strace $0x8000004E  }
0xb2: {  	_ =	swait.ge [sflag:s29], $0x1  }
0xb3: {  	[sflag:s29] =	ssyncadd.s32 $0xFFFFFFFF  }
0xb4: {  	_ =	strace $0x9000004E  }
0xb5: {  	_ =	sfence  }
0xb6: {  	s30 =	sld [smem:$0x0];
	_ =	sdelay $0x2  }
0xb7: {  	s31 =	sshll.u32 s1, $0xD;
	s1 =	sshrl.u32 s1, $0x2  }
0xb8: {  	s3 =	sand.u32 $0x4000, s31;
	s1 =	sadd.s32 s1, s30  }
0xb9: {  	s0 =	sor.u32 s3, s0;
	s1 =	sshll.u32 s1, $0x11  }
0xba: {  	s0 =	sor.u32 s1, s0  }
0xbb: {  	s0 =	sadd.s32 $0x8F2B, s0  }
0xbc: {  	[sflag:s0] =	ssyncadd.remote.s32 $0x1  }
0xbd: {  	_ =	sfence.sel $0xFFFF  }
0xbe: {  	[dreg:$0x0] =	wrdreg $0xFFFFFFFF;
	(pc) =	sbr.abs _section_cstart, $3  }
0xbf: {  	[dreg:$0x1] =	wrdreg $0xFFFFFFFF  }
0xc0: {  	_ =	task.clear_ibuf [dreg:s6], $0x2FFFF;
	_ =	strace $0x9FFFFFFF  }
0xc1: {  	(tm) =	ssettm $0x7FFFFFFF  }
tec
execute0_lowered:
.L_overlay_start_1:
0x0: {  	(tag) =	ssettag $0x1  }
0x1: {  	s7 =	rddreg [dreg:$0x0]  }
0x2: {  	s0 =	rddreg [dreg:$0x1];
	_ =	strace $0x8000004D  }
0x3: {  	s1 =	srdreg.scid;
	s4 =	simm.s32 $0x1;
	s9 =	simm.s32 $0x3  }
0x4: {  	s12 =	simm.s32 $0x0;
	s10 =	simm.s32 $0x0;
	s5 =	sshll.u32 s1, $0x4  }
.Ltmp0:
0x5: {  	s1 =	stileid.u32;
	s5 =	sand.u32 $0x10, s5;
	(pc) =	sbr.rel .LBB2_1-.Ltmp0, $4  }
0x6: {  	s2 =	sadd.s32 $0xF800, s7;
	s3 =	sadd.s32 $0x1000, s7;
	s6 =	sor.u32 s1, s5  }
0x7: {  	[sflag:s4] =	ssyncpa.u1 $0x0;
	s5 =	simm.s32 $0x2;
	s6 =	sshll.u32 s6, $0x6  }
0x8: {  	s7 =	sadd.s32 $0x17800, s7;
	[sflag:s5] =	ssyncpa.u1 $0x0;
	s8 =	sadd.s32 $0x40, s6  }
0x9: {  	vm0 =	vmmov $0xff;
	vm1 =	vcmask $0x3F20;
	[sflag:s9] =	ssyncpa.u1 $0x0;
	s9 =	simm.s32 $0x40;
	s11 =	smov.u32 s6  }
.LBB2_9:
0xa: {  	p0 =	seq.s32 s10, $0x2  }
.Ltmp1:
0xb: {  	_ = 	snop;
	(pc) =	sbr.rel @p0 .LBB2_11-.Ltmp1, $1  }
0xc: {  	_ =	sdelay $0x3  }
.LBB2_10:
0xd: {  	s12 =	sadd.s32 $0x40, s11  }
0xe: {  	s13 =	smov.u32 s6;
	p0 =	slt.s32 s12, s8  }
0xf: {  	s13 =	smov.u32 @p0 s12  }
0x10: {  	s10 =	sadd.s32 $0x1, s10;
	s12 =	smov.u32 s11;
	s11 =	smov.u32 s13  }
.LBB2_1:
0x11: {  	p0 =	sne.s32 s10, $0x0  }
.Ltmp2:
0x12: {  	_ = 	snop;
	(pc) =	sbr.rel @!p0 .LBB2_2-.Ltmp2, $1  }
0x13: {  	_ =	sdelay $0x3  }
0x14: {  	s13 =	sand.u32 $0x1, s10  }
0x15: {  	p0 =	seq.s32 s13, $0x0  }
.Ltmp3:
0x16: {  	_ = 	snop;
	(pc) =	sbr.rel @p0 .LBB2_9-.Ltmp3, $1  }
0x17: {  	_ =	sdelay $0x3  }
0x18: {  	_ =	swait.ge [sflag:s5], $0x40  }
0x19: {  	[sflag:s5] =	ssyncset.done $0x0  }
0x1a: {  	s13 =	simm.s32 $0x0;
	[sflag:s5] =	ssyncadd.s32 $0xFFFFFFC0  }
0x1b: {  	v0 =	vld.msk [tilespmem:s13+$0x40 ss:$0x1], $0xffff;
	_ =	sdelay $0x4  }
0x1c: {  	v1 =	vshll.u32 v0, $0x5  }
0x1d: {  	vm2 =	veq.s32 v0, $0x80000000;
	v0 =	vshll.u32 v0, $0x10;
	v1 =	vand.u32 $0xFF80, v1  }
0x1e: {  	v0 =	vand.u32 $0x30000, v0;
	v1 =	vsel vm2, $0xFFFFFF80, v1  }
0x1f: {  	v0 =	vsel vm2, $0xFFFF0000, v0;
	v2 =	vand.u32 $0xFFFFFC00, v1  }
0x20: {  	v1 =	vand.u32 $0x380, v1;
	v0 =	vadd.s32 v0, v2  }
0x21: {  	v0 =	vor.u32 v1, v0  }
0x22: {  	v0 =	vshrl.u32 v0, $0x3;
	_ =	sdelay $0x3  }
0x23: {  	s13 =	simm.s32 $0x2080  }
0x24: {  	[tilespmem:s13], [sflag:$0x1] =	stream.indirect_vreg.gather [hbm:s2], $0x80, v0, vm0, $0x38;
	[tilespmem:$0x4080] =	vst v63  }
0x25: {  	s14 =	simm.s32 $0x2480;
	s31 =	simm.s32 $0x10  }
0x26: {  	[tilespmem:s14], [sflag:$0x1] =	stream.indirect_vreg.gather [hbm:s2], $0x80, v0, vm1, $0x38;
	[tilespmem:$0x4080] =	vst v63  }
0x27: {  	s14 =	simm.s32 $0x80;
	v0 =	vld.msk [tilespmem:s31+$0x40 ss:$0x1], $0xffff  }
.LBB2_5:
0x28: {  	p0 =	sne.s32 s14, $0xC0;
	_ =	sdelay $0x4  }
0x29: {  	v1 =	vshll.u32 v0, $0x5  }
0x2a: {  	vm2 =	veq.s32 v0, $0x80000000;
	v0 =	vshll.u32 v0, $0x10;
	v1 =	vand.u32 $0xFF80, v1  }
0x2b: {  	v0 =	vand.u32 $0x30000, v0;
	v1 =	vsel vm2, $0xFFFFFF80, v1  }
0x2c: {  	v0 =	vsel vm2, $0xFFFF0000, v0;
	v2 =	vand.u32 $0xFFFFFC00, v1  }
0x2d: {  	v1 =	vand.u32 $0x380, v1;
	v0 =	vadd.s32 v0, v2  }
0x2e: {  	v0 =	vor.u32 v1, v0  }
0x2f: {  	v0 =	vshrl.u32 v0, $0x3;
	_ =	sdelay $0x3  }
.Ltmp4:
0x30: {  	s13 =	sadd.s32 $0x800, s13;
	(pc) =	sbr.rel @p0 .LBB2_5-.Ltmp4, $4  }
0x31: {  	[tilespmem:s13], [sflag:$0x1] =	stream.indirect_vreg.gather [hbm:s2], $0x80, v0, vm0, $0x38;
	[tilespmem:$0x4080] =	vst v63  }
0x32: {  	s15 =	sshra.s32 s14, $0x2;
	s16 =	sadd.s32 $0x400, s13  }
0x33: {  	[tilespmem:s16], [sflag:$0x1] =	stream.indirect_vreg.gather [hbm:s2], $0x80, v0, vm1, $0x38;
	[tilespmem:$0x4080] =	vst v63  }
0x34: {  	s14 =	sadd.s32 $0x40, s14;
	v0 =	vld.msk [tilespmem:s15+$0x40 ss:$0x1], $0xffff  }
0x35: {  	_ =	sdelay $0x3  }
0x36: {  	v1 =	vshll.u32 v0, $0x5  }
0x37: {  	vm2 =	veq.s32 v0, $0x80000000;
	v63 =	vshll.u32 v0, $0x10;
	v1 =	vand.u32 $0xFF80, v1  }
0x38: {  	v0 =	vand.u32 $0x30000, v63;
	v1 =	vsel vm2, $0xFFFFFF80, v1  }
0x39: {  	v0 =	vsel vm2, $0xFFFF0000, v0;
	v2 =	vand.u32 $0xFFFFFC00, v1  }
0x3a: {  	v1 =	vand.u32 $0x380, v1;
	v0 =	vadd.s32 v0, v2  }
0x3b: {  	v0 =	vor.u32 v1, v0  }
0x3c: {  	v0 =	vshrl.u32 v0, $0x3;
	_ =	sdelay $0x3  }
0x3d: {  	s13 =	sadd.s32 $0x800, s13  }
0x3e: {  	[tilespmem:s13], [sflag:$0x1] =	stream.indirect_vreg.gather [hbm:s2], $0x80, v0, vm0, $0x38;
	[tilespmem:$0x4080] =	vst v63  }
0x3f: {  	s13 =	sadd.s32 $0x400, s13  }
0x40: {  	[tilespmem:s13], [sflag:$0x1] =	stream.indirect_vreg.gather [hbm:s2], $0x80, v0, vm1, $0x38;
	[tilespmem:$0x4080] =	vst v63  }
0x41: {  	s12 =	sshll.u32 s12, $0x4;
	s14 =	simm.s32 $0x80;
	_ =	swait.ge [sflag:s4], $0x2000  }
0x42: {  	s15 =	simm.s32 $0x2480;
	s12 =	sadd.s32 s12, s7;
	[sflag:s4] =	ssyncset.done $0x0  }
0x43: {  	s16 =	sadd.s32 $0x0, s12;
	s13 =	simm.s32 $0x2080;
	[sflag:s4] =	ssyncadd.s32 $0xFFFFE000  }
.LBB2_7:
0x44: {  	[hbm:s16] =	stream.linear.scatter [tilespmem:s13], [sflag:$0x3], $0x400, $0x38;
	[tilespmem:$0x4080] =	vst v63  }
0x45: {  	s16 =	smov.u32 s14;
	s13 =	smov.u32 s15;
	p0 =	sne.s32 s14, $0x380  }
.Ltmp5:
0x46: {  	s14 =	sadd.s32 $0x80, s14;
	(pc) =	sbr.rel @p0 .LBB2_7-.Ltmp5, $2  }
0x47: {  	_ =	sdelay $0x2  }
0x48: {  	s15 =	sadd.s32 $0x400, s15;
	s16 =	sadd.s32 s16, s12  }
.Ltmp6:
0x49: {  	(pc) =	sbr.rel .LBB2_9-.Ltmp6, $2  }
0x4a: {  	_ =	sdelay $0x2  }
0x4b: {  	[hbm:s16] =	stream.linear.scatter [tilespmem:s13], [sflag:$0x3], $0x400, $0x38;
	[tilespmem:$0x4080] =	vst v63  }
.LBB2_2:
.Ltmp7:
0x4c: {  	(pc) =	sbr.rel .LBB2_10-.Ltmp7, $4  }
0x4d: {  	_ = 	snop  }
0x4e: {  	s12 =	sshrl.u32 s11, $0x3  }
0x4f: {  	s13 =	sand.u32 $0x7, s11;
	s12 =	sadd.s32 s3, s12  }
0x50: {  	[tilespmem:s9], [sflag:$0x2] =	stream.linear.gather [hbm4b:s12+s13], $0x40, $0x38;
	[tilespmem:$0x4080] =	vst v63  }
.LBB2_11:
0x51: {  	s2 =	simm.s32 $0x3  }
0x52: {  	_ =	swait.ge [sflag:s2], $0x2000  }
0x53: {  	[sflag:s2] =	ssyncset.done $0x0  }
0x54: {  	[sflag:s2] =	ssyncadd.s32 $0xFFFFE000  }
0x55: {  	_ =	sfence.sel $0x180000  }
0x56: {  	s3 =	simm.s32 $0x2;
	[bflag:$0x0] =	sbarrier.arrive $0xFFFF  }
0x57: {  	[sflag:s3] =	ssyncpa.u1 $0x1  }
0x58: {  	s31 =	simm.s32 $0x1;
	[sflag:s2] =	ssyncpa.u1 $0x1  }
0x59: {  	[sflag:s31] =	ssyncpa.u1 $0x1  }
0x5a: {  	p0 =	sne.s32 s1, $0x0;
	_ =	strace $0x9000004D  }
0x5b: {  	s0 =	sadd.s32 @!p0 $0x100000, s0;
	[bflag:$0x2] =	sbarrier.arrive $0xFFFF  }
0x5c: {  	[sflag:s0] =	ssyncadd.tile.s32 @!p0 $0x1;
	_ =	shalt  }
.Lfunc_end2:
_tile_overlayer_lowered:
.L_overlay_start_2:
0x5d: {  	(tag) =	ssettag $0x2  }
0x5e: {  	s0 =	rddreg [dreg:$0x0];
	s2 =	stileid.u32  }
0x5f: {  	s1 =	rddreg [dreg:$0x1];
	p0 =	sne.s32 s2, $0x0  }
0x60: {  	s3 =	rddreg [dreg:$0x2];
	[bflag:$0x3] =	sbarrier.arrive $0xFFFF;
	s2 =	simm.s32 @!p0 $0x1C01  }
0x61: {  	[timem:s3], [sflag:s2] =	dma.local @!p0 [hbm:s0], s1  }
0x62: {  	s0 =	simm.s32 @!p0 $0x1  }
0x63: {  	_ =	swait.ge @!p0 [sflag:s0], s1  }
0x64: {  	s1 =	ssub.s32 @!p0 $0x0, s1;
	[sflag:s0] =	ssyncset.done @!p0 $0x0  }
0x65: {  	[sflag:s0] =	ssyncadd.s32 @!p0 s1  }
0x66: {  	[bflag:$0x3] =	sbarrier.arrive $0xFFFF  }
0x67: {  	_ =	shalt  }

// kernel: kernel.3.cloned.1.call-start
scs
__scs_entry_jumppad:
0x0: {  	(pc) =	sbr.rel $0x88, $3  }
0x1: {  	(tag) =	ssettag $0x0;
	lr =	simm.s32 $0x1  }
0x2: {  	[smem:$0x3F9E] =	sst lr;
	_ =	strace $0xD0000000  }
0x3: {  	_ = 	snop  }
0x4: {  	_ = 	snop  }
0x5: {  	_ = 	snop  }
0x6: {  	_ = 	snop  }
0x7: {  	_ = 	snop  }
__scs_overlays_trampoline_lowered:
0x8: {  	[smem:$0x3FAD] =	sst s0  }
0x9: {  	[smem:$0x3FAE] =	sst s1  }
0xa: {  	[smem:$0x3FAF] =	sst s2  }
0xb: {  	[smem:$0x3FB0] =	sst s3  }
0xc: {  	[smem:$0x3FB1] =	sst s4  }
0xd: {  	[smem:$0x3FB2] =	sst s5  }
0xe: {  	[smem:$0x3FB3] =	sst s6  }
0xf: {  	[smem:$0x3FB4] =	sst s7  }
0x10: {  	[smem:$0x3FB5] =	sst s8  }
0x11: {  	[smem:$0x3FB6] =	sst s9;
	s0 =	simm.s32 @!p0 $0x0  }
0x12: {  	s1 =	sld [smem:$0x3F9C];
	s0 =	simm.s32 @p0 $0x1  }
0x13: {  	[smem:$0x3FB7] =	sst s0;
	s0 =	simm.s32 @!p1 $0x0  }
0x14: {  	s2 =	sld [smem:$0x3F9B];
	s0 =	simm.s32 @p1 $0x1  }
0x15: {  	[smem:$0x3FB8] =	sst s0;
	s0 =	simm.s32 @!p2 $0x0  }
0x16: {  	s3 =	sld [smem:$0x3FDB];
	s0 =	simm.s32 @p2 $0x1  }
0x17: {  	s4 =	simm.s32 $0x1BF5;
	[smem:$0x3FBA] =	sst s0  }
0x18: {  	s0 =	sld [smem:$0x3F9D];
	_ =	swait.ge [sflag:s4], $0x0  }
0x19: {  	s7 =	sld [smem:$0x3F9E]  }
0x1a: {  	s8 =	sadd.s32 $0xFFFFE003, lr  }
0x1b: {  	s9 =	sadd.s32 $0xFFFFFEF7, lr;
	s5 =	simm.s32 $0xFFFFFFFF;
	p2 =	slt.u32 s8, $0xFFFFF086  }
0x1c: {  	p1 =	slt.u32 s9, $0xF7A;
	s5 =	simm.s32 @!p2 $0x0  }
0x1d: {  	s5 =	simm.s32 @p1 $0x1;
	p0 =	seq.s32 s7, s2  }
0x1e: {  	s7 =	smul.u32 @!p0 $0xF7A, s2;
	p2 =	seq.s32 @!p0 s5, $0x0  }
0x1f: {  	s9 =	smul.u32 $0xF7A, s1;
	s8 =	simm.s32 @!p0 $0x1BF5;
	p2 =	por !p2, p0  }
0x20: {  	[sflag:s8] =	ssyncset.s32 @!p0 $0xFFFFF086;
	s6 =	sadd.s32 @!p0 s3, s7;
	s7 =	simm.s32 @!p0 $0x108  }
0x21: {  	s3 =	sadd.s32 s3, s9;
	s6 =	sadd.s32 @!p0 $0x88, s6;
	s7 =	simm.s32 @p2 $0x1082  }
0x22: {  	[simem:s7], [sflag:s8] =	dma.local @!p0 [hbm:s6], $0xF7A  }
0x23: {  	s9 =	sor.u32 $0xD0000000, s2;
	s6 =	simm.s32 $0x108;
	_ =	swait.ge @!p0 [sflag:s8], $0x0  }
0x24: {  	s3 =	sadd.s32 $0x88, s3;
	s6 =	simm.s32 @!p1 $0x1082;
	[sflag:s4] =	ssyncset.s32 $0xFFFFF086  }
0x25: {  	[simem:s6], [sflag:s4] =	dma.local [hbm:s3], $0xF7A  }
0x26: {  	[smem:$0x3F9E] =	sst s1;
	(tag) =	ssettag s2;
	_ =	strace s9  }
0x27: {  	s1 =	sld [smem:$0x3FAE]  }
0x28: {  	s2 =	sld [smem:$0x3FAF]  }
0x29: {  	s4 =	sld [smem:$0x3FB1]  }
0x2a: {  	p0 =	seq.s32 s5, $0x0;
	s5 =	sld [smem:$0x3FB2]  }
0x2b: {  	s6 =	sld [smem:$0x3FB3]  }
0x2c: {  	s7 =	sld [smem:$0x3FB4]  }
0x2d: {  	s3 =	simm.s32 $0x108;
	s8 =	sld [smem:$0x3FB5]  }
0x2e: {  	s3 =	simm.s32 @!p0 $0x1082;
	s9 =	sld [smem:$0x3FB6]  }
0x2f: {  	lr =	sadd.s32 s0, s3;
	s0 =	sld [smem:$0x3FAD]  }
0x30: {  	s3 =	sld [smem:$0x3FB0]  }
0x31: {  	[smem:$0x3FB9] =	sst s10  }
0x32: {  	s10 =	sld [smem:$0x3FB7];
	_ =	sdelay $0x3  }
0x33: {  	p0 =	seq.s32 s10, $0x1;
	s10 =	sld [smem:$0x3FB9];
	_ =	sdelay $0x3  }
0x34: {  	[smem:$0x3FB9] =	sst s10  }
0x35: {  	s10 =	sld [smem:$0x3FB8];
	_ =	sdelay $0x3  }
0x36: {  	p1 =	seq.s32 s10, $0x1;
	s10 =	sld [smem:$0x3FB9];
	_ =	sdelay $0x3  }
0x37: {  	[smem:$0x3FB9] =	sst s10  }
0x38: {  	s10 =	sld [smem:$0x3FBA]  }
0x39: {  	_ = 	snop;
	(pc) =	sbr.ind lr, $3  }
0x3a: {  	_ = 	snop  }
0x3b: {  	_ = 	snop  }
0x3c: {  	p2 =	seq.s32 s10, $0x1;
	s10 =	sld [smem:$0x3FB9]  }
0x3d: {  	_ =	shalt  }
0x3e: {  	_ =	shalt  }
0x3f: {  	_ =	shalt  }
0x40: {  	_ =	shalt  }
0x41: {  	_ =	shalt  }
0x42: {  	_ =	shalt  }
0x43: {  	_ =	shalt  }
0x44: {  	_ =	shalt  }
0x45: {  	_ =	shalt  }
0x46: {  	_ =	shalt  }
0x47: {  	_ =	shalt  }
0x48: {  	_ =	shalt  }
0x49: {  	_ =	shalt  }
0x4a: {  	_ =	shalt  }
0x4b: {  	_ =	shalt  }
0x4c: {  	_ =	shalt  }
0x4d: {  	_ =	shalt  }
0x4e: {  	_ =	shalt  }
0x4f: {  	_ =	shalt  }
0x50: {  	_ =	shalt  }
0x51: {  	_ =	shalt  }
0x52: {  	_ =	shalt  }
0x53: {  	_ =	shalt  }
0x54: {  	_ =	shalt  }
0x55: {  	_ =	shalt  }
0x56: {  	_ =	shalt  }
0x57: {  	_ =	shalt  }
0x58: {  	_ =	shalt  }
0x59: {  	_ =	shalt  }
0x5a: {  	_ =	shalt  }
0x5b: {  	_ =	shalt  }
0x5c: {  	_ =	shalt  }
0x5d: {  	_ =	shalt  }
0x5e: {  	_ =	shalt  }
0x5f: {  	_ =	shalt  }
0x60: {  	_ =	shalt  }
0x61: {  	_ =	shalt  }
0x62: {  	_ =	shalt  }
0x63: {  	_ =	shalt  }
0x64: {  	_ =	shalt  }
0x65: {  	_ =	shalt  }
0x66: {  	_ =	shalt  }
0x67: {  	_ =	shalt  }
0x68: {  	_ =	shalt  }
0x69: {  	_ =	shalt  }
0x6a: {  	_ =	shalt  }
0x6b: {  	_ =	shalt  }
0x6c: {  	_ =	shalt  }
0x6d: {  	_ =	shalt  }
0x6e: {  	_ =	shalt  }
0x6f: {  	_ =	shalt  }
0x70: {  	_ =	shalt  }
0x71: {  	_ =	shalt  }
0x72: {  	_ =	shalt  }
0x73: {  	_ =	shalt  }
0x74: {  	_ =	shalt  }
0x75: {  	_ =	shalt  }
0x76: {  	_ =	shalt  }
0x77: {  	_ =	shalt  }
0x78: {  	_ =	shalt  }
0x79: {  	_ =	shalt  }
0x7a: {  	_ =	shalt  }
0x7b: {  	_ =	shalt  }
0x7c: {  	_ =	shalt  }
0x7d: {  	_ =	shalt  }
0x7e: {  	_ =	shalt  }
0x7f: {  	_ =	shalt  }
0x80: {  	_ =	shalt  }
0x81: {  	_ =	shalt  }
0x82: {  	_ =	shalt  }
0x83: {  	_ =	shalt  }
0x84: {  	_ =	shalt  }
0x85: {  	_ =	shalt  }
0x86: {  	_ =	shalt  }
0x87: {  	_ =	shalt  }
.Lfunc_end0:
.L_simem_size_0:
called_computation.3_lowered:
.L_overlay_start_0:
0x88: {  	s2 =	sld [smem:$0x3FD9]  }
0x89: {  	s3 =	sld [smem:$0x3FFE];
	_ =	sdelay $0x1  }
0x8a: {  	s1 =	srdreg.scid  }
0x8b: {  	s0 =	sand.u32 $0x1, s1  }
0x8c: {  	s14 =	sshll.u32 s0, $0xA;
	s2 =	sadd.s32 s3, s2  }
0x8d: {  	s2 =	sadd.s32 s2, s14  }
0x8e: {  	[smem:$0x3FC5] =	sst s2  }
0x8f: {  	_ = 	snop  }
0x90: {  	s2 =	sld [smem:$0x3FD0];
	_ =	sdelay $0x2  }
0x91: {  	s15 =	simm.s32 $0xA;
	s4 =	simm.s32 $0x10  }
0x92: {  	[smem:s4], [sflag:s15] =	dma.local [hbm:s2], $0x1  }
0x93: {  	_ =	swait.eq [sflag:s15], $0x1  }
0x94: {  	s16 =	sld [smem:$0x10];
	[sflag:s15] =	ssyncset.done $0x0  }
0x95: {  	s17 =	sld [smem:$0x11];
	[sflag:s15] =	ssyncadd.s32 $0xFFFFFFFF  }
0x96: {  	s18 =	sld [smem:$0x12];
	(tm) =	ssettm $0x1  }
0x97: {  	s5 =	sld [smem:$0x3FFB];
	_ =	sdelay $0x3  }
0x98: {  	_ =	strace s5  }
0x99: {  	s5 =	sld [smem:$0x3FFC];
	_ =	sdelay $0x3  }
0x9a: {  	_ =	strace s5  }
0x9b: {  	s5 =	sld [smem:$0x3FFD];
	_ =	sdelay $0x3  }
0x9c: {  	_ =	strace s5  }
0x9d: {  	_ =	strace $0x8FFFFFFF  }
0x9e: {  	s19 =	sld [smem:$0x3FDB];
	_ =	sdelay $0x1  }
0x9f: {  	s6 =	simm.s32 $_scs_section_size  }
0xa0: {  	s7 =	simm.s32 $_size__tile_overlayer_lowered;
	s8 =	simm.s32 $_tile_overlayer_lowered  }
0xa1: {  	s22 =	simm.s32 $0x1BFF;
	s21 =	sshll.u32 s8, $0x1;
	s5 =	sadd.s32 s6, s19  }
0xa2: {  	s9 =	simm.s32 $0x0;
	s20 =	sshll.u32 s7, $0x1;
	s7 =	sadd.s32 s21, s5  }
0xa3: {  	[timem:s9], [sflag:s22] =	dma.local [hbm:s7], s20  }
0xa4: {  	_ =	swait.ge [sflag:s22], s20  }
0xa5: {  	s6 =	ssub.s32 $0x0, s20;
	[sflag:s22] =	ssyncset.done $0x0  }
0xa6: {  	[sflag:s22] =	ssyncadd.s32 s6;
	_ =	sdelay $0x1  }
0xa7: {  	s23 =	simm.s32 $0x1B8B  }
0xa8: {  	_ =	swait.ge [sflag:s23], $0x1  }
0xa9: {  	[sflag:s23] =	ssyncset.done $0x0  }
0xaa: {  	s25 =	simm.s32 $0x1B8E;
	s24 =	sld [smem:$0x3FFE];
	[sflag:s23] =	ssyncadd.s32 $0xFFFFFFFF  }
0xab: {  	s26 =	simm.s32 $execute0_lowered;
	[smem:$0x3FD2] =	sst s25  }
0xac: {  	s7 =	sshll.u32 s26, $0x1;
	_ =	strace $0x80000046;
	[dreg:$0x1] =	wrdreg $0xFFFFFFFF  }
0xad: {  	s28 =	simm.s32 $_size_execute0_lowered;
	s5 =	sadd.s32 s5, s7;
	[dreg:$0x0] =	wrdreg $0x0  }
0xae: {  	s7 =	sshll.u32 s28, $0x1;
	[dreg:$0x2] =	wrdreg s5  }
0xaf: {  	[dreg:$0x3] =	wrdreg s7  }
0xb0: {  	[dreg:$0x4] =	wrdreg $0xC0  }
0xb1: {  	_ =	task [dreg:s9], $0x5FFFF  }
0xb2: {  	[dreg:$0x1] =	wrdreg $0xFFFFFFFF  }
0xb3: {  	[dreg:$0x0] =	wrdreg $0x60  }
0xb4: {  	[dreg:$0x2] =	wrdreg s24  }
0xb5: {  	[dreg:$0x3] =	wrdreg s16  }
0xb6: {  	[dreg:$0x4] =	wrdreg s17  }
0xb7: {  	[dreg:$0x5] =	wrdreg s18  }
0xb8: {  	[dreg:$0x6] =	wrdreg $0x9  }
0xb9: {  	_ =	task.clear_ibuf [dreg:s9], $0x7FFFF;
	_ =	strace $0x90000046  }
0xba: {  	s29 =	simm.s32 $0x9;
	_ =	strace $0x80000048  }
0xbb: {  	_ =	swait.ge [sflag:s29], $0x1  }
0xbc: {  	[sflag:s29] =	ssyncadd.s32 $0xFFFFFFFF  }
0xbd: {  	_ =	strace $0x90000048  }
0xbe: {  	_ =	sfence  }
0xbf: {  	s30 =	sld [smem:$0x0];
	_ =	sdelay $0x2  }
0xc0: {  	s31 =	sshll.u32 s1, $0xD;
	s1 =	sshrl.u32 s1, $0x2  }
0xc1: {  	s3 =	sand.u32 $0x4000, s31;
	s1 =	sadd.s32 s1, s30  }
0xc2: {  	s0 =	sor.u32 s3, s0;
	s1 =	sshll.u32 s1, $0x11  }
0xc3: {  	s0 =	sor.u32 s1, s0  }
0xc4: {  	s0 =	sadd.s32 $0x8F2B, s0  }
0xc5: {  	[sflag:s0] =	ssyncadd.remote.s32 $0x1  }
0xc6: {  	_ =	sfence.sel $0xFFFF  }
0xc7: {  	[dreg:$0x0] =	wrdreg $0xFFFFFFFF;
	(pc) =	sbr.abs _section_cstart, $3  }
0xc8: {  	[dreg:$0x1] =	wrdreg $0xFFFFFFFF  }
0xc9: {  	_ =	task.clear_ibuf [dreg:s9], $0x2FFFF;
	_ =	strace $0x9FFFFFFF  }
0xca: {  	(tm) =	ssettm $0x7FFFFFFF  }
0xcb: {  	_ =	shalt  }
tec
execute0_lowered:
.L_overlay_start_1:
0x0: {  	(tag) =	ssettag $0x1  }
0x1: {  	s1 =	rddreg [dreg:$0x0]  }
0x2: {  	s4 =	rddreg [dreg:$0x1]  }
0x3: {  	s5 =	rddreg [dreg:$0x2];
	s7 =	stileid.u32  }
0x4: {  	s0 =	rddreg [dreg:$0x3];
	s2 =	srdreg.scid;
	s3 =	sshll.u32 s7, $0x1  }
0x5: {  	s6 =	sand.u32 $0x1, s2;
	s2 =	simm.s32 $0x0;
	s7 =	sshrl.u32 s7, $0x2  }
0x6: {  	s9 =	sadd.s32 $0x1000, s1;
	s13 =	sadd.s32 $0x7400, s1;
	s11 =	smul.u32 $0x3, s7  }
0x7: {  	s3 =	sand.u32 $0x6, s3;
	[smem:$0x7FF] =	sst s2;
	s17 =	smul.u32 $0x1800, s7  }
0x8: {  	s8 =	sshll.u32 s7, $0x9;
	s15 =	smul.u32 $0x600, s7;
	s7 =	sshll.u32 s7, $0x6  }
0x9: {  	s3 =	sor.u32 s6, s3;
	_ =	strace $0x80000047;
	s6 =	ssub.s32 $0x2, s6  }
0xa: {  	s3 =	sshll.u32 s3, $0x6;
	s16 =	sshrl.u32 s6, $0x1;
	s12 =	sadd.s32 $0x1, s11  }
0xb: {  	s11 =	sadd.s32 $0x2, s11;
	s20 =	sshrl.u32 s15, $0x3;
	s8 =	sor.u32 s8, s3  }
0xc: {  	s6 =	ssub.s32 s6, s16;
	s14 =	sshll.u32 s12, $0xB;
	s19 =	sshll.u32 s11, $0xB  }
0xd: {  	v0 =	vimm.s32 $0x3210FEDC;
	v1 =	vimm.s32 $0xBA987654;
	s21 =	sshll.u32 s12, $0x6;
	s22 =	sshll.u32 s12, $0x9;
	s23 =	sshll.u32 s11, $0x9  }
0xe: {  	v0 =	vunpack.c.l.s4.s8 v0;
	v1 =	vunpack.c.l.s4.s8 v1;
	s24 =	sshll.u32 s11, $0x6;
	s25 =	sor.u32 s15, s3;
	s10 =	sshrl.u32 s8, $0x3  }
0xf: {  	v4 =	vimm.s32 $0xFEDCBA98;
	v7 =	vimm.s32 $0x87654321;
	s18 =	sadd.s32 s9, s14;
	s26 =	sor.u32 s3, s22;
	s28 =	sor.u32 s3, s23  }
0x10: {  	v4 =	vunpack.c.l.s4.s8 v4;
	v0 =	vunpack.c.0.s8.s32 v0;
	v1 =	vunpack.c.0.s8.s32 v1;
	s31 =	sshll.u32 s8, $0x1;
	s22 =	simm.s32 $0xC400;
	s23 =	simm.s32 $0xC600  }
0x11: {  	v3 =	vimm.s32 $0x76543210;
	v5 =	vimm.s32 $0x10FEDCBA;
	v7 =	vunpack.c.l.s4.s8 v7;
	s1 =	sadd.s32 s10, s1;
	s10 =	sadd.s32 s9, s17;
	[dreg:$0x6] =	wrdreg s18  }
0x12: {  	v3 =	vunpack.c.l.s4.s8 v3;
	v4 =	vunpack.c.0.s8.s32 v4;
	v6 =	vcombine.low v1, v0;
	s9 =	sadd.s32 s9, s19;
	s29 =	sshrl.u32 s26, $0x3;
	s30 =	sshrl.u32 s28, $0x3  }
0x13: {  	v0 =	vunpack.c.l.s4.s8 v5;
	v1 =	vimm.s32 $0x98765432;
	v5 =	vimm.s32 $0xFEDCBA9;
	s15 =	sadd.s32 s0, s31;
	s17 =	smax.u32 s6, $0x1;
	[dreg:$0x5] =	wrdreg s10  }
0x14: {  	v7 =	vunpack.c.0.s8.s32 v7;
	v1 =	vunpack.c.l.s4.s8 v1;
	v5 =	vunpack.c.l.s4.s8 v5;
	s18 =	simm.s32 $0x4000;
	s19 =	simm.s32 $0x8000;
	[dreg:$0x7] =	wrdreg s9  }
0x15: {  	v3 =	vunpack.c.0.s8.s32 v3;
	v2 =	vmov s3;
	v4 =	vand.u32 $0xF, v4;
	s9 =	sadd.s32 s4, s20;
	s10 =	sadd.s32 s4, s21;
	s4 =	sadd.s32 s4, s24  }
.Ltmp0:
0x16: {  	v8 =	vunpack.c.0.s8.s32 v0;
	s12 =	sadd.s32 s13, s29;
	s14 =	sadd.s32 $0x7200, s1;
	v1 =	vunpack.c.0.s8.s32 v1;
	v5 =	vunpack.c.0.s8.s32 v5;
	(pc) =	sbr.rel .LBB2_1-.Ltmp0, $4  }
0x17: {  	v3 =	vcombine.low v4, v3;
	v0 =	vbroadcast v2, $0x0;
	s16 =	sadd.s32 $0x7000, s1;
	s20 =	simm.s32 $0xC000;
	[dreg:$0x8] =	wrdreg s9  }
0x18: {  	s21 =	simm.s32 $0xC200;
	s1 =	simm.s32 $0x0;
	[dreg:$0x9] =	wrdreg s10;
	v8 =	vcombine.low v1, v8;
	v7 =	vcombine.low v7, v5  }
0x19: {  	v2 =	vimm.s32 $0xF;
	v4 =	vand.u32 $0xF, v6;
	[dreg:$0xa] =	wrdreg s4;
	s10 =	sadd.s32 s5, s7;
	s4 =	sshrl.u32 s25, $0x3;
	v1 =	vlaneseq.u32  }
0x1a: {  	s25 =	simm.s32 $0x1;
	s11 =	sadd.s32 s13, s4;
	s13 =	sadd.s32 s13, s30;
	v5 =	vand.u32 $0xF, v8;
	v6 =	vand.u32 $0xF, v7;
	v7 =	vimm.s32 $0x0  }
.LBB2_29:
0x1b: {  	s0 =	simm.s32 $0xC800  }
0x1c: {  	[hbm4b:s11+s2] =	stream.linear.scatter [tilespmem:s0], [sflag:$0x1], $0x40, $0x38;
	[tilespmem:$0xCE80] =	vst v63  }
0x1d: {  	_ =	swait.ge [sflag:s25], $0x40  }
0x1e: {  	[sflag:s25] =	ssyncset.done $0x0  }
0x1f: {  	s26 =	simm.s32 $0xC880;
	[sflag:s25] =	ssyncadd.s32 $0xFFFFFFC0  }
0x20: {  	[hbm4b:s12+s2] =	stream.linear.scatter [tilespmem:s26], [sflag:$0x1], $0x40, $0x38;
	[tilespmem:$0xCE80] =	vst v63  }
0x21: {  	_ =	swait.ge [sflag:s25], $0x40  }
0x22: {  	[sflag:s25] =	ssyncset.done $0x0  }
0x23: {  	s28 =	simm.s32 $0xC900;
	[sflag:s25] =	ssyncadd.s32 $0xFFFFFFC0  }
0x24: {  	[hbm4b:s13+s2] =	stream.linear.scatter [tilespmem:s28], [sflag:$0x1], $0x40, $0x38;
	[tilespmem:$0xCE80] =	vst v63  }
0x25: {  	_ =	swait.ge [sflag:s25], $0x40  }
0x26: {  	[sflag:s25] =	ssyncset.done $0x0  }
0x27: {  	s29 =	simm.s32 $0xC980;
	[sflag:s25] =	ssyncadd.s32 $0xFFFFFFC0  }
0x28: {  	[hbm4b:s14+s2] =	stream.linear.scatter [tilespmem:s29], [sflag:$0x1], $0x40, $0x38;
	[tilespmem:$0xCE80] =	vst v63  }
0x29: {  	_ =	swait.ge [sflag:s25], $0x40  }
0x2a: {  	[sflag:s25] =	ssyncset.done $0x0  }
0x2b: {  	s30 =	simm.s32 $0xCA00;
	[sflag:s25] =	ssyncadd.s32 $0xFFFFFFC0  }
0x2c: {  	[hbm4b:s15+s2] =	stream.linear.scatter [tilespmem:s30], [sflag:$0x1], $0x400, $0x38;
	[tilespmem:$0xCE80] =	vst v63  }
0x2d: {  	s1 =	sadd.s32 $0x1, s1;
	_ =	swait.ge [sflag:s25], $0x400  }
0x2e: {  	p0 =	sne.s32 s1, s17;
	[sflag:s25] =	ssyncset.done $0x0  }
.Ltmp1:
0x2f: {  	s31 =	simm.s32 $0xCE00;
	[sflag:s25] =	ssyncadd.s32 $0xFFFFFC00;
	(pc) =	sbr.rel @!p0 .LBB2_30-.Ltmp1, $4  }
0x30: {  	[hbm4b:s16+s2] =	stream.linear.scatter [tilespmem:s31], [sflag:$0x1], $0x40, $0x38;
	[tilespmem:$0xCE80] =	vst v63  }
0x31: {  	_ =	swait.ge [sflag:s25], $0x40  }
0x32: {  	[sflag:s25] =	ssyncset.done $0x0  }
0x33: {  	[sflag:s25] =	ssyncadd.s32 $0xFFFFFFC0  }
.LBB2_1:
0x34: {  	s0 =	rddreg [dreg:$0x5]  }
0x35: {  	[tilespmem:s2], [sflag:$0x1] =	stream.linear.gather [hbm4b:s0+s2], $0x4000, $0x38;
	[tilespmem:$0xCE80] =	vst v63  }
0x36: {  	_ =	swait.ge [sflag:s25], $0x4000  }
0x37: {  	[sflag:s25] =	ssyncset.done $0x0  }
0x38: {  	s24 =	rddreg [dreg:$0x6];
	[sflag:s25] =	ssyncadd.s32 $0xFFFFC000  }
0x39: {  	[tilespmem:s18], [sflag:$0x1] =	stream.linear.gather [hbm4b:s24+s2], $0x4000, $0x38;
	[tilespmem:$0xCE80] =	vst v63  }
0x3a: {  	_ =	swait.ge [sflag:s25], $0x4000  }
0x3b: {  	[sflag:s25] =	ssyncset.done $0x0  }
0x3c: {  	s26 =	rddreg [dreg:$0x7];
	[sflag:s25] =	ssyncadd.s32 $0xFFFFC000  }
0x3d: {  	[tilespmem:s19], [sflag:$0x1] =	stream.linear.gather [hbm4b:s26+s2], $0x4000, $0x38;
	[tilespmem:$0xCE80] =	vst v63  }
0x3e: {  	_ =	swait.ge [sflag:s25], $0x4000  }
0x3f: {  	[sflag:s25] =	ssyncset.done $0x0  }
0x40: {  	s29 =	rddreg [dreg:$0x8];
	[sflag:s25] =	ssyncadd.s32 $0xFFFFC000  }
0x41: {  	[tilespmem:s20], [sflag:$0x1] =	stream.linear.gather [hbm4b:s29+s2], $0x200, $0x38;
	[tilespmem:$0xCE80] =	vst v63  }
0x42: {  	_ =	swait.ge [sflag:s25], $0x200  }
0x43: {  	[sflag:s25] =	ssyncset.done $0x0  }
0x44: {  	s30 =	rddreg [dreg:$0x9];
	[sflag:s25] =	ssyncadd.s32 $0xFFFFFE00  }
0x45: {  	[tilespmem:s21], [sflag:$0x1] =	stream.linear.gather [hbm4b:s30+s2], $0x200, $0x38;
	[tilespmem:$0xCE80] =	vst v63  }
0x46: {  	_ =	swait.ge [sflag:s25], $0x200  }
0x47: {  	[sflag:s25] =	ssyncset.done $0x0  }
0x48: {  	s31 =	rddreg [dreg:$0xa];
	[sflag:s25] =	ssyncadd.s32 $0xFFFFFE00  }
0x49: {  	[tilespmem:s22], [sflag:$0x1] =	stream.linear.gather [hbm4b:s31+s2], $0x200, $0x38;
	[tilespmem:$0xCE80] =	vst v63  }
0x4a: {  	_ =	swait.ge [sflag:s25], $0x200  }
0x4b: {  	[sflag:s25] =	ssyncset.done $0x0  }
0x4c: {  	[sflag:s25] =	ssyncadd.s32 $0xFFFFFE00  }
0x4d: {  	[tilespmem:s23], [sflag:$0x1] =	stream.linear.gather [hbm4b:s10+s2], $0x200, $0x38;
	[tilespmem:$0xCE80] =	vst v63  }
0x4e: {  	_ =	swait.ge [sflag:s25], $0x200  }
0x4f: {  	[sflag:s25] =	ssyncset.done $0x0  }
0x50: {  	[sflag:s25] =	ssyncadd.s32 $0xFFFFFE00  }
0x51: {  	v8 =	vld.idx.msk [tilespmem:v0+s20+$0x0], $0xffff  }
0x52: {  	v9 =	vld.idx.msk [tilespmem:v0+s21+$0x0], $0xffff  }
0x53: {  	v10 =	vld.idx.msk [tilespmem:v0+s22+$0x0], $0xffff  }
0x54: {  	v11 =	vld.idx.msk [tilespmem:v0+s23+$0x0], $0xffff;
	_ =	sdelay $0x1  }
0x55: {  	(v2sf) =	vpush v8, $0x0  }
0x56: {  	(v2sf) =	vpush v9, $0x0  }
0x57: {  	(v2sf) =	vpush v10, $0x0  }
0x58: {  	(v2sf) =	vpush v11, $0x0;
	_ =	sdelay $0xb  }
0x59: {  	s6 =	spop (v2sf)  }
0x5a: {  	s7 =	spop (v2sf)  }
0x5b: {  	s5 =	simm.s32 $0x1;
	s8 =	spop (v2sf)  }
0x5c: {  	s4 =	simm.s32 $0x1;
	s0 =	simm.s32 $0x0;
	s28 =	spop (v2sf)  }
.LBB2_3:
.Ltmp2:
0x5d: {  	(pc) =	sbr.rel .LBB2_4-.Ltmp2, $3  }
0x5e: {  	_ =	sdelay $0x1  }
0x5f: {  	s9 =	sshll.u32 s0, $0x4  }
0x60: {  	v8 =	vmov s0;
	p2 =	seq.s32 s4, $0x0;
	s26 =	simm.s32 $0x0;
	v9 =	vor.u32 s9, v1  }
.LBB2_28:
0x61: {  	_ =	sdelay $0x3  }
0x62: {  	v14 =	vld.idx.msk [tilespmem:v13+s2+$0x0], $0xffff  }
0x63: {  	v15 =	vld.idx.msk [tilespmem:v13+s18+$0x0], $0xffff  }
0x64: {  	v16 =	vld.idx.msk [tilespmem:v13+s19+$0x0], $0xffff;
	_ =	sdelay $0x3  }
0x65: {  	v17 =	vperm.xlane v14, v3;
	v18 =	vperm.xlane v15, v3  }
0x66: {  	v19 =	vperm.xlane v16, v3  }
0x67: {  	v17 =	vadd.f32 v17, v14;
	v18 =	vadd.f32 v18, v15  }
0x68: {  	v19 =	vadd.f32 v19, v16  }
0x69: {  	v20 =	vperm.xlane v17, v4;
	v21 =	vperm.xlane v18, v4  }
0x6a: {  	v55 =	vperm.xlane v19, v4  }
0x6b: {  	v17 =	vadd.f32 v20, v17;
	v18 =	vadd.f32 v21, v18  }
0x6c: {  	v19 =	vadd.f32 v55, v19  }
0x6d: {  	v56 =	vperm.xlane v17, v5;
	v57 =	vperm.xlane v18, v5  }
0x6e: {  	v58 =	vperm.xlane v19, v5  }
0x6f: {  	v17 =	vadd.f32 v56, v17;
	v18 =	vadd.f32 v57, v18  }
0x70: {  	v19 =	vadd.f32 v58, v19  }
0x71: {  	v21 =	vperm.xlane v17, v6;
	v59 =	vperm.xlane v18, v6  }
0x72: {  	v60 =	vperm.xlane v19, v6  }
0x73: {  	v17 =	vadd.f32 v21, v17;
	v18 =	vadd.f32 v59, v18  }
0x74: {  	v19 =	vadd.f32 v60, v19  }
0x75: {  	v17 =	vperm.xlane v17, v7;
	v18 =	vperm.xlane v18, v7  }
0x76: {  	v19 =	vperm.xlane v19, v7  }
0x77: {  	v17 =	vmul.f32 $6.250000000e-02, v17;
	v18 =	vmul.f32 $6.250000000e-02, v18;
	_ =	sdelay $0x1  }
0x78: {  	v19 =	vmul.f32 $6.250000000e-02, v19;
	v14 =	vsub.f32 v14, v17;
	v15 =	vsub.f32 v15, v18;
	_ =	sdelay $0x1  }
0x79: {  	v16 =	vsub.f32 v16, v19;
	v14 =	vmul.f32 v14, v14;
	v15 =	vmul.f32 v15, v15;
	_ =	sdelay $0x1  }
0x7a: {  	v61 =	vmul.f32 v16, v16;
	v14 =	vadd.f32 v15, v14;
	_ =	sdelay $0x1  }
0x7b: {  	v14 =	vadd.f32 v61, v14;
	_ =	sdelay $0x1  }
0x7c: {  	v15 =	vperm.xlane v14, v7;
	_ =	sdelay $0x1  }
0x7d: {  	vm0 =	vlt.f32 v14, v15  }
0x7e: {  	v15 =	vmpcnt.ones.xlane vm0;
	_ =	sdelay $0x1  }
0x7f: {  	(v2sf) =	vpush v15, $0x0;
	_ =	sdelay $0x4  }
0x80: {  	(xrf0) =	vmin.scan.msk.f32 $0xffff, v14;
	_ =	sdelay $0x5  }
0x81: {  	v62, _, _ =	vpop (xrf0)  }
0x82: {  	v15 =	vbroadcast v62, $0xF;
	_ =	sdelay $0x1  }
0x83: {  	vm15 =	veq.f32 v14, v15  }
0x84: {  	v14 =	vmctz.xlane vm15;
	s4 =	spop (v2sf)  }
0x85: {  	p1 =	sgt.u32 s26, $0x3F;
	p0 =	slt.s32 s4, $0x5  }
0x86: {  	v14 =	vperm.xlane v13, v14;
	p0 =	por p1, p0  }
0x87: {  	s4 =	simm.s32 @p0 $0xC800  }
0x88: {  	v63 =	vbroadcast v14, $0x0;
	[tilespmem:v8+s4+$0x0] =	vst.idx.msk @p0 $0x1, v12;
	s4 =	simm.s32 @p0 $0xC880  }
0x89: {  	[tilespmem:v8+s4+$0x0] =	vst.idx.msk @p0 $0x1, v10;
	s4 =	simm.s32 @p0 $0xC900  }
0x8a: {  	v10 =	vmov @p0 s28;
	[tilespmem:v8+s4+$0x0] =	vst.idx.msk @p0 $0x1, v11;
	s4 =	simm.s32 @p0 $0xC980  }
0x8b: {  	[tilespmem:v8+s4+$0x0] =	vst.idx.msk @p0 $0x1, v10;
	v10 =	vmov @p0 s26;
	s4 =	simm.s32 @p0 $0xCE00  }
0x8c: {  	[tilespmem:v8+s4+$0x0] =	vst.idx.msk @p0 $0x1, v10;
	s4 =	simm.s32 @p0 $0xCA00  }
0x8d: {  	[tilespmem:v9+s4+$0x0] =	vst.idx.msk @p0 $0xffff, v13  }
0x8e: {  	v10 =	vld.idx.msk [tilespmem:v63+s2+$0x0], $0xffff  }
0x8f: {  	v11 =	vld.idx.msk [tilespmem:v63+s18+$0x0], $0xffff  }
0x90: {  	v12 =	vld.idx.msk [tilespmem:v63+s19+$0x0], $0xffff;
	_ =	sdelay $0x1  }
0x91: {  	(v2sf) =	vpush v14, $0x0  }
0x92: {  	(v2sf) =	vpush v10, $0x0  }
0x93: {  	(v2sf) =	vpush v11, $0x0  }
0x94: {  	(v2sf) =	vpush v12, $0x0;
	_ =	sdelay $0xa  }
.Ltmp3:
0x95: {  	p1 =	slt.s32 s24, $0x40;
	(pc) =	sbr.rel @p0 .LBB2_2-.Ltmp3, $4  }
0x96: {  	p2 =	por !p1, !p0;
	s28 =	spop (v2sf)  }
0x97: {  	p2 =	por !p2, !p2;
	s4 =	simm.s32 $0x1;
	s6 =	spop (v2sf)  }
0x98: {  	s26 =	sadd.s32 $0x1, s26;
	s4 =	simm.s32 @!p2 $0x0;
	s7 =	spop (v2sf)  }
0x99: {  	p2 =	por $0x0, $0x0;
	s5 =	sadd.s32 s4, s24;
	s8 =	spop (v2sf)  }
.LBB2_4:
.Ltmp4:
0x9a: {  	(pc) =	sbr.rel @p2 .LBB2_29-.Ltmp4, $1  }
0x9b: {  	_ =	sdelay $0x3  }
0x9c: {  	v10 =	vld [tilespmem:$0x0]  }
0x9d: {  	v11 =	vld [tilespmem:$0x4000];
	_ =	sdelay $0x1  }
0x9e: {  	v12 =	vld [tilespmem:$0x8000];
	_ =	sdelay $0x2  }
0x9f: {  	v10 =	vsub.f32 s6, v10;
	v11 =	vsub.f32 s7, v11;
	_ =	sdelay $0x1  }
0xa0: {  	v12 =	vsub.f32 s8, v12;
	v10 =	vmul.f32 v10, v10;
	v11 =	vmul.f32 v11, v11;
	_ =	sdelay $0x1  }
0xa1: {  	v10 =	vadd.f32 v11, v10;
	v11 =	vmul.f32 v12, v12;
	_ =	sdelay $0x1  }
0xa2: {  	v10 =	vadd.f32 v11, v10;
	_ =	sdelay $0x1  }
0xa3: {  	(xrf1) =	vsort.ascd.msk.f32 $0xffff, v10, v1  }
0xa4: {  	s4 =	simm.s32 $0x4010  }
0xa5: {  	v13 =	vld [tilespmem:s4+$0x0]  }
0xa6: {  	s9 =	simm.s32 $0x10  }
0xa7: {  	s24 =	smov.u32 s5;
	s5 =	simm.s32 $0x8010;
	v11 =	vld [tilespmem:s9+$0x0]  }
0xa8: {  	v14 =	vld [tilespmem:s5+$0x0]  }
0xa9: {  	v10 =	vmov s7  }
0xaa: {  	v13 =	vsub.f32 v10, v13  }
0xab: {  	v12 =	vmov s6  }
0xac: {  	v15 =	vsub.f32 v12, v11;
	v11 =	vmov s8;
	v13 =	vmul.f32 v13, v13  }
0xad: {  	v14 =	vsub.f32 v11, v14  }
0xae: {  	v15 =	vmul.f32 v15, v15;
	_ =	sdelay $0x1  }
0xaf: {  	v17 =	vmul.f32 v14, v14;
	v16 =	vadd.f32 v13, v15  }
0xb0: {  	v14, v13, _ =	vpop (xrf1)  }
0xb1: {  	v16 =	vadd.f32 v17, v16;
	v15 =	vperm.xlane v14, v2;
	_ =	sdelay $0x1  }
0xb2: {  	vm0 =	vlt.f32 v16, v15  }
0xb3: {  	v17 =	vmpcnt.ones.xlane vm0;
	_ =	sdelay $0x1  }
0xb4: {  	(v2sf) =	vpush v17, $0x0;
	_ =	sdelay $0xe  }
0xb5: {  	s31 =	spop (v2sf)  }
0xb6: {  	p0 =	slt.s32 s31, $0x1  }
0xb7: {  	v17 =	vlaneseq.u32 @!p0  }
0xb8: {  	v18 =	vor.u32 @!p0 s9, v17  }
0xb9: {  	(xrf1) =	vsort.ascd.msk.f32 @!p0 $0xffff, v16, v18;
	_ =	sdelay $0xb  }
0xba: {  	v16 =	vmul.u32 @!p0 $0xFFFFFFFF, v17;
	_ =	sdelay $0x1  }
0xbb: {  	v16 =	vadd.s32 @!p0 $0xF, v16;
	v17, v18, _ =	vpop @!p0 (xrf1)  }
0xbc: {  	v17 =	vperm.xlane @!p0 v17, v16  }
0xbd: {  	v16 =	vperm.xlane @!p0 v18, v16  }
0xbe: {  	vm0 =	vle.f32 @!p0 v14, v17  }
0xbf: {  	v17 =	vsel @!p0 vm0, v14, v17;
	v16 =	vsel @!p0 vm0, v13, v16  }
0xc0: {  	(xrf1) =	vsort.ascd.msk.f32 @!p0 $0xffff, v17, v16;
	_ =	sdelay $0x2  }
0xc1: {  	s6 =	simm.s32 $0x20;
	s7 =	simm.s32 $0x20  }
.LBB2_6:
0xc2: {  	v16 =	vld [tilespmem:s6+$0x0];
	s4 =	sadd.s32 $0x10, s4;
	s8 =	smov.u32 s7  }
0xc3: {  	s7 =	sadd.s32 $0x10, s7;
	v17 =	vld [tilespmem:s4+$0x0]  }
0xc4: {  	s5 =	sadd.s32 $0x10, s5;
	p1 =	sne.s32 s7, $0x100  }
0xc5: {  	v18 =	vld [tilespmem:s5+$0x0];
	_ =	sdelay $0x2  }
0xc6: {  	v16 =	vsub.f32 v12, v16;
	v17 =	vsub.f32 v10, v17;
	_ =	sdelay $0x1  }
0xc7: {  	v16 =	vmul.f32 v16, v16;
	v18 =	vsub.f32 v11, v18;
	v17 =	vmul.f32 v17, v17;
	_ =	sdelay $0x1  }
0xc8: {  	v16 =	vadd.f32 v17, v16;
	v17 =	vmul.f32 v18, v18;
	v18 =	vimm.s32 @!p0 $0xF;
	v19, v20, _ =	vpop @!p0 (xrf1)  }
0xc9: {  	v18 =	vperm.xlane @!p0 v19, v18;
	v14 =	vpsel p0, v14, v19;
	v13 =	vpsel p0, v13, v20  }
0xca: {  	v16 =	vadd.f32 v17, v16  }
0xcb: {  	v15 =	vpsel p0, v15, v18  }
0xcc: {  	vm0 =	vlt.f32 v16, v15  }
0xcd: {  	v17 =	vmpcnt.ones.xlane vm0;
	_ =	sdelay $0x1  }
0xce: {  	(v2sf) =	vpush v17, $0x0;
	_ =	sdelay $0xe  }
0xcf: {  	s9 =	spop (v2sf)  }
0xd0: {  	p0 =	slt.s32 s9, $0x1  }
0xd1: {  	v17 =	vlaneseq.u32 @!p0  }
0xd2: {  	v18 =	vor.u32 @!p0 s8, v17  }
0xd3: {  	(xrf1) =	vsort.ascd.msk.f32 @!p0 $0xffff, v16, v18;
	_ =	sdelay $0xb  }
0xd4: {  	v16 =	vmul.u32 @!p0 $0xFFFFFFFF, v17;
	_ =	sdelay $0x1  }
0xd5: {  	v16 =	vadd.s32 @!p0 $0xF, v16;
	v17, v18, _ =	vpop @!p0 (xrf1)  }
0xd6: {  	v17 =	vperm.xlane @!p0 v17, v16  }
0xd7: {  	v16 =	vperm.xlane @!p0 v18, v16  }
0xd8: {  	vm0 =	vle.f32 @!p0 v14, v17  }
.Ltmp5:
0xd9: {  	v17 =	vsel @!p0 vm0, v14, v17;
	v16 =	vsel @!p0 vm0, v13, v16;
	(pc) =	sbr.rel @p1 .LBB2_6-.Ltmp5, $2  }
0xda: {  	(xrf1) =	vsort.ascd.msk.f32 @!p0 $0xffff, v17, v16;
	_ =	sdelay $0x2  }
0xdb: {  	s6 =	sadd.s32 $0x10, s6  }
0xdc: {  	_ =	sdelay $0x8  }
.Ltmp6:
0xdd: {  	_ = 	snop;
	(pc) =	sbr.rel .LBB2_8-.Ltmp6, $4  }
0xde: {  	v16 =	vimm.s32 @!p0 $0xF;
	v17, v18, _ =	vpop @!p0 (xrf1)  }
0xdf: {  	v16 =	vperm.xlane @!p0 v17, v16  }
0xe0: {  	s29 =	simm.s32 $0xFFFFFFFC;
	s30 =	simm.s32 $0x2F0  }
0xe1: {  	s31 =	simm.s32 $0x8180;
	s4 =	simm.s32 $0x4180;
	s5 =	simm.s32 $0x180;
	v14 =	vpsel p0, v14, v17;
	v13 =	vpsel p0, v13, v18;
	v15 =	vpsel p0, v15, v16  }
.LBB2_24:
0xe2: {  	s29 =	sadd.s32 $0x8, s29  }
0xe3: {  	p0 =	slt.u32 s29, $0xF4  }
.Ltmp7:
0xe4: {  	_ = 	snop;
	(pc) =	sbr.rel @!p0 .LBB2_25-.Ltmp7, $4  }
0xe5: {  	_ = 	snop  }
0xe6: {  	s30 =	sadd.s32 $0x200, s30;
	s31 =	sadd.s32 $0x200, s31  }
0xe7: {  	s4 =	sadd.s32 $0x200, s4;
	s5 =	sadd.s32 $0x200, s5;
	s6 =	simm.s32 $0x3F30  }
0xe8: {  	s7 =	simm.s32 $0x7F30;
	s8 =	simm.s32 $0xBF30;
	s9 =	simm.s32 $0x3F30  }
.LBB2_8:
0xe9: {  	v16 =	vld [tilespmem:s5+$0xFFFFFF80]  }
0xea: {  	v17 =	vld [tilespmem:s4+$0xFFFFFF80]  }
0xeb: {  	v18 =	vld [tilespmem:s5+$0xFFFFFF90]  }
0xec: {  	v19 =	vld [tilespmem:s4+$0xFFFFFF90];
	_ =	sdelay $0x1  }
0xed: {  	v20 =	vld [tilespmem:s31+$0xFFFFFF80]  }
0xee: {  	v22 =	vld [tilespmem:s5+$0xFFFFFFA0]  }
0xef: {  	v23 =	vld [tilespmem:s4+$0xFFFFFFA0];
	v16 =	vsub.f32 v12, v16;
	v17 =	vsub.f32 v10, v17  }
0xf0: {  	v24 =	vld [tilespmem:s5+$0xFFFFFFB0];
	v18 =	vsub.f32 v12, v18;
	v19 =	vsub.f32 v10, v19  }
0xf1: {  	v25 =	vld [tilespmem:s4+$0xFFFFFFB0];
	v16 =	vmul.f32 v16, v16;
	v17 =	vmul.f32 v17, v17  }
0xf2: {  	v26 =	vld [tilespmem:s31+$0xFFFFFFA0];
	v18 =	vmul.f32 v18, v18;
	v19 =	vmul.f32 v19, v19  }
0xf3: {  	v21 =	vld [tilespmem:s31+$0xFFFFFF90]  }
0xf4: {  	v16 =	vadd.f32 v17, v16;
	v17 =	vadd.f32 v19, v18;
	v18 =	vld [tilespmem:s31+$0xFFFFFFB0]  }
0xf5: {  	v57 =	vsub.f32 v10, v23;
	v58 =	vsub.f32 v12, v24  }
0xf6: {  	v56 =	vsub.f32 v12, v22;
	v59 =	vsub.f32 v10, v25  }
0xf7: {  	v60 =	vsub.f32 v11, v26;
	v22 =	vmul.f32 v57, v57;
	v23 =	vmul.f32 v58, v58  }
0xf8: {  	v24 =	vmul.f32 v59, v59;
	v19 =	vsub.f32 v11, v20;
	v20 =	vsub.f32 v11, v21  }
0xf9: {  	v62 =	vmul.f32 v60, v60;
	v21 =	vmul.f32 v56, v56;
	v18 =	vsub.f32 v11, v18  }
0xfa: {  	v19 =	vmul.f32 v19, v19;
	v20 =	vmul.f32 v20, v20  }
0xfb: {  	v61 =	vadd.f32 v24, v23;
	v21 =	vadd.f32 v22, v21;
	v63 =	vmul.f32 v18, v18  }
0xfc: {  	v19 =	vadd.f32 v19, v16;
	v18 =	vadd.f32 v20, v17  }
0xfd: {  	v17 =	vadd.f32 v62, v21;
	v16 =	vadd.f32 v63, v61;
	_ =	sdelay $0x1  }
0xfe: {  	v20 =	vmin.f32 v19, v18;
	v21 =	vmin.f32 v17, v16  }
0xff: {  	v20 =	vmin.f32 v20, v21  }
0x100: {  	vm0 =	vlt.f32 v20, v15  }
0x101: {  	v20 =	vmpcnt.ones.xlane vm0;
	_ =	sdelay $0x1  }
0x102: {  	(v2sf) =	vpush v20, $0x0;
	_ =	sdelay $0xe  }
0x103: {  	s6 =	spop (v2sf)  }
0x104: {  	p0 =	slt.s32 s6, $0x1  }
.Ltmp8:
0x105: {  	_ = 	snop;
	(pc) =	sbr.rel @p0 .LBB2_10-.Ltmp8, $1  }
0x106: {  	_ =	sdelay $0x3  }
0x107: {  	vm0 =	vlt.f32 v19, v15  }
0x108: {  	v20 =	vmpcnt.ones.xlane vm0;
	_ =	sdelay $0x1  }
0x109: {  	(v2sf) =	vpush v20, $0x0;
	_ =	sdelay $0xe  }
0x10a: {  	s6 =	spop (v2sf)  }
0x10b: {  	p1 =	slt.s32 s6, $0x1  }
0x10c: {  	s6 =	sadd.s32 $0xFFFFFE10, s30;
	v20 =	vlaneseq.u32 @!p1  }
0x10d: {  	v21 =	vor.u32 @!p1 s6, v20  }
0x10e: {  	(xrf1) =	vsort.ascd.msk.f32 @!p1 $0xffff, v19, v21;
	_ =	sdelay $0xb  }
0x10f: {  	v19 =	vmul.u32 @!p1 $0xFFFFFFFF, v20;
	_ =	sdelay $0x1  }
0x110: {  	v19 =	vadd.s32 @!p1 $0xF, v19;
	v20, v21, _ =	vpop @!p1 (xrf1)  }
0x111: {  	v20 =	vperm.xlane @!p1 v20, v19  }
0x112: {  	v19 =	vperm.xlane @!p1 v21, v19  }
0x113: {  	vm0 =	vle.f32 @!p1 v14, v20  }
0x114: {  	v20 =	vsel @!p1 vm0, v14, v20;
	v19 =	vsel @!p1 vm0, v13, v19  }
0x115: {  	(xrf1) =	vsort.ascd.msk.f32 @!p1 $0xffff, v20, v19;
	_ =	sdelay $0xd  }
0x116: {  	v21 =	vimm.s32 @!p1 $0xF;
	v19, v20, _ =	vpop @!p1 (xrf1)  }
0x117: {  	v21 =	vperm.xlane @!p1 v19, v21;
	_ =	sdelay $0x1  }
0x118: {  	v15 =	vpsel p1, v15, v21  }
0x119: {  	vm13 =	vlt.f32 v18, v15  }
0x11a: {  	v61 =	vmpcnt.ones.xlane vm13;
	_ =	sdelay $0x1  }
0x11b: {  	(v2sf) =	vpush v61, $0x0;
	_ =	sdelay $0xe  }
0x11c: {  	s7 =	spop (v2sf)  }
0x11d: {  	p0 =	slt.s32 s7, $0x1  }
0x11e: {  	s6 =	sadd.s32 $0xFFFFFE20, s30;
	v21 =	vlaneseq.u32 @!p0  }
0x11f: {  	v22 =	vor.u32 @!p0 s6, v21  }
0x120: {  	(xrf1) =	vsort.ascd.msk.f32 @!p0 $0xffff, v18, v22;
	_ =	sdelay $0xb  }
0x121: {  	v18 =	vmul.u32 @!p0 $0xFFFFFFFF, v21;
	_ =	sdelay $0x1  }
0x122: {  	v18 =	vadd.s32 @!p0 $0xF, v18;
	v21, v22, _ =	vpop @!p0 (xrf1)  }
0x123: {  	v21 =	vperm.xlane @!p0 v21, v18  }
0x124: {  	v14 =	vpsel p1, v14, v19;
	v18 =	vperm.xlane @!p0 v22, v18  }
0x125: {  	v13 =	vpsel p1, v13, v20;
	vm0 =	vle.f32 @!p0 v14, v21  }
0x126: {  	v19 =	vsel @!p0 vm0, v14, v21;
	v18 =	vsel @!p0 vm0, v13, v18  }
0x127: {  	(xrf1) =	vsort.ascd.msk.f32 @!p0 $0xffff, v19, v18;
	_ =	sdelay $0xd  }
0x128: {  	v20 =	vimm.s32 @!p0 $0xF;
	v18, v19, _ =	vpop @!p0 (xrf1)  }
0x129: {  	v20 =	vperm.xlane @!p0 v18, v20;
	_ =	sdelay $0x1  }
0x12a: {  	v15 =	vpsel p0, v15, v20  }
0x12b: {  	vm14 =	vlt.f32 v17, v15  }
0x12c: {  	v62 =	vmpcnt.ones.xlane vm14;
	_ =	sdelay $0x1  }
0x12d: {  	(v2sf) =	vpush v62, $0x0;
	_ =	sdelay $0xe  }
0x12e: {  	s8 =	spop (v2sf)  }
0x12f: {  	p1 =	slt.s32 s8, $0x1  }
0x130: {  	s6 =	sadd.s32 $0xFFFFFE30, s30;
	v20 =	vlaneseq.u32 @!p1  }
0x131: {  	v21 =	vor.u32 @!p1 s6, v20  }
0x132: {  	(xrf1) =	vsort.ascd.msk.f32 @!p1 $0xffff, v17, v21;
	_ =	sdelay $0xb  }
0x133: {  	v17 =	vmul.u32 @!p1 $0xFFFFFFFF, v20;
	_ =	sdelay $0x1  }
0x134: {  	v17 =	vadd.s32 @!p1 $0xF, v17;
	v20, v21, _ =	vpop @!p1 (xrf1)  }
0x135: {  	v20 =	vperm.xlane @!p1 v20, v17  }
0x136: {  	v14 =	vpsel p0, v14, v18;
	v17 =	vperm.xlane @!p1 v21, v17  }
0x137: {  	v13 =	vpsel p0, v13, v19;
	vm0 =	vle.f32 @!p1 v14, v20  }
0x138: {  	v18 =	vsel @!p1 vm0, v14, v20;
	v17 =	vsel @!p1 vm0, v13, v17  }
0x139: {  	(xrf1) =	vsort.ascd.msk.f32 @!p1 $0xffff, v18, v17;
	_ =	sdelay $0xd  }
0x13a: {  	v19 =	vimm.s32 @!p1 $0xF;
	v17, v18, _ =	vpop @!p1 (xrf1)  }
0x13b: {  	v19 =	vperm.xlane @!p1 v17, v19;
	_ =	sdelay $0x1  }
0x13c: {  	v15 =	vpsel p1, v15, v19  }
0x13d: {  	vm15 =	vlt.f32 v16, v15  }
0x13e: {  	v63 =	vmpcnt.ones.xlane vm15;
	_ =	sdelay $0x1  }
0x13f: {  	(v2sf) =	vpush v63, $0x0;
	_ =	sdelay $0xe  }
0x140: {  	s9 =	spop (v2sf)  }
0x141: {  	p0 =	slt.s32 s9, $0x1  }
0x142: {  	s6 =	sadd.s32 $0xFFFFFE40, s30;
	v19 =	vlaneseq.u32 @!p0  }
0x143: {  	v20 =	vor.u32 @!p0 s6, v19  }
0x144: {  	(xrf1) =	vsort.ascd.msk.f32 @!p0 $0xffff, v16, v20;
	_ =	sdelay $0xb  }
0x145: {  	v16 =	vmul.u32 @!p0 $0xFFFFFFFF, v19;
	_ =	sdelay $0x1  }
0x146: {  	v16 =	vadd.s32 @!p0 $0xF, v16;
	v19, v20, _ =	vpop @!p0 (xrf1)  }
0x147: {  	v19 =	vperm.xlane @!p0 v19, v16  }
0x148: {  	v14 =	vpsel p1, v14, v17;
	v16 =	vperm.xlane @!p0 v20, v16  }
0x149: {  	v13 =	vpsel p1, v13, v18;
	vm0 =	vle.f32 @!p0 v14, v19  }
0x14a: {  	v17 =	vsel @!p0 vm0, v14, v19;
	v16 =	vsel @!p0 vm0, v13, v16  }
0x14b: {  	(xrf1) =	vsort.ascd.msk.f32 @!p0 $0xffff, v17, v16;
	_ =	sdelay $0xd  }
0x14c: {  	v18 =	vimm.s32 @!p0 $0xF;
	v16, v17, _ =	vpop @!p0 (xrf1)  }
0x14d: {  	v18 =	vperm.xlane @!p0 v16, v18;
	_ =	sdelay $0x1  }
0x14e: {  	v14 =	vpsel p0, v14, v16;
	v13 =	vpsel p0, v13, v17;
	v15 =	vpsel p0, v15, v18  }
.LBB2_10:
0x14f: {  	v16 =	vld [tilespmem:s5+$0xFFFFFFC0]  }
0x150: {  	v17 =	vld [tilespmem:s4+$0xFFFFFFC0]  }
0x151: {  	v18 =	vld [tilespmem:s5+$0xFFFFFFD0]  }
0x152: {  	v19 =	vld [tilespmem:s4+$0xFFFFFFD0];
	_ =	sdelay $0x1  }
0x153: {  	v20 =	vld [tilespmem:s31+$0xFFFFFFC0]  }
0x154: {  	v22 =	vld [tilespmem:s5+$0xFFFFFFE0]  }
0x155: {  	v23 =	vld [tilespmem:s4+$0xFFFFFFE0];
	v16 =	vsub.f32 v12, v16;
	v17 =	vsub.f32 v10, v17  }
0x156: {  	v24 =	vld [tilespmem:s5+$0xFFFFFFF0];
	v18 =	vsub.f32 v12, v18;
	v19 =	vsub.f32 v10, v19  }
0x157: {  	v25 =	vld [tilespmem:s4+$0xFFFFFFF0];
	v16 =	vmul.f32 v16, v16;
	v17 =	vmul.f32 v17, v17  }
0x158: {  	v26 =	vld [tilespmem:s31+$0xFFFFFFE0];
	v18 =	vmul.f32 v18, v18;
	v19 =	vmul.f32 v19, v19  }
0x159: {  	v21 =	vld [tilespmem:s31+$0xFFFFFFD0]  }
0x15a: {  	v16 =	vadd.f32 v17, v16;
	v17 =	vadd.f32 v19, v18;
	v18 =	vld [tilespmem:s31+$0xFFFFFFF0]  }
0x15b: {  	v57 =	vsub.f32 v10, v23;
	v58 =	vsub.f32 v12, v24  }
0x15c: {  	v56 =	vsub.f32 v12, v22;
	v59 =	vsub.f32 v10, v25  }
0x15d: {  	v60 =	vsub.f32 v11, v26;
	v22 =	vmul.f32 v57, v57;
	v23 =	vmul.f32 v58, v58  }
0x15e: {  	v24 =	vmul.f32 v59, v59;
	v19 =	vsub.f32 v11, v20;
	v20 =	vsub.f32 v11, v21  }
0x15f: {  	v62 =	vmul.f32 v60, v60;
	v21 =	vmul.f32 v56, v56;
	v18 =	vsub.f32 v11, v18  }
0x160: {  	v19 =	vmul.f32 v19, v19;
	v20 =	vmul.f32 v20, v20  }
0x161: {  	v61 =	vadd.f32 v24, v23;
	v21 =	vadd.f32 v22, v21;
	v63 =	vmul.f32 v18, v18  }
0x162: {  	v19 =	vadd.f32 v19, v16;
	v18 =	vadd.f32 v20, v17  }
0x163: {  	v17 =	vadd.f32 v62, v21;
	v16 =	vadd.f32 v63, v61;
	_ =	sdelay $0x1  }
0x164: {  	v20 =	vmin.f32 v19, v18;
	v21 =	vmin.f32 v17, v16  }
0x165: {  	v20 =	vmin.f32 v20, v21  }
0x166: {  	vm0 =	vlt.f32 v20, v15  }
0x167: {  	v20 =	vmpcnt.ones.xlane vm0;
	_ =	sdelay $0x1  }
0x168: {  	(v2sf) =	vpush v20, $0x0;
	_ =	sdelay $0xe  }
0x169: {  	s6 =	spop (v2sf)  }
0x16a: {  	p0 =	slt.s32 s6, $0x1  }
.Ltmp9:
0x16b: {  	_ = 	snop;
	(pc) =	sbr.rel @p0 .LBB2_12-.Ltmp9, $1  }
0x16c: {  	_ =	sdelay $0x3  }
0x16d: {  	vm0 =	vlt.f32 v19, v15  }
0x16e: {  	v20 =	vmpcnt.ones.xlane vm0;
	_ =	sdelay $0x1  }
0x16f: {  	(v2sf) =	vpush v20, $0x0;
	_ =	sdelay $0xe  }
0x170: {  	s6 =	spop (v2sf)  }
0x171: {  	p1 =	slt.s32 s6, $0x1  }
0x172: {  	s6 =	sadd.s32 $0xFFFFFE50, s30;
	v20 =	vlaneseq.u32 @!p1  }
0x173: {  	v21 =	vor.u32 @!p1 s6, v20  }
0x174: {  	(xrf1) =	vsort.ascd.msk.f32 @!p1 $0xffff, v19, v21;
	_ =	sdelay $0xb  }
0x175: {  	v19 =	vmul.u32 @!p1 $0xFFFFFFFF, v20;
	_ =	sdelay $0x1  }
0x176: {  	v19 =	vadd.s32 @!p1 $0xF, v19;
	v20, v21, _ =	vpop @!p1 (xrf1)  }
0x177: {  	v20 =	vperm.xlane @!p1 v20, v19  }
0x178: {  	v19 =	vperm.xlane @!p1 v21, v19  }
0x179: {  	vm0 =	vle.f32 @!p1 v14, v20  }
0x17a: {  	v20 =	vsel @!p1 vm0, v14, v20;
	v19 =	vsel @!p1 vm0, v13, v19  }
0x17b: {  	(xrf1) =	vsort.ascd.msk.f32 @!p1 $0xffff, v20, v19;
	_ =	sdelay $0xd  }
0x17c: {  	v21 =	vimm.s32 @!p1 $0xF;
	v19, v20, _ =	vpop @!p1 (xrf1)  }
0x17d: {  	v21 =	vperm.xlane @!p1 v19, v21;
	_ =	sdelay $0x1  }
0x17e: {  	v15 =	vpsel p1, v15, v21  }
0x17f: {  	vm13 =	vlt.f32 v18, v15  }
0x180: {  	v61 =	vmpcnt.ones.xlane vm13;
	_ =	sdelay $0x1  }
0x181: {  	(v2sf) =	vpush v61, $0x0;
	_ =	sdelay $0xe  }
0x182: {  	s7 =	spop (v2sf)  }
0x183: {  	p0 =	slt.s32 s7, $0x1  }
0x184: {  	s6 =	sadd.s32 $0xFFFFFE60, s30;
	v21 =	vlaneseq.u32 @!p0  }
0x185: {  	v22 =	vor.u32 @!p0 s6, v21  }
0x186: {  	(xrf1) =	vsort.ascd.msk.f32 @!p0 $0xffff, v18, v22;
	_ =	sdelay $0xb  }
0x187: {  	v18 =	vmul.u32 @!p0 $0xFFFFFFFF, v21;
	_ =	sdelay $0x1  }
0x188: {  	v18 =	vadd.s32 @!p0 $0xF, v18;
	v21, v22, _ =	vpop @!p0 (xrf1)  }
0x189: {  	v21 =	vperm.xlane @!p0 v21, v18  }
0x18a: {  	v14 =	vpsel p1, v14, v19;
	v18 =	vperm.xlane @!p0 v22, v18  }
0x18b: {  	v13 =	vpsel p1, v13, v20;
	vm0 =	vle.f32 @!p0 v14, v21  }
0x18c: {  	v19 =	vsel @!p0 vm0, v14, v21;
	v18 =	vsel @!p0 vm0, v13, v18  }
0x18d: {  	(xrf1) =	vsort.ascd.msk.f32 @!p0 $0xffff, v19, v18;
	_ =	sdelay $0xd  }
0x18e: {  	v20 =	vimm.s32 @!p0 $0xF;
	v18, v19, _ =	vpop @!p0 (xrf1)  }
0x18f: {  	v20 =	vperm.xlane @!p0 v18, v20;
	_ =	sdelay $0x1  }
0x190: {  	v15 =	vpsel p0, v15, v20  }
0x191: {  	vm14 =	vlt.f32 v17, v15  }
0x192: {  	v62 =	vmpcnt.ones.xlane vm14;
	_ =	sdelay $0x1  }
0x193: {  	(v2sf) =	vpush v62, $0x0;
	_ =	sdelay $0xe  }
0x194: {  	s8 =	spop (v2sf)  }
0x195: {  	p1 =	slt.s32 s8, $0x1  }
0x196: {  	s6 =	sadd.s32 $0xFFFFFE70, s30;
	v20 =	vlaneseq.u32 @!p1  }
0x197: {  	v21 =	vor.u32 @!p1 s6, v20  }
0x198: {  	(xrf1) =	vsort.ascd.msk.f32 @!p1 $0xffff, v17, v21;
	_ =	sdelay $0xb  }
0x199: {  	v17 =	vmul.u32 @!p1 $0xFFFFFFFF, v20;
	_ =	sdelay $0x1  }
0x19a: {  	v17 =	vadd.s32 @!p1 $0xF, v17;
	v20, v21, _ =	vpop @!p1 (xrf1)  }
0x19b: {  	v20 =	vperm.xlane @!p1 v20, v17  }
0x19c: {  	v14 =	vpsel p0, v14, v18;
	v17 =	vperm.xlane @!p1 v21, v17  }
0x19d: {  	v13 =	vpsel p0, v13, v19;
	vm0 =	vle.f32 @!p1 v14, v20  }
0x19e: {  	v18 =	vsel @!p1 vm0, v14, v20;
	v17 =	vsel @!p1 vm0, v13, v17  }
0x19f: {  	(xrf1) =	vsort.ascd.msk.f32 @!p1 $0xffff, v18, v17;
	_ =	sdelay $0xd  }
0x1a0: {  	v19 =	vimm.s32 @!p1 $0xF;
	v17, v18, _ =	vpop @!p1 (xrf1)  }
0x1a1: {  	v19 =	vperm.xlane @!p1 v17, v19;
	_ =	sdelay $0x1  }
0x1a2: {  	v15 =	vpsel p1, v15, v19  }
0x1a3: {  	vm15 =	vlt.f32 v16, v15  }
0x1a4: {  	v63 =	vmpcnt.ones.xlane vm15;
	_ =	sdelay $0x1  }
0x1a5: {  	(v2sf) =	vpush v63, $0x0;
	_ =	sdelay $0xe  }
0x1a6: {  	s9 =	spop (v2sf)  }
0x1a7: {  	p0 =	slt.s32 s9, $0x1  }
0x1a8: {  	s6 =	sadd.s32 $0xFFFFFE80, s30;
	v19 =	vlaneseq.u32 @!p0  }
0x1a9: {  	v20 =	vor.u32 @!p0 s6, v19  }
0x1aa: {  	(xrf1) =	vsort.ascd.msk.f32 @!p0 $0xffff, v16, v20;
	_ =	sdelay $0xb  }
0x1ab: {  	v16 =	vmul.u32 @!p0 $0xFFFFFFFF, v19;
	_ =	sdelay $0x1  }
0x1ac: {  	v16 =	vadd.s32 @!p0 $0xF, v16;
	v19, v20, _ =	vpop @!p0 (xrf1)  }
0x1ad: {  	v19 =	vperm.xlane @!p0 v19, v16  }
0x1ae: {  	v14 =	vpsel p1, v14, v17;
	v16 =	vperm.xlane @!p0 v20, v16  }
0x1af: {  	v13 =	vpsel p1, v13, v18;
	vm0 =	vle.f32 @!p0 v14, v19  }
0x1b0: {  	v17 =	vsel @!p0 vm0, v14, v19;
	v16 =	vsel @!p0 vm0, v13, v16  }
0x1b1: {  	(xrf1) =	vsort.ascd.msk.f32 @!p0 $0xffff, v17, v16;
	_ =	sdelay $0xd  }
0x1b2: {  	v18 =	vimm.s32 @!p0 $0xF;
	v16, v17, _ =	vpop @!p0 (xrf1)  }
0x1b3: {  	v18 =	vperm.xlane @!p0 v16, v18;
	_ =	sdelay $0x1  }
0x1b4: {  	v14 =	vpsel p0, v14, v16;
	v13 =	vpsel p0, v13, v17;
	v15 =	vpsel p0, v15, v18  }
.LBB2_12:
0x1b5: {  	v16 =	vld [tilespmem:s5+$0x0]  }
0x1b6: {  	v17 =	vld [tilespmem:s4+$0x0]  }
0x1b7: {  	v18 =	vld [tilespmem:s5+$0x10]  }
0x1b8: {  	v19 =	vld [tilespmem:s4+$0x10];
	_ =	sdelay $0x1  }
0x1b9: {  	v20 =	vld [tilespmem:s31+$0x0]  }
0x1ba: {  	v22 =	vld [tilespmem:s5+$0x20]  }
0x1bb: {  	v23 =	vld [tilespmem:s4+$0x20];
	v16 =	vsub.f32 v12, v16;
	v17 =	vsub.f32 v10, v17  }
0x1bc: {  	v24 =	vld [tilespmem:s5+$0x30];
	v18 =	vsub.f32 v12, v18;
	v19 =	vsub.f32 v10, v19  }
0x1bd: {  	v25 =	vld [tilespmem:s4+$0x30];
	v16 =	vmul.f32 v16, v16;
	v17 =	vmul.f32 v17, v17  }
0x1be: {  	v26 =	vld [tilespmem:s31+$0x20];
	v18 =	vmul.f32 v18, v18;
	v19 =	vmul.f32 v19, v19  }
0x1bf: {  	v21 =	vld [tilespmem:s31+$0x10]  }
0x1c0: {  	v16 =	vadd.f32 v17, v16;
	v17 =	vadd.f32 v19, v18;
	v18 =	vld [tilespmem:s31+$0x30]  }
0x1c1: {  	v57 =	vsub.f32 v10, v23;
	v58 =	vsub.f32 v12, v24  }
0x1c2: {  	v56 =	vsub.f32 v12, v22;
	v59 =	vsub.f32 v10, v25  }
0x1c3: {  	v60 =	vsub.f32 v11, v26;
	v22 =	vmul.f32 v57, v57;
	v23 =	vmul.f32 v58, v58  }
0x1c4: {  	v24 =	vmul.f32 v59, v59;
	v19 =	vsub.f32 v11, v20;
	v20 =	vsub.f32 v11, v21  }
0x1c5: {  	v62 =	vmul.f32 v60, v60;
	v21 =	vmul.f32 v56, v56;
	v18 =	vsub.f32 v11, v18  }
0x1c6: {  	v19 =	vmul.f32 v19, v19;
	v20 =	vmul.f32 v20, v20  }
0x1c7: {  	v61 =	vadd.f32 v24, v23;
	v21 =	vadd.f32 v22, v21;
	v63 =	vmul.f32 v18, v18  }
0x1c8: {  	v19 =	vadd.f32 v19, v16;
	v18 =	vadd.f32 v20, v17  }
0x1c9: {  	v17 =	vadd.f32 v62, v21;
	v16 =	vadd.f32 v63, v61;
	_ =	sdelay $0x1  }
0x1ca: {  	v20 =	vmin.f32 v19, v18;
	v21 =	vmin.f32 v17, v16  }
0x1cb: {  	v20 =	vmin.f32 v20, v21  }
0x1cc: {  	vm0 =	vlt.f32 v20, v15  }
0x1cd: {  	v20 =	vmpcnt.ones.xlane vm0;
	_ =	sdelay $0x1  }
0x1ce: {  	(v2sf) =	vpush v20, $0x0;
	_ =	sdelay $0xe  }
0x1cf: {  	s6 =	spop (v2sf)  }
0x1d0: {  	p0 =	slt.s32 s6, $0x1  }
.Ltmp10:
0x1d1: {  	_ = 	snop;
	(pc) =	sbr.rel @p0 .LBB2_14-.Ltmp10, $1  }
0x1d2: {  	_ =	sdelay $0x3  }
0x1d3: {  	vm0 =	vlt.f32 v19, v15  }
0x1d4: {  	v20 =	vmpcnt.ones.xlane vm0;
	_ =	sdelay $0x1  }
0x1d5: {  	(v2sf) =	vpush v20, $0x0;
	_ =	sdelay $0xe  }
0x1d6: {  	s6 =	spop (v2sf)  }
0x1d7: {  	p1 =	slt.s32 s6, $0x1  }
0x1d8: {  	s6 =	sadd.s32 $0xFFFFFE90, s30;
	v20 =	vlaneseq.u32 @!p1  }
0x1d9: {  	v21 =	vor.u32 @!p1 s6, v20  }
0x1da: {  	(xrf1) =	vsort.ascd.msk.f32 @!p1 $0xffff, v19, v21;
	_ =	sdelay $0xb  }
0x1db: {  	v19 =	vmul.u32 @!p1 $0xFFFFFFFF, v20;
	_ =	sdelay $0x1  }
0x1dc: {  	v19 =	vadd.s32 @!p1 $0xF, v19;
	v20, v21, _ =	vpop @!p1 (xrf1)  }
0x1dd: {  	v20 =	vperm.xlane @!p1 v20, v19  }
0x1de: {  	v19 =	vperm.xlane @!p1 v21, v19  }
0x1df: {  	vm0 =	vle.f32 @!p1 v14, v20  }
0x1e0: {  	v20 =	vsel @!p1 vm0, v14, v20;
	v19 =	vsel @!p1 vm0, v13, v19  }
0x1e1: {  	(xrf1) =	vsort.ascd.msk.f32 @!p1 $0xffff, v20, v19;
	_ =	sdelay $0xd  }
0x1e2: {  	v21 =	vimm.s32 @!p1 $0xF;
	v19, v20, _ =	vpop @!p1 (xrf1)  }
0x1e3: {  	v21 =	vperm.xlane @!p1 v19, v21;
	_ =	sdelay $0x1  }
0x1e4: {  	v15 =	vpsel p1, v15, v21  }
0x1e5: {  	vm13 =	vlt.f32 v18, v15  }
0x1e6: {  	v61 =	vmpcnt.ones.xlane vm13;
	_ =	sdelay $0x1  }
0x1e7: {  	(v2sf) =	vpush v61, $0x0;
	_ =	sdelay $0xe  }
0x1e8: {  	s7 =	spop (v2sf)  }
0x1e9: {  	p0 =	slt.s32 s7, $0x1  }
0x1ea: {  	s6 =	sadd.s32 $0xFFFFFEA0, s30;
	v21 =	vlaneseq.u32 @!p0  }
0x1eb: {  	v22 =	vor.u32 @!p0 s6, v21  }
0x1ec: {  	(xrf1) =	vsort.ascd.msk.f32 @!p0 $0xffff, v18, v22;
	_ =	sdelay $0xb  }
0x1ed: {  	v18 =	vmul.u32 @!p0 $0xFFFFFFFF, v21;
	_ =	sdelay $0x1  }
0x1ee: {  	v18 =	vadd.s32 @!p0 $0xF, v18;
	v21, v22, _ =	vpop @!p0 (xrf1)  }
0x1ef: {  	v21 =	vperm.xlane @!p0 v21, v18  }
0x1f0: {  	v14 =	vpsel p1, v14, v19;
	v18 =	vperm.xlane @!p0 v22, v18  }
0x1f1: {  	v13 =	vpsel p1, v13, v20;
	vm0 =	vle.f32 @!p0 v14, v21  }
0x1f2: {  	v19 =	vsel @!p0 vm0, v14, v21;
	v18 =	vsel @!p0 vm0, v13, v18  }
0x1f3: {  	(xrf1) =	vsort.ascd.msk.f32 @!p0 $0xffff, v19, v18;
	_ =	sdelay $0xd  }
0x1f4: {  	v20 =	vimm.s32 @!p0 $0xF;
	v18, v19, _ =	vpop @!p0 (xrf1)  }
0x1f5: {  	v20 =	vperm.xlane @!p0 v18, v20;
	_ =	sdelay $0x1  }
0x1f6: {  	v15 =	vpsel p0, v15, v20  }
0x1f7: {  	vm14 =	vlt.f32 v17, v15  }
0x1f8: {  	v62 =	vmpcnt.ones.xlane vm14;
	_ =	sdelay $0x1  }
0x1f9: {  	(v2sf) =	vpush v62, $0x0;
	_ =	sdelay $0xe  }
0x1fa: {  	s8 =	spop (v2sf)  }
0x1fb: {  	p1 =	slt.s32 s8, $0x1  }
0x1fc: {  	s6 =	sadd.s32 $0xFFFFFEB0, s30;
	v20 =	vlaneseq.u32 @!p1  }
0x1fd: {  	v21 =	vor.u32 @!p1 s6, v20  }
0x1fe: {  	(xrf1) =	vsort.ascd.msk.f32 @!p1 $0xffff, v17, v21;
	_ =	sdelay $0xb  }
0x1ff: {  	v17 =	vmul.u32 @!p1 $0xFFFFFFFF, v20;
	_ =	sdelay $0x1  }
0x200: {  	v17 =	vadd.s32 @!p1 $0xF, v17;
	v20, v21, _ =	vpop @!p1 (xrf1)  }
0x201: {  	v20 =	vperm.xlane @!p1 v20, v17  }
0x202: {  	v14 =	vpsel p0, v14, v18;
	v17 =	vperm.xlane @!p1 v21, v17  }
0x203: {  	v13 =	vpsel p0, v13, v19;
	vm0 =	vle.f32 @!p1 v14, v20  }
0x204: {  	v18 =	vsel @!p1 vm0, v14, v20;
	v17 =	vsel @!p1 vm0, v13, v17  }
0x205: {  	(xrf1) =	vsort.ascd.msk.f32 @!p1 $0xffff, v18, v17;
	_ =	sdelay $0xd  }
0x206: {  	v19 =	vimm.s32 @!p1 $0xF;
	v17, v18, _ =	vpop @!p1 (xrf1)  }
0x207: {  	v19 =	vperm.xlane @!p1 v17, v19;
	_ =	sdelay $0x1  }
0x208: {  	v15 =	vpsel p1, v15, v19  }
0x209: {  	vm15 =	vlt.f32 v16, v15  }
0x20a: {  	v63 =	vmpcnt.ones.xlane vm15;
	_ =	sdelay $0x1  }
0x20b: {  	(v2sf) =	vpush v63, $0x0;
	_ =	sdelay $0xe  }
0x20c: {  	s9 =	spop (v2sf)  }
0x20d: {  	p0 =	slt.s32 s9, $0x1  }
0x20e: {  	s6 =	sadd.s32 $0xFFFFFEC0, s30;
	v19 =	vlaneseq.u32 @!p0  }
0x20f: {  	v20 =	vor.u32 @!p0 s6, v19  }
0x210: {  	(xrf1) =	vsort.ascd.msk.f32 @!p0 $0xffff, v16, v20;
	_ =	sdelay $0xb  }
0x211: {  	v16 =	vmul.u32 @!p0 $0xFFFFFFFF, v19;
	_ =	sdelay $0x1  }
0x212: {  	v16 =	vadd.s32 @!p0 $0xF, v16;
	v19, v20, _ =	vpop @!p0 (xrf1)  }
0x213: {  	v19 =	vperm.xlane @!p0 v19, v16  }
0x214: {  	v14 =	vpsel p1, v14, v17;
	v16 =	vperm.xlane @!p0 v20, v16  }
0x215: {  	v13 =	vpsel p1, v13, v18;
	vm0 =	vle.f32 @!p0 v14, v19  }
0x216: {  	v17 =	vsel @!p0 vm0, v14, v19;
	v16 =	vsel @!p0 vm0, v13, v16  }
0x217: {  	(xrf1) =	vsort.ascd.msk.f32 @!p0 $0xffff, v17, v16;
	_ =	sdelay $0xd  }
0x218: {  	v18 =	vimm.s32 @!p0 $0xF;
	v16, v17, _ =	vpop @!p0 (xrf1)  }
0x219: {  	v18 =	vperm.xlane @!p0 v16, v18;
	_ =	sdelay $0x1  }
0x21a: {  	v14 =	vpsel p0, v14, v16;
	v13 =	vpsel p0, v13, v17;
	v15 =	vpsel p0, v15, v18  }
.LBB2_14:
0x21b: {  	v16 =	vld [tilespmem:s5+$0x40]  }
0x21c: {  	v17 =	vld [tilespmem:s4+$0x40]  }
0x21d: {  	v18 =	vld [tilespmem:s5+$0x50]  }
0x21e: {  	v19 =	vld [tilespmem:s4+$0x50];
	_ =	sdelay $0x1  }
0x21f: {  	v20 =	vld [tilespmem:s31+$0x40]  }
0x220: {  	v22 =	vld [tilespmem:s5+$0x60]  }
0x221: {  	v23 =	vld [tilespmem:s4+$0x60];
	v16 =	vsub.f32 v12, v16;
	v17 =	vsub.f32 v10, v17  }
0x222: {  	v24 =	vld [tilespmem:s5+$0x70];
	v18 =	vsub.f32 v12, v18;
	v19 =	vsub.f32 v10, v19  }
0x223: {  	v25 =	vld [tilespmem:s4+$0x70];
	v16 =	vmul.f32 v16, v16;
	v17 =	vmul.f32 v17, v17  }
0x224: {  	v26 =	vld [tilespmem:s31+$0x60];
	v18 =	vmul.f32 v18, v18;
	v19 =	vmul.f32 v19, v19  }
0x225: {  	v21 =	vld [tilespmem:s31+$0x50]  }
0x226: {  	v16 =	vadd.f32 v17, v16;
	v17 =	vadd.f32 v19, v18;
	v18 =	vld [tilespmem:s31+$0x70]  }
0x227: {  	v57 =	vsub.f32 v10, v23;
	v58 =	vsub.f32 v12, v24  }
0x228: {  	v56 =	vsub.f32 v12, v22;
	v59 =	vsub.f32 v10, v25  }
0x229: {  	v60 =	vsub.f32 v11, v26;
	v22 =	vmul.f32 v57, v57;
	v23 =	vmul.f32 v58, v58  }
0x22a: {  	v24 =	vmul.f32 v59, v59;
	v19 =	vsub.f32 v11, v20;
	v20 =	vsub.f32 v11, v21  }
0x22b: {  	v62 =	vmul.f32 v60, v60;
	v21 =	vmul.f32 v56, v56;
	v18 =	vsub.f32 v11, v18  }
0x22c: {  	v19 =	vmul.f32 v19, v19;
	v20 =	vmul.f32 v20, v20  }
0x22d: {  	v61 =	vadd.f32 v24, v23;
	v21 =	vadd.f32 v22, v21;
	v63 =	vmul.f32 v18, v18  }
0x22e: {  	v19 =	vadd.f32 v19, v16;
	v18 =	vadd.f32 v20, v17  }
0x22f: {  	v17 =	vadd.f32 v62, v21;
	v16 =	vadd.f32 v63, v61;
	_ =	sdelay $0x1  }
0x230: {  	v20 =	vmin.f32 v19, v18;
	v21 =	vmin.f32 v17, v16  }
0x231: {  	v20 =	vmin.f32 v20, v21  }
0x232: {  	vm0 =	vlt.f32 v20, v15  }
0x233: {  	v20 =	vmpcnt.ones.xlane vm0;
	_ =	sdelay $0x1  }
0x234: {  	(v2sf) =	vpush v20, $0x0;
	_ =	sdelay $0xe  }
0x235: {  	s6 =	spop (v2sf)  }
0x236: {  	p0 =	slt.s32 s6, $0x1  }
.Ltmp11:
0x237: {  	_ = 	snop;
	(pc) =	sbr.rel @p0 .LBB2_16-.Ltmp11, $1  }
0x238: {  	_ =	sdelay $0x3  }
0x239: {  	vm0 =	vlt.f32 v19, v15  }
0x23a: {  	v20 =	vmpcnt.ones.xlane vm0;
	_ =	sdelay $0x1  }
0x23b: {  	(v2sf) =	vpush v20, $0x0;
	_ =	sdelay $0xe  }
0x23c: {  	s6 =	spop (v2sf)  }
0x23d: {  	p1 =	slt.s32 s6, $0x1  }
0x23e: {  	s6 =	sadd.s32 $0xFFFFFED0, s30;
	v20 =	vlaneseq.u32 @!p1  }
0x23f: {  	v21 =	vor.u32 @!p1 s6, v20  }
0x240: {  	(xrf1) =	vsort.ascd.msk.f32 @!p1 $0xffff, v19, v21;
	_ =	sdelay $0xb  }
0x241: {  	v19 =	vmul.u32 @!p1 $0xFFFFFFFF, v20;
	_ =	sdelay $0x1  }
0x242: {  	v19 =	vadd.s32 @!p1 $0xF, v19;
	v20, v21, _ =	vpop @!p1 (xrf1)  }
0x243: {  	v20 =	vperm.xlane @!p1 v20, v19  }
0x244: {  	v19 =	vperm.xlane @!p1 v21, v19  }
0x245: {  	vm0 =	vle.f32 @!p1 v14, v20  }
0x246: {  	v20 =	vsel @!p1 vm0, v14, v20;
	v19 =	vsel @!p1 vm0, v13, v19  }
0x247: {  	(xrf1) =	vsort.ascd.msk.f32 @!p1 $0xffff, v20, v19;
	_ =	sdelay $0xd  }
0x248: {  	v21 =	vimm.s32 @!p1 $0xF;
	v19, v20, _ =	vpop @!p1 (xrf1)  }
0x249: {  	v21 =	vperm.xlane @!p1 v19, v21;
	_ =	sdelay $0x1  }
0x24a: {  	v15 =	vpsel p1, v15, v21  }
0x24b: {  	vm13 =	vlt.f32 v18, v15  }
0x24c: {  	v61 =	vmpcnt.ones.xlane vm13;
	_ =	sdelay $0x1  }
0x24d: {  	(v2sf) =	vpush v61, $0x0;
	_ =	sdelay $0xe  }
0x24e: {  	s7 =	spop (v2sf)  }
0x24f: {  	p0 =	slt.s32 s7, $0x1  }
0x250: {  	s6 =	sadd.s32 $0xFFFFFEE0, s30;
	v21 =	vlaneseq.u32 @!p0  }
0x251: {  	v22 =	vor.u32 @!p0 s6, v21  }
0x252: {  	(xrf1) =	vsort.ascd.msk.f32 @!p0 $0xffff, v18, v22;
	_ =	sdelay $0xb  }
0x253: {  	v18 =	vmul.u32 @!p0 $0xFFFFFFFF, v21;
	_ =	sdelay $0x1  }
0x254: {  	v18 =	vadd.s32 @!p0 $0xF, v18;
	v21, v22, _ =	vpop @!p0 (xrf1)  }
0x255: {  	v21 =	vperm.xlane @!p0 v21, v18  }
0x256: {  	v14 =	vpsel p1, v14, v19;
	v18 =	vperm.xlane @!p0 v22, v18  }
0x257: {  	v13 =	vpsel p1, v13, v20;
	vm0 =	vle.f32 @!p0 v14, v21  }
0x258: {  	v19 =	vsel @!p0 vm0, v14, v21;
	v18 =	vsel @!p0 vm0, v13, v18  }
0x259: {  	(xrf1) =	vsort.ascd.msk.f32 @!p0 $0xffff, v19, v18;
	_ =	sdelay $0xd  }
0x25a: {  	v20 =	vimm.s32 @!p0 $0xF;
	v18, v19, _ =	vpop @!p0 (xrf1)  }
0x25b: {  	v20 =	vperm.xlane @!p0 v18, v20;
	_ =	sdelay $0x1  }
0x25c: {  	v15 =	vpsel p0, v15, v20  }
0x25d: {  	vm14 =	vlt.f32 v17, v15  }
0x25e: {  	v62 =	vmpcnt.ones.xlane vm14;
	_ =	sdelay $0x1  }
0x25f: {  	(v2sf) =	vpush v62, $0x0;
	_ =	sdelay $0xe  }
0x260: {  	s8 =	spop (v2sf)  }
0x261: {  	p1 =	slt.s32 s8, $0x1  }
0x262: {  	s6 =	sadd.s32 $0xFFFFFEF0, s30;
	v20 =	vlaneseq.u32 @!p1  }
0x263: {  	v21 =	vor.u32 @!p1 s6, v20  }
0x264: {  	(xrf1) =	vsort.ascd.msk.f32 @!p1 $0xffff, v17, v21;
	_ =	sdelay $0xb  }
0x265: {  	v17 =	vmul.u32 @!p1 $0xFFFFFFFF, v20;
	_ =	sdelay $0x1  }
0x266: {  	v17 =	vadd.s32 @!p1 $0xF, v17;
	v20, v21, _ =	vpop @!p1 (xrf1)  }
0x267: {  	v20 =	vperm.xlane @!p1 v20, v17  }
0x268: {  	v14 =	vpsel p0, v14, v18;
	v17 =	vperm.xlane @!p1 v21, v17  }
0x269: {  	v13 =	vpsel p0, v13, v19;
	vm0 =	vle.f32 @!p1 v14, v20  }
0x26a: {  	v18 =	vsel @!p1 vm0, v14, v20;
	v17 =	vsel @!p1 vm0, v13, v17  }
0x26b: {  	(xrf1) =	vsort.ascd.msk.f32 @!p1 $0xffff, v18, v17;
	_ =	sdelay $0xd  }
0x26c: {  	v19 =	vimm.s32 @!p1 $0xF;
	v17, v18, _ =	vpop @!p1 (xrf1)  }
0x26d: {  	v19 =	vperm.xlane @!p1 v17, v19;
	_ =	sdelay $0x1  }
0x26e: {  	v15 =	vpsel p1, v15, v19  }
0x26f: {  	vm15 =	vlt.f32 v16, v15  }
0x270: {  	v63 =	vmpcnt.ones.xlane vm15;
	_ =	sdelay $0x1  }
0x271: {  	(v2sf) =	vpush v63, $0x0;
	_ =	sdelay $0xe  }
0x272: {  	s9 =	spop (v2sf)  }
0x273: {  	p0 =	slt.s32 s9, $0x1  }
0x274: {  	s6 =	sadd.s32 $0xFFFFFF00, s30;
	v19 =	vlaneseq.u32 @!p0  }
0x275: {  	v20 =	vor.u32 @!p0 s6, v19  }
0x276: {  	(xrf1) =	vsort.ascd.msk.f32 @!p0 $0xffff, v16, v20;
	_ =	sdelay $0xb  }
0x277: {  	v16 =	vmul.u32 @!p0 $0xFFFFFFFF, v19;
	_ =	sdelay $0x1  }
0x278: {  	v16 =	vadd.s32 @!p0 $0xF, v16;
	v19, v20, _ =	vpop @!p0 (xrf1)  }
0x279: {  	v19 =	vperm.xlane @!p0 v19, v16  }
0x27a: {  	v14 =	vpsel p1, v14, v17;
	v16 =	vperm.xlane @!p0 v20, v16  }
0x27b: {  	v13 =	vpsel p1, v13, v18;
	vm0 =	vle.f32 @!p0 v14, v19  }
0x27c: {  	v17 =	vsel @!p0 vm0, v14, v19;
	v16 =	vsel @!p0 vm0, v13, v16  }
0x27d: {  	(xrf1) =	vsort.ascd.msk.f32 @!p0 $0xffff, v17, v16;
	_ =	sdelay $0xd  }
0x27e: {  	v18 =	vimm.s32 @!p0 $0xF;
	v16, v17, _ =	vpop @!p0 (xrf1)  }
0x27f: {  	v18 =	vperm.xlane @!p0 v16, v18;
	_ =	sdelay $0x1  }
0x280: {  	v14 =	vpsel p0, v14, v16;
	v13 =	vpsel p0, v13, v17;
	v15 =	vpsel p0, v15, v18  }
.LBB2_16:
0x281: {  	v16 =	vld [tilespmem:s5+$0x80]  }
0x282: {  	v17 =	vld [tilespmem:s4+$0x80]  }
0x283: {  	v18 =	vld [tilespmem:s5+$0x90]  }
0x284: {  	v19 =	vld [tilespmem:s4+$0x90];
	_ =	sdelay $0x1  }
0x285: {  	v20 =	vld [tilespmem:s31+$0x80]  }
0x286: {  	v22 =	vld [tilespmem:s5+$0xA0]  }
0x287: {  	v23 =	vld [tilespmem:s4+$0xA0];
	v16 =	vsub.f32 v12, v16;
	v17 =	vsub.f32 v10, v17  }
0x288: {  	v24 =	vld [tilespmem:s5+$0xB0];
	v18 =	vsub.f32 v12, v18;
	v19 =	vsub.f32 v10, v19  }
0x289: {  	v25 =	vld [tilespmem:s4+$0xB0];
	v16 =	vmul.f32 v16, v16;
	v17 =	vmul.f32 v17, v17  }
0x28a: {  	v26 =	vld [tilespmem:s31+$0xA0];
	v18 =	vmul.f32 v18, v18;
	v19 =	vmul.f32 v19, v19  }
0x28b: {  	v21 =	vld [tilespmem:s31+$0x90]  }
0x28c: {  	v16 =	vadd.f32 v17, v16;
	v17 =	vadd.f32 v19, v18;
	v18 =	vld [tilespmem:s31+$0xB0]  }
0x28d: {  	v57 =	vsub.f32 v10, v23;
	v58 =	vsub.f32 v12, v24  }
0x28e: {  	v56 =	vsub.f32 v12, v22;
	v59 =	vsub.f32 v10, v25  }
0x28f: {  	v60 =	vsub.f32 v11, v26;
	v22 =	vmul.f32 v57, v57;
	v23 =	vmul.f32 v58, v58  }
0x290: {  	v24 =	vmul.f32 v59, v59;
	v19 =	vsub.f32 v11, v20;
	v20 =	vsub.f32 v11, v21  }
0x291: {  	v62 =	vmul.f32 v60, v60;
	v21 =	vmul.f32 v56, v56;
	v18 =	vsub.f32 v11, v18  }
0x292: {  	v19 =	vmul.f32 v19, v19;
	v20 =	vmul.f32 v20, v20  }
0x293: {  	v61 =	vadd.f32 v24, v23;
	v21 =	vadd.f32 v22, v21;
	v63 =	vmul.f32 v18, v18  }
0x294: {  	v19 =	vadd.f32 v19, v16;
	v18 =	vadd.f32 v20, v17  }
0x295: {  	v17 =	vadd.f32 v62, v21;
	v16 =	vadd.f32 v63, v61;
	_ =	sdelay $0x1  }
0x296: {  	v20 =	vmin.f32 v19, v18;
	v21 =	vmin.f32 v17, v16  }
0x297: {  	v20 =	vmin.f32 v20, v21  }
0x298: {  	vm0 =	vlt.f32 v20, v15  }
0x299: {  	v20 =	vmpcnt.ones.xlane vm0;
	_ =	sdelay $0x1  }
0x29a: {  	(v2sf) =	vpush v20, $0x0;
	_ =	sdelay $0xe  }
0x29b: {  	s6 =	spop (v2sf)  }
0x29c: {  	p0 =	slt.s32 s6, $0x1  }
.Ltmp12:
0x29d: {  	_ = 	snop;
	(pc) =	sbr.rel @p0 .LBB2_18-.Ltmp12, $1  }
0x29e: {  	_ =	sdelay $0x3  }
0x29f: {  	vm0 =	vlt.f32 v19, v15  }
0x2a0: {  	v20 =	vmpcnt.ones.xlane vm0;
	_ =	sdelay $0x1  }
0x2a1: {  	(v2sf) =	vpush v20, $0x0;
	_ =	sdelay $0xe  }
0x2a2: {  	s6 =	spop (v2sf)  }
0x2a3: {  	p1 =	slt.s32 s6, $0x1  }
0x2a4: {  	s6 =	sadd.s32 $0xFFFFFF10, s30;
	v20 =	vlaneseq.u32 @!p1  }
0x2a5: {  	v21 =	vor.u32 @!p1 s6, v20  }
0x2a6: {  	(xrf1) =	vsort.ascd.msk.f32 @!p1 $0xffff, v19, v21;
	_ =	sdelay $0xb  }
0x2a7: {  	v19 =	vmul.u32 @!p1 $0xFFFFFFFF, v20;
	_ =	sdelay $0x1  }
0x2a8: {  	v19 =	vadd.s32 @!p1 $0xF, v19;
	v20, v21, _ =	vpop @!p1 (xrf1)  }
0x2a9: {  	v20 =	vperm.xlane @!p1 v20, v19  }
0x2aa: {  	v19 =	vperm.xlane @!p1 v21, v19  }
0x2ab: {  	vm0 =	vle.f32 @!p1 v14, v20  }
0x2ac: {  	v20 =	vsel @!p1 vm0, v14, v20;
	v19 =	vsel @!p1 vm0, v13, v19  }
0x2ad: {  	(xrf1) =	vsort.ascd.msk.f32 @!p1 $0xffff, v20, v19;
	_ =	sdelay $0xd  }
0x2ae: {  	v21 =	vimm.s32 @!p1 $0xF;
	v19, v20, _ =	vpop @!p1 (xrf1)  }
0x2af: {  	v21 =	vperm.xlane @!p1 v19, v21;
	_ =	sdelay $0x1  }
0x2b0: {  	v15 =	vpsel p1, v15, v21  }
0x2b1: {  	vm13 =	vlt.f32 v18, v15  }
0x2b2: {  	v61 =	vmpcnt.ones.xlane vm13;
	_ =	sdelay $0x1  }
0x2b3: {  	(v2sf) =	vpush v61, $0x0;
	_ =	sdelay $0xe  }
0x2b4: {  	s7 =	spop (v2sf)  }
0x2b5: {  	p0 =	slt.s32 s7, $0x1  }
0x2b6: {  	s6 =	sadd.s32 $0xFFFFFF20, s30;
	v21 =	vlaneseq.u32 @!p0  }
0x2b7: {  	v22 =	vor.u32 @!p0 s6, v21  }
0x2b8: {  	(xrf1) =	vsort.ascd.msk.f32 @!p0 $0xffff, v18, v22;
	_ =	sdelay $0xb  }
0x2b9: {  	v18 =	vmul.u32 @!p0 $0xFFFFFFFF, v21;
	_ =	sdelay $0x1  }
0x2ba: {  	v18 =	vadd.s32 @!p0 $0xF, v18;
	v21, v22, _ =	vpop @!p0 (xrf1)  }
0x2bb: {  	v21 =	vperm.xlane @!p0 v21, v18  }
0x2bc: {  	v14 =	vpsel p1, v14, v19;
	v18 =	vperm.xlane @!p0 v22, v18  }
0x2bd: {  	v13 =	vpsel p1, v13, v20;
	vm0 =	vle.f32 @!p0 v14, v21  }
0x2be: {  	v19 =	vsel @!p0 vm0, v14, v21;
	v18 =	vsel @!p0 vm0, v13, v18  }
0x2bf: {  	(xrf1) =	vsort.ascd.msk.f32 @!p0 $0xffff, v19, v18;
	_ =	sdelay $0xd  }
0x2c0: {  	v20 =	vimm.s32 @!p0 $0xF;
	v18, v19, _ =	vpop @!p0 (xrf1)  }
0x2c1: {  	v20 =	vperm.xlane @!p0 v18, v20;
	_ =	sdelay $0x1  }
0x2c2: {  	v15 =	vpsel p0, v15, v20  }
0x2c3: {  	vm14 =	vlt.f32 v17, v15  }
0x2c4: {  	v62 =	vmpcnt.ones.xlane vm14;
	_ =	sdelay $0x1  }
0x2c5: {  	(v2sf) =	vpush v62, $0x0;
	_ =	sdelay $0xe  }
0x2c6: {  	s8 =	spop (v2sf)  }
0x2c7: {  	p1 =	slt.s32 s8, $0x1  }
0x2c8: {  	s6 =	sadd.s32 $0xFFFFFF30, s30;
	v20 =	vlaneseq.u32 @!p1  }
0x2c9: {  	v21 =	vor.u32 @!p1 s6, v20  }
0x2ca: {  	(xrf1) =	vsort.ascd.msk.f32 @!p1 $0xffff, v17, v21;
	_ =	sdelay $0xb  }
0x2cb: {  	v17 =	vmul.u32 @!p1 $0xFFFFFFFF, v20;
	_ =	sdelay $0x1  }
0x2cc: {  	v17 =	vadd.s32 @!p1 $0xF, v17;
	v20, v21, _ =	vpop @!p1 (xrf1)  }
0x2cd: {  	v20 =	vperm.xlane @!p1 v20, v17  }
0x2ce: {  	v14 =	vpsel p0, v14, v18;
	v17 =	vperm.xlane @!p1 v21, v17  }
0x2cf: {  	v13 =	vpsel p0, v13, v19;
	vm0 =	vle.f32 @!p1 v14, v20  }
0x2d0: {  	v18 =	vsel @!p1 vm0, v14, v20;
	v17 =	vsel @!p1 vm0, v13, v17  }
0x2d1: {  	(xrf1) =	vsort.ascd.msk.f32 @!p1 $0xffff, v18, v17;
	_ =	sdelay $0xd  }
0x2d2: {  	v19 =	vimm.s32 @!p1 $0xF;
	v17, v18, _ =	vpop @!p1 (xrf1)  }
0x2d3: {  	v19 =	vperm.xlane @!p1 v17, v19;
	_ =	sdelay $0x1  }
0x2d4: {  	v15 =	vpsel p1, v15, v19  }
0x2d5: {  	vm15 =	vlt.f32 v16, v15  }
0x2d6: {  	v63 =	vmpcnt.ones.xlane vm15;
	_ =	sdelay $0x1  }
0x2d7: {  	(v2sf) =	vpush v63, $0x0;
	_ =	sdelay $0xe  }
0x2d8: {  	s9 =	spop (v2sf)  }
0x2d9: {  	p0 =	slt.s32 s9, $0x1  }
0x2da: {  	s6 =	sadd.s32 $0xFFFFFF40, s30;
	v19 =	vlaneseq.u32 @!p0  }
0x2db: {  	v20 =	vor.u32 @!p0 s6, v19  }
0x2dc: {  	(xrf1) =	vsort.ascd.msk.f32 @!p0 $0xffff, v16, v20;
	_ =	sdelay $0xb  }
0x2dd: {  	v16 =	vmul.u32 @!p0 $0xFFFFFFFF, v19;
	_ =	sdelay $0x1  }
0x2de: {  	v16 =	vadd.s32 @!p0 $0xF, v16;
	v19, v20, _ =	vpop @!p0 (xrf1)  }
0x2df: {  	v19 =	vperm.xlane @!p0 v19, v16  }
0x2e0: {  	v14 =	vpsel p1, v14, v17;
	v16 =	vperm.xlane @!p0 v20, v16  }
0x2e1: {  	v13 =	vpsel p1, v13, v18;
	vm0 =	vle.f32 @!p0 v14, v19  }
0x2e2: {  	v17 =	vsel @!p0 vm0, v14, v19;
	v16 =	vsel @!p0 vm0, v13, v16  }
0x2e3: {  	(xrf1) =	vsort.ascd.msk.f32 @!p0 $0xffff, v17, v16;
	_ =	sdelay $0xd  }
0x2e4: {  	v18 =	vimm.s32 @!p0 $0xF;
	v16, v17, _ =	vpop @!p0 (xrf1)  }
0x2e5: {  	v18 =	vperm.xlane @!p0 v16, v18;
	_ =	sdelay $0x1  }
0x2e6: {  	v14 =	vpsel p0, v14, v16;
	v13 =	vpsel p0, v13, v17;
	v15 =	vpsel p0, v15, v18  }
.LBB2_18:
0x2e7: {  	v16 =	vld [tilespmem:s5+$0xC0]  }
0x2e8: {  	v17 =	vld [tilespmem:s4+$0xC0]  }
0x2e9: {  	v18 =	vld [tilespmem:s5+$0xD0]  }
0x2ea: {  	v19 =	vld [tilespmem:s4+$0xD0];
	_ =	sdelay $0x1  }
0x2eb: {  	v20 =	vld [tilespmem:s31+$0xC0]  }
0x2ec: {  	v22 =	vld [tilespmem:s5+$0xE0]  }
0x2ed: {  	v23 =	vld [tilespmem:s4+$0xE0];
	v16 =	vsub.f32 v12, v16;
	v17 =	vsub.f32 v10, v17  }
0x2ee: {  	v24 =	vld [tilespmem:s5+$0xF0];
	v18 =	vsub.f32 v12, v18;
	v19 =	vsub.f32 v10, v19  }
0x2ef: {  	v25 =	vld [tilespmem:s4+$0xF0];
	v16 =	vmul.f32 v16, v16;
	v17 =	vmul.f32 v17, v17  }
0x2f0: {  	v26 =	vld [tilespmem:s31+$0xE0];
	v18 =	vmul.f32 v18, v18;
	v19 =	vmul.f32 v19, v19  }
0x2f1: {  	v21 =	vld [tilespmem:s31+$0xD0]  }
0x2f2: {  	v16 =	vadd.f32 v17, v16;
	v17 =	vadd.f32 v19, v18;
	v18 =	vld [tilespmem:s31+$0xF0]  }
0x2f3: {  	v57 =	vsub.f32 v10, v23;
	v58 =	vsub.f32 v12, v24  }
0x2f4: {  	v56 =	vsub.f32 v12, v22;
	v59 =	vsub.f32 v10, v25  }
0x2f5: {  	v60 =	vsub.f32 v11, v26;
	v22 =	vmul.f32 v57, v57;
	v23 =	vmul.f32 v58, v58  }
0x2f6: {  	v24 =	vmul.f32 v59, v59;
	v19 =	vsub.f32 v11, v20;
	v20 =	vsub.f32 v11, v21  }
0x2f7: {  	v62 =	vmul.f32 v60, v60;
	v21 =	vmul.f32 v56, v56;
	v18 =	vsub.f32 v11, v18  }
0x2f8: {  	v19 =	vmul.f32 v19, v19;
	v20 =	vmul.f32 v20, v20  }
0x2f9: {  	v61 =	vadd.f32 v24, v23;
	v21 =	vadd.f32 v22, v21;
	v63 =	vmul.f32 v18, v18  }
0x2fa: {  	v19 =	vadd.f32 v19, v16;
	v18 =	vadd.f32 v20, v17  }
0x2fb: {  	v17 =	vadd.f32 v62, v21;
	v16 =	vadd.f32 v63, v61;
	_ =	sdelay $0x1  }
0x2fc: {  	v20 =	vmin.f32 v19, v18;
	v21 =	vmin.f32 v17, v16  }
0x2fd: {  	v20 =	vmin.f32 v20, v21  }
0x2fe: {  	vm0 =	vlt.f32 v20, v15  }
0x2ff: {  	v20 =	vmpcnt.ones.xlane vm0;
	_ =	sdelay $0x1  }
0x300: {  	(v2sf) =	vpush v20, $0x0;
	_ =	sdelay $0xe  }
0x301: {  	s6 =	spop (v2sf)  }
0x302: {  	p0 =	slt.s32 s6, $0x1  }
.Ltmp13:
0x303: {  	_ = 	snop;
	(pc) =	sbr.rel @p0 .LBB2_20-.Ltmp13, $1  }
0x304: {  	_ =	sdelay $0x3  }
0x305: {  	vm0 =	vlt.f32 v19, v15  }
0x306: {  	v20 =	vmpcnt.ones.xlane vm0;
	_ =	sdelay $0x1  }
0x307: {  	(v2sf) =	vpush v20, $0x0;
	_ =	sdelay $0xe  }
0x308: {  	s6 =	spop (v2sf)  }
0x309: {  	p1 =	slt.s32 s6, $0x1  }
0x30a: {  	s6 =	sadd.s32 $0xFFFFFF50, s30;
	v20 =	vlaneseq.u32 @!p1  }
0x30b: {  	v21 =	vor.u32 @!p1 s6, v20  }
0x30c: {  	(xrf1) =	vsort.ascd.msk.f32 @!p1 $0xffff, v19, v21;
	_ =	sdelay $0xb  }
0x30d: {  	v19 =	vmul.u32 @!p1 $0xFFFFFFFF, v20;
	_ =	sdelay $0x1  }
0x30e: {  	v19 =	vadd.s32 @!p1 $0xF, v19;
	v20, v21, _ =	vpop @!p1 (xrf1)  }
0x30f: {  	v20 =	vperm.xlane @!p1 v20, v19  }
0x310: {  	v19 =	vperm.xlane @!p1 v21, v19  }
0x311: {  	vm0 =	vle.f32 @!p1 v14, v20  }
0x312: {  	v20 =	vsel @!p1 vm0, v14, v20;
	v19 =	vsel @!p1 vm0, v13, v19  }
0x313: {  	(xrf1) =	vsort.ascd.msk.f32 @!p1 $0xffff, v20, v19;
	_ =	sdelay $0xd  }
0x314: {  	v21 =	vimm.s32 @!p1 $0xF;
	v19, v20, _ =	vpop @!p1 (xrf1)  }
0x315: {  	v21 =	vperm.xlane @!p1 v19, v21;
	_ =	sdelay $0x1  }
0x316: {  	v15 =	vpsel p1, v15, v21  }
0x317: {  	vm13 =	vlt.f32 v18, v15  }
0x318: {  	v61 =	vmpcnt.ones.xlane vm13;
	_ =	sdelay $0x1  }
0x319: {  	(v2sf) =	vpush v61, $0x0;
	_ =	sdelay $0xe  }
0x31a: {  	s7 =	spop (v2sf)  }
0x31b: {  	p0 =	slt.s32 s7, $0x1  }
0x31c: {  	s6 =	sadd.s32 $0xFFFFFF60, s30;
	v21 =	vlaneseq.u32 @!p0  }
0x31d: {  	v22 =	vor.u32 @!p0 s6, v21  }
0x31e: {  	(xrf1) =	vsort.ascd.msk.f32 @!p0 $0xffff, v18, v22;
	_ =	sdelay $0xb  }
0x31f: {  	v18 =	vmul.u32 @!p0 $0xFFFFFFFF, v21;
	_ =	sdelay $0x1  }
0x320: {  	v18 =	vadd.s32 @!p0 $0xF, v18;
	v21, v22, _ =	vpop @!p0 (xrf1)  }
0x321: {  	v21 =	vperm.xlane @!p0 v21, v18  }
0x322: {  	v14 =	vpsel p1, v14, v19;
	v18 =	vperm.xlane @!p0 v22, v18  }
0x323: {  	v13 =	vpsel p1, v13, v20;
	vm0 =	vle.f32 @!p0 v14, v21  }
0x324: {  	v19 =	vsel @!p0 vm0, v14, v21;
	v18 =	vsel @!p0 vm0, v13, v18  }
0x325: {  	(xrf1) =	vsort.ascd.msk.f32 @!p0 $0xffff, v19, v18;
	_ =	sdelay $0xd  }
0x326: {  	v20 =	vimm.s32 @!p0 $0xF;
	v18, v19, _ =	vpop @!p0 (xrf1)  }
0x327: {  	v20 =	vperm.xlane @!p0 v18, v20;
	_ =	sdelay $0x1  }
0x328: {  	v15 =	vpsel p0, v15, v20  }
0x329: {  	vm14 =	vlt.f32 v17, v15  }
0x32a: {  	v62 =	vmpcnt.ones.xlane vm14;
	_ =	sdelay $0x1  }
0x32b: {  	(v2sf) =	vpush v62, $0x0;
	_ =	sdelay $0xe  }
0x32c: {  	s8 =	spop (v2sf)  }
0x32d: {  	p1 =	slt.s32 s8, $0x1  }
0x32e: {  	s6 =	sadd.s32 $0xFFFFFF70, s30;
	v20 =	vlaneseq.u32 @!p1  }
0x32f: {  	v21 =	vor.u32 @!p1 s6, v20  }
0x330: {  	(xrf1) =	vsort.ascd.msk.f32 @!p1 $0xffff, v17, v21;
	_ =	sdelay $0xb  }
0x331: {  	v17 =	vmul.u32 @!p1 $0xFFFFFFFF, v20;
	_ =	sdelay $0x1  }
0x332: {  	v17 =	vadd.s32 @!p1 $0xF, v17;
	v20, v21, _ =	vpop @!p1 (xrf1)  }
0x333: {  	v20 =	vperm.xlane @!p1 v20, v17  }
0x334: {  	v14 =	vpsel p0, v14, v18;
	v17 =	vperm.xlane @!p1 v21, v17  }
0x335: {  	v13 =	vpsel p0, v13, v19;
	vm0 =	vle.f32 @!p1 v14, v20  }
0x336: {  	v18 =	vsel @!p1 vm0, v14, v20;
	v17 =	vsel @!p1 vm0, v13, v17  }
0x337: {  	(xrf1) =	vsort.ascd.msk.f32 @!p1 $0xffff, v18, v17;
	_ =	sdelay $0xd  }
0x338: {  	v19 =	vimm.s32 @!p1 $0xF;
	v17, v18, _ =	vpop @!p1 (xrf1)  }
0x339: {  	v19 =	vperm.xlane @!p1 v17, v19;
	_ =	sdelay $0x1  }
0x33a: {  	v15 =	vpsel p1, v15, v19  }
0x33b: {  	vm15 =	vlt.f32 v16, v15  }
0x33c: {  	v63 =	vmpcnt.ones.xlane vm15;
	_ =	sdelay $0x1  }
0x33d: {  	(v2sf) =	vpush v63, $0x0;
	_ =	sdelay $0xe  }
0x33e: {  	s9 =	spop (v2sf)  }
0x33f: {  	p0 =	slt.s32 s9, $0x1  }
0x340: {  	s6 =	sadd.s32 $0xFFFFFF80, s30;
	v19 =	vlaneseq.u32 @!p0  }
0x341: {  	v20 =	vor.u32 @!p0 s6, v19  }
0x342: {  	(xrf1) =	vsort.ascd.msk.f32 @!p0 $0xffff, v16, v20;
	_ =	sdelay $0xb  }
0x343: {  	v16 =	vmul.u32 @!p0 $0xFFFFFFFF, v19;
	_ =	sdelay $0x1  }
0x344: {  	v16 =	vadd.s32 @!p0 $0xF, v16;
	v19, v20, _ =	vpop @!p0 (xrf1)  }
0x345: {  	v19 =	vperm.xlane @!p0 v19, v16  }
0x346: {  	v14 =	vpsel p1, v14, v17;
	v16 =	vperm.xlane @!p0 v20, v16  }
0x347: {  	v13 =	vpsel p1, v13, v18;
	vm0 =	vle.f32 @!p0 v14, v19  }
0x348: {  	v17 =	vsel @!p0 vm0, v14, v19;
	v16 =	vsel @!p0 vm0, v13, v16  }
0x349: {  	(xrf1) =	vsort.ascd.msk.f32 @!p0 $0xffff, v17, v16;
	_ =	sdelay $0xd  }
0x34a: {  	v18 =	vimm.s32 @!p0 $0xF;
	v16, v17, _ =	vpop @!p0 (xrf1)  }
0x34b: {  	v18 =	vperm.xlane @!p0 v16, v18;
	_ =	sdelay $0x1  }
0x34c: {  	v14 =	vpsel p0, v14, v16;
	v13 =	vpsel p0, v13, v17;
	v15 =	vpsel p0, v15, v18  }
.LBB2_20:
0x34d: {  	v16 =	vld [tilespmem:s5+$0x100]  }
0x34e: {  	v17 =	vld [tilespmem:s4+$0x100]  }
0x34f: {  	v18 =	vld [tilespmem:s5+$0x110]  }
0x350: {  	v19 =	vld [tilespmem:s4+$0x110];
	_ =	sdelay $0x1  }
0x351: {  	v20 =	vld [tilespmem:s31+$0x100]  }
0x352: {  	v22 =	vld [tilespmem:s5+$0x120]  }
0x353: {  	v23 =	vld [tilespmem:s4+$0x120];
	v16 =	vsub.f32 v12, v16;
	v17 =	vsub.f32 v10, v17  }
0x354: {  	v24 =	vld [tilespmem:s5+$0x130];
	v18 =	vsub.f32 v12, v18;
	v19 =	vsub.f32 v10, v19  }
0x355: {  	v25 =	vld [tilespmem:s4+$0x130];
	v16 =	vmul.f32 v16, v16;
	v17 =	vmul.f32 v17, v17  }
0x356: {  	v26 =	vld [tilespmem:s31+$0x120];
	v18 =	vmul.f32 v18, v18;
	v19 =	vmul.f32 v19, v19  }
0x357: {  	v21 =	vld [tilespmem:s31+$0x110]  }
0x358: {  	v16 =	vadd.f32 v17, v16;
	v17 =	vadd.f32 v19, v18;
	v18 =	vld [tilespmem:s31+$0x130]  }
0x359: {  	v57 =	vsub.f32 v10, v23;
	v58 =	vsub.f32 v12, v24  }
0x35a: {  	v56 =	vsub.f32 v12, v22;
	v59 =	vsub.f32 v10, v25  }
0x35b: {  	v60 =	vsub.f32 v11, v26;
	v22 =	vmul.f32 v57, v57;
	v23 =	vmul.f32 v58, v58  }
0x35c: {  	v24 =	vmul.f32 v59, v59;
	v19 =	vsub.f32 v11, v20;
	v20 =	vsub.f32 v11, v21  }
0x35d: {  	v62 =	vmul.f32 v60, v60;
	v21 =	vmul.f32 v56, v56;
	v18 =	vsub.f32 v11, v18  }
0x35e: {  	v19 =	vmul.f32 v19, v19;
	v20 =	vmul.f32 v20, v20  }
0x35f: {  	v61 =	vadd.f32 v24, v23;
	v21 =	vadd.f32 v22, v21;
	v63 =	vmul.f32 v18, v18  }
0x360: {  	v19 =	vadd.f32 v19, v16;
	v18 =	vadd.f32 v20, v17  }
0x361: {  	v17 =	vadd.f32 v62, v21;
	v16 =	vadd.f32 v63, v61;
	_ =	sdelay $0x1  }
0x362: {  	v20 =	vmin.f32 v19, v18;
	v21 =	vmin.f32 v17, v16  }
0x363: {  	v20 =	vmin.f32 v20, v21  }
0x364: {  	vm0 =	vlt.f32 v20, v15  }
0x365: {  	v20 =	vmpcnt.ones.xlane vm0;
	_ =	sdelay $0x1  }
0x366: {  	(v2sf) =	vpush v20, $0x0;
	_ =	sdelay $0xe  }
0x367: {  	s6 =	spop (v2sf)  }
0x368: {  	p0 =	slt.s32 s6, $0x1  }
.Ltmp14:
0x369: {  	_ = 	snop;
	(pc) =	sbr.rel @p0 .LBB2_22-.Ltmp14, $1  }
0x36a: {  	_ =	sdelay $0x3  }
0x36b: {  	vm0 =	vlt.f32 v19, v15  }
0x36c: {  	v20 =	vmpcnt.ones.xlane vm0;
	_ =	sdelay $0x1  }
0x36d: {  	(v2sf) =	vpush v20, $0x0;
	_ =	sdelay $0xe  }
0x36e: {  	s6 =	spop (v2sf)  }
0x36f: {  	p1 =	slt.s32 s6, $0x1  }
0x370: {  	s6 =	sadd.s32 $0xFFFFFF90, s30;
	v20 =	vlaneseq.u32 @!p1  }
0x371: {  	v21 =	vor.u32 @!p1 s6, v20  }
0x372: {  	(xrf1) =	vsort.ascd.msk.f32 @!p1 $0xffff, v19, v21;
	_ =	sdelay $0xb  }
0x373: {  	v19 =	vmul.u32 @!p1 $0xFFFFFFFF, v20;
	_ =	sdelay $0x1  }
0x374: {  	v19 =	vadd.s32 @!p1 $0xF, v19;
	v20, v21, _ =	vpop @!p1 (xrf1)  }
0x375: {  	v20 =	vperm.xlane @!p1 v20, v19  }
0x376: {  	v19 =	vperm.xlane @!p1 v21, v19  }
0x377: {  	vm0 =	vle.f32 @!p1 v14, v20  }
0x378: {  	v20 =	vsel @!p1 vm0, v14, v20;
	v19 =	vsel @!p1 vm0, v13, v19  }
0x379: {  	(xrf1) =	vsort.ascd.msk.f32 @!p1 $0xffff, v20, v19;
	_ =	sdelay $0xd  }
0x37a: {  	v21 =	vimm.s32 @!p1 $0xF;
	v19, v20, _ =	vpop @!p1 (xrf1)  }
0x37b: {  	v21 =	vperm.xlane @!p1 v19, v21;
	_ =	sdelay $0x1  }
0x37c: {  	v15 =	vpsel p1, v15, v21  }
0x37d: {  	vm13 =	vlt.f32 v18, v15  }
0x37e: {  	v61 =	vmpcnt.ones.xlane vm13;
	_ =	sdelay $0x1  }
0x37f: {  	(v2sf) =	vpush v61, $0x0;
	_ =	sdelay $0xe  }
0x380: {  	s7 =	spop (v2sf)  }
0x381: {  	p0 =	slt.s32 s7, $0x1  }
0x382: {  	s6 =	sadd.s32 $0xFFFFFFA0, s30;
	v21 =	vlaneseq.u32 @!p0  }
0x383: {  	v22 =	vor.u32 @!p0 s6, v21  }
0x384: {  	(xrf1) =	vsort.ascd.msk.f32 @!p0 $0xffff, v18, v22;
	_ =	sdelay $0xb  }
0x385: {  	v18 =	vmul.u32 @!p0 $0xFFFFFFFF, v21;
	_ =	sdelay $0x1  }
0x386: {  	v18 =	vadd.s32 @!p0 $0xF, v18;
	v21, v22, _ =	vpop @!p0 (xrf1)  }
0x387: {  	v21 =	vperm.xlane @!p0 v21, v18  }
0x388: {  	v14 =	vpsel p1, v14, v19;
	v18 =	vperm.xlane @!p0 v22, v18  }
0x389: {  	v13 =	vpsel p1, v13, v20;
	vm0 =	vle.f32 @!p0 v14, v21  }
0x38a: {  	v19 =	vsel @!p0 vm0, v14, v21;
	v18 =	vsel @!p0 vm0, v13, v18  }
0x38b: {  	(xrf1) =	vsort.ascd.msk.f32 @!p0 $0xffff, v19, v18;
	_ =	sdelay $0xd  }
0x38c: {  	v20 =	vimm.s32 @!p0 $0xF;
	v18, v19, _ =	vpop @!p0 (xrf1)  }
0x38d: {  	v20 =	vperm.xlane @!p0 v18, v20;
	_ =	sdelay $0x1  }
0x38e: {  	v15 =	vpsel p0, v15, v20  }
0x38f: {  	vm14 =	vlt.f32 v17, v15  }
0x390: {  	v62 =	vmpcnt.ones.xlane vm14;
	_ =	sdelay $0x1  }
0x391: {  	(v2sf) =	vpush v62, $0x0;
	_ =	sdelay $0xe  }
0x392: {  	s8 =	spop (v2sf)  }
0x393: {  	p1 =	slt.s32 s8, $0x1  }
0x394: {  	s6 =	sadd.s32 $0xFFFFFFB0, s30;
	v20 =	vlaneseq.u32 @!p1  }
0x395: {  	v21 =	vor.u32 @!p1 s6, v20  }
0x396: {  	(xrf1) =	vsort.ascd.msk.f32 @!p1 $0xffff, v17, v21;
	_ =	sdelay $0xb  }
0x397: {  	v17 =	vmul.u32 @!p1 $0xFFFFFFFF, v20;
	_ =	sdelay $0x1  }
0x398: {  	v17 =	vadd.s32 @!p1 $0xF, v17;
	v20, v21, _ =	vpop @!p1 (xrf1)  }
0x399: {  	v20 =	vperm.xlane @!p1 v20, v17  }
0x39a: {  	v14 =	vpsel p0, v14, v18;
	v17 =	vperm.xlane @!p1 v21, v17  }
0x39b: {  	v13 =	vpsel p0, v13, v19;
	vm0 =	vle.f32 @!p1 v14, v20  }
0x39c: {  	v18 =	vsel @!p1 vm0, v14, v20;
	v17 =	vsel @!p1 vm0, v13, v17  }
0x39d: {  	(xrf1) =	vsort.ascd.msk.f32 @!p1 $0xffff, v18, v17;
	_ =	sdelay $0xd  }
0x39e: {  	v19 =	vimm.s32 @!p1 $0xF;
	v17, v18, _ =	vpop @!p1 (xrf1)  }
0x39f: {  	v19 =	vperm.xlane @!p1 v17, v19;
	_ =	sdelay $0x1  }
0x3a0: {  	v15 =	vpsel p1, v15, v19  }
0x3a1: {  	vm15 =	vlt.f32 v16, v15  }
0x3a2: {  	v63 =	vmpcnt.ones.xlane vm15;
	_ =	sdelay $0x1  }
0x3a3: {  	(v2sf) =	vpush v63, $0x0;
	_ =	sdelay $0xe  }
0x3a4: {  	s9 =	spop (v2sf)  }
0x3a5: {  	p0 =	slt.s32 s9, $0x1  }
0x3a6: {  	s6 =	sadd.s32 $0xFFFFFFC0, s30;
	v19 =	vlaneseq.u32 @!p0  }
0x3a7: {  	v20 =	vor.u32 @!p0 s6, v19  }
0x3a8: {  	(xrf1) =	vsort.ascd.msk.f32 @!p0 $0xffff, v16, v20;
	_ =	sdelay $0xb  }
0x3a9: {  	v16 =	vmul.u32 @!p0 $0xFFFFFFFF, v19;
	_ =	sdelay $0x1  }
0x3aa: {  	v16 =	vadd.s32 @!p0 $0xF, v16;
	v19, v20, _ =	vpop @!p0 (xrf1)  }
0x3ab: {  	v19 =	vperm.xlane @!p0 v19, v16  }
0x3ac: {  	v14 =	vpsel p1, v14, v17;
	v16 =	vperm.xlane @!p0 v20, v16  }
0x3ad: {  	v13 =	vpsel p1, v13, v18;
	vm0 =	vle.f32 @!p0 v14, v19  }
0x3ae: {  	v17 =	vsel @!p0 vm0, v14, v19;
	v16 =	vsel @!p0 vm0, v13, v16  }
0x3af: {  	(xrf1) =	vsort.ascd.msk.f32 @!p0 $0xffff, v17, v16;
	_ =	sdelay $0xd  }
0x3b0: {  	v18 =	vimm.s32 @!p0 $0xF;
	v16, v17, _ =	vpop @!p0 (xrf1)  }
0x3b1: {  	v18 =	vperm.xlane @!p0 v16, v18;
	_ =	sdelay $0x1  }
0x3b2: {  	v14 =	vpsel p0, v14, v16;
	v13 =	vpsel p0, v13, v17;
	v15 =	vpsel p0, v15, v18  }
.LBB2_22:
0x3b3: {  	v16 =	vld [tilespmem:s5+$0x140]  }
0x3b4: {  	v17 =	vld [tilespmem:s4+$0x140]  }
0x3b5: {  	v18 =	vld [tilespmem:s5+$0x150]  }
0x3b6: {  	v19 =	vld [tilespmem:s4+$0x150];
	_ =	sdelay $0x1  }
0x3b7: {  	v20 =	vld [tilespmem:s31+$0x140]  }
0x3b8: {  	v22 =	vld [tilespmem:s5+$0x160]  }
0x3b9: {  	v23 =	vld [tilespmem:s4+$0x160];
	v16 =	vsub.f32 v12, v16;
	v17 =	vsub.f32 v10, v17  }
0x3ba: {  	v24 =	vld [tilespmem:s5+$0x170];
	v18 =	vsub.f32 v12, v18;
	v19 =	vsub.f32 v10, v19  }
0x3bb: {  	v25 =	vld [tilespmem:s4+$0x170];
	v16 =	vmul.f32 v16, v16;
	v17 =	vmul.f32 v17, v17  }
0x3bc: {  	v26 =	vld [tilespmem:s31+$0x160];
	v18 =	vmul.f32 v18, v18;
	v19 =	vmul.f32 v19, v19  }
0x3bd: {  	v21 =	vld [tilespmem:s31+$0x150]  }
0x3be: {  	v16 =	vadd.f32 v17, v16;
	v17 =	vadd.f32 v19, v18;
	v18 =	vld [tilespmem:s31+$0x170]  }
0x3bf: {  	v57 =	vsub.f32 v10, v23;
	v58 =	vsub.f32 v12, v24  }
0x3c0: {  	v56 =	vsub.f32 v12, v22;
	v59 =	vsub.f32 v10, v25  }
0x3c1: {  	v60 =	vsub.f32 v11, v26;
	v22 =	vmul.f32 v57, v57;
	v23 =	vmul.f32 v58, v58  }
0x3c2: {  	v24 =	vmul.f32 v59, v59;
	v19 =	vsub.f32 v11, v20;
	v20 =	vsub.f32 v11, v21  }
0x3c3: {  	v62 =	vmul.f32 v60, v60;
	v21 =	vmul.f32 v56, v56;
	v18 =	vsub.f32 v11, v18  }
0x3c4: {  	v19 =	vmul.f32 v19, v19;
	v20 =	vmul.f32 v20, v20  }
0x3c5: {  	v61 =	vadd.f32 v24, v23;
	v21 =	vadd.f32 v22, v21;
	v63 =	vmul.f32 v18, v18  }
0x3c6: {  	v19 =	vadd.f32 v19, v16;
	v18 =	vadd.f32 v20, v17  }
0x3c7: {  	v17 =	vadd.f32 v62, v21;
	v16 =	vadd.f32 v63, v61;
	_ =	sdelay $0x1  }
0x3c8: {  	v20 =	vmin.f32 v19, v18;
	v21 =	vmin.f32 v17, v16  }
0x3c9: {  	v20 =	vmin.f32 v20, v21  }
0x3ca: {  	vm0 =	vlt.f32 v20, v15  }
0x3cb: {  	v20 =	vmpcnt.ones.xlane vm0;
	_ =	sdelay $0x1  }
0x3cc: {  	(v2sf) =	vpush v20, $0x0;
	_ =	sdelay $0xe  }
0x3cd: {  	s6 =	spop (v2sf)  }
0x3ce: {  	p0 =	slt.s32 s6, $0x1  }
.Ltmp15:
0x3cf: {  	_ = 	snop;
	(pc) =	sbr.rel @p0 .LBB2_24-.Ltmp15, $1  }
0x3d0: {  	_ =	sdelay $0x3  }
0x3d1: {  	vm0 =	vlt.f32 v19, v15  }
0x3d2: {  	v20 =	vmpcnt.ones.xlane vm0;
	_ =	sdelay $0x1  }
0x3d3: {  	(v2sf) =	vpush v20, $0x0;
	_ =	sdelay $0xe  }
0x3d4: {  	s6 =	spop (v2sf)  }
0x3d5: {  	p1 =	slt.s32 s6, $0x1  }
0x3d6: {  	s6 =	sadd.s32 $0xFFFFFFD0, s30;
	v20 =	vlaneseq.u32 @!p1  }
0x3d7: {  	v21 =	vor.u32 @!p1 s6, v20  }
0x3d8: {  	(xrf1) =	vsort.ascd.msk.f32 @!p1 $0xffff, v19, v21;
	_ =	sdelay $0xb  }
0x3d9: {  	v19 =	vmul.u32 @!p1 $0xFFFFFFFF, v20;
	_ =	sdelay $0x1  }
0x3da: {  	v19 =	vadd.s32 @!p1 $0xF, v19;
	v20, v21, _ =	vpop @!p1 (xrf1)  }
0x3db: {  	v20 =	vperm.xlane @!p1 v20, v19  }
0x3dc: {  	v19 =	vperm.xlane @!p1 v21, v19  }
0x3dd: {  	vm0 =	vle.f32 @!p1 v14, v20  }
0x3de: {  	v20 =	vsel @!p1 vm0, v14, v20;
	v19 =	vsel @!p1 vm0, v13, v19  }
0x3df: {  	(xrf1) =	vsort.ascd.msk.f32 @!p1 $0xffff, v20, v19;
	_ =	sdelay $0xd  }
0x3e0: {  	v21 =	vimm.s32 @!p1 $0xF;
	v19, v20, _ =	vpop @!p1 (xrf1)  }
0x3e1: {  	v21 =	vperm.xlane @!p1 v19, v21;
	_ =	sdelay $0x1  }
0x3e2: {  	v15 =	vpsel p1, v15, v21  }
0x3e3: {  	vm13 =	vlt.f32 v18, v15  }
0x3e4: {  	v61 =	vmpcnt.ones.xlane vm13;
	_ =	sdelay $0x1  }
0x3e5: {  	(v2sf) =	vpush v61, $0x0;
	_ =	sdelay $0xe  }
0x3e6: {  	s7 =	spop (v2sf)  }
0x3e7: {  	p0 =	slt.s32 s7, $0x1  }
0x3e8: {  	s6 =	sadd.s32 $0xFFFFFFE0, s30;
	v21 =	vlaneseq.u32 @!p0  }
0x3e9: {  	v22 =	vor.u32 @!p0 s6, v21  }
0x3ea: {  	(xrf1) =	vsort.ascd.msk.f32 @!p0 $0xffff, v18, v22;
	_ =	sdelay $0xb  }
0x3eb: {  	v18 =	vmul.u32 @!p0 $0xFFFFFFFF, v21;
	_ =	sdelay $0x1  }
0x3ec: {  	v18 =	vadd.s32 @!p0 $0xF, v18;
	v21, v22, _ =	vpop @!p0 (xrf1)  }
0x3ed: {  	v21 =	vperm.xlane @!p0 v21, v18  }
0x3ee: {  	v14 =	vpsel p1, v14, v19;
	v18 =	vperm.xlane @!p0 v22, v18  }
0x3ef: {  	v13 =	vpsel p1, v13, v20;
	vm0 =	vle.f32 @!p0 v14, v21  }
0x3f0: {  	v19 =	vsel @!p0 vm0, v14, v21;
	v18 =	vsel @!p0 vm0, v13, v18  }
0x3f1: {  	(xrf1) =	vsort.ascd.msk.f32 @!p0 $0xffff, v19, v18;
	_ =	sdelay $0xd  }
0x3f2: {  	v20 =	vimm.s32 @!p0 $0xF;
	v18, v19, _ =	vpop @!p0 (xrf1)  }
0x3f3: {  	v20 =	vperm.xlane @!p0 v18, v20;
	_ =	sdelay $0x1  }
0x3f4: {  	v15 =	vpsel p0, v15, v20  }
0x3f5: {  	vm14 =	vlt.f32 v17, v15  }
0x3f6: {  	v62 =	vmpcnt.ones.xlane vm14;
	_ =	sdelay $0x1  }
0x3f7: {  	(v2sf) =	vpush v62, $0x0;
	_ =	sdelay $0xe  }
0x3f8: {  	s8 =	spop (v2sf)  }
0x3f9: {  	p1 =	slt.s32 s8, $0x1  }
0x3fa: {  	s6 =	sadd.s32 $0xFFFFFFF0, s30;
	v20 =	vlaneseq.u32 @!p1  }
0x3fb: {  	v21 =	vor.u32 @!p1 s6, v20  }
0x3fc: {  	(xrf1) =	vsort.ascd.msk.f32 @!p1 $0xffff, v17, v21;
	_ =	sdelay $0xb  }
0x3fd: {  	v17 =	vmul.u32 @!p1 $0xFFFFFFFF, v20;
	_ =	sdelay $0x1  }
0x3fe: {  	v17 =	vadd.s32 @!p1 $0xF, v17;
	v20, v21, _ =	vpop @!p1 (xrf1)  }
0x3ff: {  	v20 =	vperm.xlane @!p1 v20, v17  }
0x400: {  	v14 =	vpsel p0, v14, v18;
	v17 =	vperm.xlane @!p1 v21, v17  }
0x401: {  	v13 =	vpsel p0, v13, v19;
	vm0 =	vle.f32 @!p1 v14, v20  }
0x402: {  	v18 =	vsel @!p1 vm0, v14, v20;
	v17 =	vsel @!p1 vm0, v13, v17  }
0x403: {  	(xrf1) =	vsort.ascd.msk.f32 @!p1 $0xffff, v18, v17;
	_ =	sdelay $0xd  }
0x404: {  	v19 =	vimm.s32 @!p1 $0xF;
	v17, v18, _ =	vpop @!p1 (xrf1)  }
0x405: {  	v19 =	vperm.xlane @!p1 v17, v19;
	_ =	sdelay $0x1  }
0x406: {  	v15 =	vpsel p1, v15, v19  }
0x407: {  	vm15 =	vlt.f32 v16, v15  }
0x408: {  	v63 =	vmpcnt.ones.xlane vm15;
	_ =	sdelay $0x1  }
0x409: {  	(v2sf) =	vpush v63, $0x0;
	_ =	sdelay $0xe  }
0x40a: {  	s9 =	spop (v2sf)  }
0x40b: {  	p0 =	slt.s32 s9, $0x1  }
0x40c: {  	v19 =	vlaneseq.u32 @!p0  }
0x40d: {  	v20 =	vor.u32 @!p0 s30, v19  }
0x40e: {  	(xrf1) =	vsort.ascd.msk.f32 @!p0 $0xffff, v16, v20;
	_ =	sdelay $0xb  }
0x40f: {  	v16 =	vmul.u32 @!p0 $0xFFFFFFFF, v19;
	_ =	sdelay $0x1  }
0x410: {  	v16 =	vadd.s32 @!p0 $0xF, v16;
	v19, v20, _ =	vpop @!p0 (xrf1)  }
0x411: {  	v19 =	vperm.xlane @!p0 v19, v16  }
0x412: {  	v14 =	vpsel p1, v14, v17;
	v16 =	vperm.xlane @!p0 v20, v16  }
0x413: {  	v13 =	vpsel p1, v13, v18;
	vm0 =	vle.f32 @!p0 v14, v19  }
0x414: {  	v17 =	vsel @!p0 vm0, v14, v19;
	v16 =	vsel @!p0 vm0, v13, v16  }
0x415: {  	(xrf1) =	vsort.ascd.msk.f32 @!p0 $0xffff, v17, v16;
	_ =	sdelay $0xc  }
.Ltmp16:
0x416: {  	_ = 	snop;
	(pc) =	sbr.rel .LBB2_24-.Ltmp16, $3  }
0x417: {  	v18 =	vimm.s32 @!p0 $0xF;
	v16, v17, _ =	vpop @!p0 (xrf1)  }
0x418: {  	v18 =	vperm.xlane @!p0 v16, v18;
	_ =	sdelay $0x1  }
0x419: {  	v14 =	vpsel p0, v14, v16;
	v13 =	vpsel p0, v13, v17;
	v15 =	vpsel p0, v15, v18  }
.LBB2_27:
0x41a: {  	s9 =	sadd.s32 $0x40, s9  }
0x41b: {  	p0 =	sne.s32 s9, $0x4030  }
.Ltmp17:
0x41c: {  	_ = 	snop;
	(pc) =	sbr.rel @!p0 .LBB2_28-.Ltmp17, $2  }
0x41d: {  	_ =	sdelay $0x2  }
0x41e: {  	s7 =	sadd.s32 $0x40, s7;
	s8 =	sadd.s32 $0x40, s8;
	s6 =	sadd.s32 $0x40, s6  }
.LBB2_25:
0x41f: {  	v16 =	vld [tilespmem:s6+$0xFFFFFFD0]  }
0x420: {  	v17 =	vld [tilespmem:s7+$0xFFFFFFD0]  }
0x421: {  	v18 =	vld [tilespmem:s6+$0xFFFFFFE0]  }
0x422: {  	v19 =	vld [tilespmem:s7+$0xFFFFFFE0];
	_ =	sdelay $0x1  }
0x423: {  	v20 =	vld [tilespmem:s8+$0xFFFFFFD0]  }
0x424: {  	v22 =	vld [tilespmem:s6+$0xFFFFFFF0]  }
0x425: {  	v23 =	vld [tilespmem:s7+$0xFFFFFFF0];
	v16 =	vsub.f32 v12, v16;
	v17 =	vsub.f32 v10, v17  }
0x426: {  	v24 =	vld [tilespmem:s6+$0x0];
	v18 =	vsub.f32 v12, v18;
	v19 =	vsub.f32 v10, v19  }
0x427: {  	v25 =	vld [tilespmem:s7+$0x0];
	v16 =	vmul.f32 v16, v16;
	v17 =	vmul.f32 v17, v17  }
0x428: {  	v26 =	vld [tilespmem:s8+$0xFFFFFFF0];
	v18 =	vmul.f32 v18, v18;
	v19 =	vmul.f32 v19, v19  }
0x429: {  	v21 =	vld [tilespmem:s8+$0xFFFFFFE0]  }
0x42a: {  	v16 =	vadd.f32 v17, v16;
	v17 =	vadd.f32 v19, v18;
	v18 =	vld [tilespmem:s8+$0x0]  }
0x42b: {  	v57 =	vsub.f32 v10, v23;
	v58 =	vsub.f32 v12, v24  }
0x42c: {  	v56 =	vsub.f32 v12, v22;
	v59 =	vsub.f32 v10, v25  }
0x42d: {  	v60 =	vsub.f32 v11, v26;
	v22 =	vmul.f32 v57, v57;
	v23 =	vmul.f32 v58, v58  }
0x42e: {  	v24 =	vmul.f32 v59, v59;
	v19 =	vsub.f32 v11, v20;
	v20 =	vsub.f32 v11, v21  }
0x42f: {  	v62 =	vmul.f32 v60, v60;
	v21 =	vmul.f32 v56, v56;
	v18 =	vsub.f32 v11, v18  }
0x430: {  	v19 =	vmul.f32 v19, v19;
	v20 =	vmul.f32 v20, v20  }
0x431: {  	v61 =	vadd.f32 v24, v23;
	v21 =	vadd.f32 v22, v21;
	v63 =	vmul.f32 v18, v18  }
0x432: {  	v19 =	vadd.f32 v19, v16;
	v18 =	vadd.f32 v20, v17  }
0x433: {  	v17 =	vadd.f32 v62, v21;
	v16 =	vadd.f32 v63, v61;
	_ =	sdelay $0x1  }
0x434: {  	v20 =	vmin.f32 v19, v18;
	v21 =	vmin.f32 v17, v16  }
0x435: {  	v20 =	vmin.f32 v20, v21  }
0x436: {  	vm0 =	vlt.f32 v20, v15  }
0x437: {  	v20 =	vmpcnt.ones.xlane vm0;
	_ =	sdelay $0x1  }
0x438: {  	(v2sf) =	vpush v20, $0x0;
	_ =	sdelay $0xe  }
0x439: {  	s4 =	spop (v2sf)  }
0x43a: {  	p0 =	slt.s32 s4, $0x1  }
.Ltmp18:
0x43b: {  	_ = 	snop;
	(pc) =	sbr.rel @p0 .LBB2_27-.Ltmp18, $1  }
0x43c: {  	_ =	sdelay $0x3  }
0x43d: {  	vm0 =	vlt.f32 v19, v15  }
0x43e: {  	v20 =	vmpcnt.ones.xlane vm0;
	_ =	sdelay $0x1  }
0x43f: {  	(v2sf) =	vpush v20, $0x0;
	_ =	sdelay $0xe  }
0x440: {  	s4 =	spop (v2sf)  }
0x441: {  	p1 =	slt.s32 s4, $0x1  }
0x442: {  	s4 =	sadd.s32 $0xFFFFFFD0, s9;
	v20 =	vlaneseq.u32 @!p1  }
0x443: {  	v21 =	vor.u32 @!p1 s4, v20  }
0x444: {  	(xrf1) =	vsort.ascd.msk.f32 @!p1 $0xffff, v19, v21;
	_ =	sdelay $0xb  }
0x445: {  	v19 =	vmul.u32 @!p1 $0xFFFFFFFF, v20;
	_ =	sdelay $0x1  }
0x446: {  	v19 =	vadd.s32 @!p1 $0xF, v19;
	v20, v21, _ =	vpop @!p1 (xrf1)  }
0x447: {  	v20 =	vperm.xlane @!p1 v20, v19  }
0x448: {  	v19 =	vperm.xlane @!p1 v21, v19  }
0x449: {  	vm0 =	vle.f32 @!p1 v14, v20  }
0x44a: {  	v20 =	vsel @!p1 vm0, v14, v20;
	v19 =	vsel @!p1 vm0, v13, v19  }
0x44b: {  	(xrf1) =	vsort.ascd.msk.f32 @!p1 $0xffff, v20, v19;
	_ =	sdelay $0xd  }
0x44c: {  	v21 =	vimm.s32 @!p1 $0xF;
	v19, v20, _ =	vpop @!p1 (xrf1)  }
0x44d: {  	v21 =	vperm.xlane @!p1 v19, v21;
	_ =	sdelay $0x1  }
0x44e: {  	v15 =	vpsel p1, v15, v21  }
0x44f: {  	vm13 =	vlt.f32 v18, v15  }
0x450: {  	v61 =	vmpcnt.ones.xlane vm13;
	_ =	sdelay $0x1  }
0x451: {  	(v2sf) =	vpush v61, $0x0;
	_ =	sdelay $0xe  }
0x452: {  	s29 =	spop (v2sf)  }
0x453: {  	p0 =	slt.s32 s29, $0x1  }
0x454: {  	s4 =	sadd.s32 $0xFFFFFFE0, s9;
	v21 =	vlaneseq.u32 @!p0  }
0x455: {  	v22 =	vor.u32 @!p0 s4, v21  }
0x456: {  	(xrf1) =	vsort.ascd.msk.f32 @!p0 $0xffff, v18, v22;
	_ =	sdelay $0xb  }
0x457: {  	v18 =	vmul.u32 @!p0 $0xFFFFFFFF, v21;
	_ =	sdelay $0x1  }
0x458: {  	v18 =	vadd.s32 @!p0 $0xF, v18;
	v21, v22, _ =	vpop @!p0 (xrf1)  }
0x459: {  	v21 =	vperm.xlane @!p0 v21, v18  }
0x45a: {  	v14 =	vpsel p1, v14, v19;
	v18 =	vperm.xlane @!p0 v22, v18  }
0x45b: {  	v13 =	vpsel p1, v13, v20;
	vm0 =	vle.f32 @!p0 v14, v21  }
0x45c: {  	v19 =	vsel @!p0 vm0, v14, v21;
	v18 =	vsel @!p0 vm0, v13, v18  }
0x45d: {  	(xrf1) =	vsort.ascd.msk.f32 @!p0 $0xffff, v19, v18;
	_ =	sdelay $0xd  }
0x45e: {  	v20 =	vimm.s32 @!p0 $0xF;
	v18, v19, _ =	vpop @!p0 (xrf1)  }
0x45f: {  	v20 =	vperm.xlane @!p0 v18, v20;
	_ =	sdelay $0x1  }
0x460: {  	v15 =	vpsel p0, v15, v20  }
0x461: {  	vm14 =	vlt.f32 v17, v15  }
0x462: {  	v62 =	vmpcnt.ones.xlane vm14;
	_ =	sdelay $0x1  }
0x463: {  	(v2sf) =	vpush v62, $0x0;
	_ =	sdelay $0xe  }
0x464: {  	s30 =	spop (v2sf)  }
0x465: {  	p1 =	slt.s32 s30, $0x1  }
0x466: {  	s4 =	sadd.s32 $0xFFFFFFF0, s9;
	v20 =	vlaneseq.u32 @!p1  }
0x467: {  	v21 =	vor.u32 @!p1 s4, v20  }
0x468: {  	(xrf1) =	vsort.ascd.msk.f32 @!p1 $0xffff, v17, v21;
	_ =	sdelay $0xb  }
0x469: {  	v17 =	vmul.u32 @!p1 $0xFFFFFFFF, v20;
	_ =	sdelay $0x1  }
0x46a: {  	v17 =	vadd.s32 @!p1 $0xF, v17;
	v20, v21, _ =	vpop @!p1 (xrf1)  }
0x46b: {  	v20 =	vperm.xlane @!p1 v20, v17  }
0x46c: {  	v14 =	vpsel p0, v14, v18;
	v17 =	vperm.xlane @!p1 v21, v17  }
0x46d: {  	v13 =	vpsel p0, v13, v19;
	vm0 =	vle.f32 @!p1 v14, v20  }
0x46e: {  	v18 =	vsel @!p1 vm0, v14, v20;
	v17 =	vsel @!p1 vm0, v13, v17  }
0x46f: {  	(xrf1) =	vsort.ascd.msk.f32 @!p1 $0xffff, v18, v17;
	_ =	sdelay $0xd  }
0x470: {  	v19 =	vimm.s32 @!p1 $0xF;
	v17, v18, _ =	vpop @!p1 (xrf1)  }
0x471: {  	v19 =	vperm.xlane @!p1 v17, v19;
	_ =	sdelay $0x1  }
0x472: {  	v15 =	vpsel p1, v15, v19  }
0x473: {  	vm15 =	vlt.f32 v16, v15  }
0x474: {  	v63 =	vmpcnt.ones.xlane vm15;
	_ =	sdelay $0x1  }
0x475: {  	(v2sf) =	vpush v63, $0x0;
	_ =	sdelay $0xe  }
0x476: {  	s31 =	spop (v2sf)  }
0x477: {  	p0 =	slt.s32 s31, $0x1  }
0x478: {  	v19 =	vlaneseq.u32 @!p0  }
0x479: {  	v20 =	vor.u32 @!p0 s9, v19  }
0x47a: {  	(xrf1) =	vsort.ascd.msk.f32 @!p0 $0xffff, v16, v20;
	_ =	sdelay $0xb  }
0x47b: {  	v16 =	vmul.u32 @!p0 $0xFFFFFFFF, v19;
	_ =	sdelay $0x1  }
0x47c: {  	v16 =	vadd.s32 @!p0 $0xF, v16;
	v19, v20, _ =	vpop @!p0 (xrf1)  }
0x47d: {  	v19 =	vperm.xlane @!p0 v19, v16  }
0x47e: {  	v14 =	vpsel p1, v14, v17;
	v16 =	vperm.xlane @!p0 v20, v16  }
0x47f: {  	v13 =	vpsel p1, v13, v18;
	vm0 =	vle.f32 @!p0 v14, v19  }
0x480: {  	v17 =	vsel @!p0 vm0, v14, v19;
	v16 =	vsel @!p0 vm0, v13, v16  }
0x481: {  	(xrf1) =	vsort.ascd.msk.f32 @!p0 $0xffff, v17, v16;
	_ =	sdelay $0xc  }
.Ltmp19:
0x482: {  	_ = 	snop;
	(pc) =	sbr.rel .LBB2_27-.Ltmp19, $3  }
0x483: {  	v18 =	vimm.s32 @!p0 $0xF;
	v16, v17, _ =	vpop @!p0 (xrf1)  }
0x484: {  	v18 =	vperm.xlane @!p0 v16, v18;
	_ =	sdelay $0x1  }
0x485: {  	v14 =	vpsel p0, v14, v16;
	v13 =	vpsel p0, v13, v17;
	v15 =	vpsel p0, v15, v18  }
.LBB2_2:
0x486: {  	p0 =	slt.s32 s24, $0x3F  }
0x487: {  	s0 =	smov.u32 @p1 s24;
	s24 =	simm.s32 @!p0 $0x3F  }
0x488: {  	s6 =	sadd.s32 s3, s24  }
0x489: {  	v8 =	vmov s6;
	_ =	sdelay $0x4  }
0x48a: {  	v9 =	vld.idx.msk [tilespmem:v8+s23+$0x0], $0xffff  }
0x48b: {  	v10 =	vld.idx.msk [tilespmem:v8+s22+$0x0], $0xffff  }
0x48c: {  	v11 =	vld.idx.msk [tilespmem:v8+s21+$0x0], $0xffff  }
0x48d: {  	v8 =	vld.idx.msk [tilespmem:v8+s20+$0x0], $0xffff;
	_ =	sdelay $0x1  }
0x48e: {  	(v2sf) =	vpush v9, $0x0  }
0x48f: {  	(v2sf) =	vpush v10, $0x0  }
0x490: {  	(v2sf) =	vpush v11, $0x0  }
0x491: {  	(v2sf) =	vpush v8, $0x0;
	_ =	sdelay $0xa  }
.Ltmp20:
0x492: {  	_ = 	snop;
	(pc) =	sbr.rel .LBB2_3-.Ltmp20, $4  }
0x493: {  	s28 =	spop (v2sf)  }
0x494: {  	s8 =	spop (v2sf)  }
0x495: {  	s7 =	spop (v2sf)  }
0x496: {  	s6 =	spop (v2sf)  }
.LBB2_30:
0x497: {  	_ =	sfence.sel $0x180000  }
0x498: {  	[bflag:$0x0] =	sbarrier.arrive $0xFFFF  }
0x499: {  	_ =	strace $0x90000047  }
0x49a: {  	s0 =	stileid.u32;
	[bflag:$0x2] =	sbarrier.arrive $0xFFFF  }
0x49b: {  	p0 =	sne.s32 s0, $0x0;
	s0 =	rddreg [dreg:$0x4]  }
0x49c: {  	s0 =	sadd.s32 @!p0 $0x100000, s0  }
0x49d: {  	[sflag:s0] =	ssyncadd.tile.s32 @!p0 $0x1;
	_ =	shalt  }
.Lfunc_end2:
_tile_overlayer_lowered:
.L_overlay_start_2:
0x49e: {  	(tag) =	ssettag $0x2  }
0x49f: {  	s0 =	rddreg [dreg:$0x0];
	s2 =	stileid.u32  }
0x4a0: {  	s1 =	rddreg [dreg:$0x1];
	p0 =	sne.s32 s2, $0x0  }
0x4a1: {  	s3 =	rddreg [dreg:$0x2];
	[bflag:$0x3] =	sbarrier.arrive $0xFFFF;
	s2 =	simm.s32 @!p0 $0x1C01  }
0x4a2: {  	[timem:s3], [sflag:s2] =	dma.local @!p0 [hbm:s0], s1  }
0x4a3: {  	s0 =	simm.s32 @!p0 $0x1  }
0x4a4: {  	_ =	swait.ge @!p0 [sflag:s0], s1  }
0x4a5: {  	s1 =	ssub.s32 @!p0 $0x0, s1;
	[sflag:s0] =	ssyncset.done @!p0 $0x0  }
0x4a6: {  	[sflag:s0] =	ssyncadd.s32 @!p0 s1  }
0x4a7: {  	[bflag:$0x3] =	sbarrier.arrive $0xFFFF  }
0x4a8: {  	_ =	shalt  }

</sc_bundles>
